<compile_context>
chip_gen: v7x
topology: tpu7x:2x2x1
jax: 0.10.2.dev20260603
libtpu: 0.0.44.dev20260713+nightly
codegen_flags: <defaults>
</compile_context>

<pallas_src>
import jax
import jax.numpy as jnp
from jax import lax
from jax.experimental import pallas as pl
from jax.experimental.pallas import tpu as pltpu
from jax.experimental.pallas import tpu_sc as plsc

_D = 64
_W = 2 * _D
_B = 16384
_NC = 2
_NS = 16
_NW = _NC * _NS
_BPW = _B // _NW
_CHUNK = 128
_NCHUNK = _BPW // _CHUNK
_NBUF = 2


def _tec_kernel(subj_h, rel_h, obj_h, entcat_h, relcat_h,
                out_h,
                subj_v, rel_v, obj_v,
                bufs_a, bufs_b, stage_v, out_v, sem_a, sem_b):
    wid = lax.axis_index("s") * _NC + lax.axis_index("c")
    base = wid * _BPW

    for c in range(_NCHUNK):
        pltpu.sync_copy(subj_h.at[pl.ds(base + c * _CHUNK, _CHUNK)], subj_v.at[c])
        pltpu.sync_copy(rel_h.at[pl.ds(base + c * _CHUNK, _CHUNK)], rel_v.at[c])
        pltpu.sync_copy(obj_h.at[pl.ds(base + c * _CHUNK, _CHUNK)], obj_v.at[c])

    bufs = (bufs_a, bufs_b)
    sems = (sem_a, sem_b)

    def fire(c):
        p = c % _NBUF
        s_b, o_b, r_b = bufs[p]
        sem = sems[p]
        return [
            pltpu.async_copy(entcat_h.at[subj_v.at[c]], s_b, sem),
            pltpu.async_copy(entcat_h.at[obj_v.at[c]], o_b, sem),
            pltpu.async_copy(relcat_h.at[rel_v.at[c]], r_b, sem),
        ]

    iota = lax.iota(jnp.int32, 16)
    scatter_idx = iota * _CHUNK
    descs = fire(0)

    for c in range(_NCHUNK):
        next_descs = fire(c + 1) if c + 1 < _NCHUNK else None
        for d_ in descs:
            d_.wait()
        s_b, o_b, r_b = bufs[c % _NBUF]

        def triple_body(i, _, s_b=s_b, o_b=o_b, r_b=r_b):
            acc = jnp.zeros((16,), jnp.float32)
            for k in range(_D // 16):
                re_sl = pl.ds(k * 16, 16)
                im_sl = pl.ds(_D + k * 16, 16)
                a = s_b[i, re_sl]
                b = s_b[i, im_sl]
                x = o_b[i, re_sl]
                y = o_b[i, im_sl]
                p = r_b[i, re_sl]
                q = r_b[i, im_sl]
                u = p * x + q * y
                v = p * y - q * x
                acc = acc + a * u + b * v
            plsc.store_scatter(stage_v, [scatter_idx + i], acc)
            return 0

        lax.fori_loop(0, _CHUNK, triple_body, 0)

        def group_body(g, _, c=c):
            acc = stage_v[pl.ds(g * 16, 16)]
            for k in range(1, 16):
                acc = acc + stage_v[pl.ds(k * _CHUNK + g * 16, 16)]
            out_v[pl.ds(c * _CHUNK + g * 16, 16)] = acc
            return 0

        lax.fori_loop(0, _CHUNK // 16, group_body, 0)
        descs = next_descs

    pltpu.sync_copy(out_v, out_h.at[pl.ds(base, _BPW)])


@jax.jit
def kernel(subj, rel, obj, ent_re, ent_im, rel_re, rel_im):
    entcat = jnp.concatenate([ent_re, ent_im], axis=1)
    relcat = jnp.concatenate([rel_re, rel_im], axis=1)
    mesh = plsc.VectorSubcoreMesh(core_axis_name="c", subcore_axis_name="s")
    row_buf = lambda: pltpu.VMEM((_CHUNK, _W), jnp.float32)
    run = pl.kernel(
        _tec_kernel,
        out_type=jax.ShapeDtypeStruct((_B,), jnp.float32),
        mesh=mesh,
        compiler_params=pltpu.CompilerParams(
            needs_layout_passes=False, use_tc_tiling_on_sc=True),
        scratch_types=[
            pltpu.VMEM((_NCHUNK, _CHUNK), jnp.int32),
            pltpu.VMEM((_NCHUNK, _CHUNK), jnp.int32),
            pltpu.VMEM((_NCHUNK, _CHUNK), jnp.int32),
            [row_buf() for _ in range(3)],
            [row_buf() for _ in range(3)],
            pltpu.VMEM((16 * _CHUNK,), jnp.float32),
            pltpu.VMEM((_BPW,), jnp.float32),
            pltpu.SemaphoreType.DMA,
            pltpu.SemaphoreType.DMA,
        ],
    )
    return run(subj, rel, obj, entcat, relcat)

# --- scband reference (transcript-rebuilt; emitter-appended) ---
"""Pipeline reference for scband-ncompl-ex-28252294873247 (READ-ONLY COPY).

The authoritative reference and input builder live on the scoring server;
editing this copy changes nothing except your own understanding.
"""

import jax, jax.numpy as jnp
import numpy as np

NUM_ENTITIES = 100000
NUM_RELATIONS = 1000
EMBED_DIM = 64
BATCH = 16384


def _xavier(key, shape):
    fan_in, fan_out = shape[0], shape[1]
    limit = jnp.sqrt(6.0 / (fan_in + fan_out))
    return jax.random.uniform(key, shape, dtype=jnp.float32, minval=-limit, maxval=limit)


def setup_inputs(seed: int = 0) -> dict:
    key = jax.random.key(seed)
    k1, k2, k3, k4, k5, k6, k7 = jax.random.split(key, 7)
    subj = jax.random.randint(k1, (BATCH,), 0, NUM_ENTITIES, dtype=jnp.int64 if jax.config.jax_enable_x64 else jnp.int32).astype(jnp.int32)
    rel = jax.random.randint(k2, (BATCH,), 0, NUM_RELATIONS).astype(jnp.int32)
    obj = jax.random.randint(k3, (BATCH,), 0, NUM_ENTITIES).astype(jnp.int32)
    ent_re = _xavier(k4, (NUM_ENTITIES, EMBED_DIM))
    ent_im = _xavier(k5, (NUM_ENTITIES, EMBED_DIM))
    rel_re = _xavier(k6, (NUM_RELATIONS, EMBED_DIM))
    rel_im = _xavier(k7, (NUM_RELATIONS, EMBED_DIM))
    return {
        "subj": subj,
        "rel": rel,
        "obj": obj,
        "ent_re": ent_re,
        "ent_im": ent_im,
        "rel_re": rel_re,
        "rel_im": rel_im,
    }


def reference(subj, rel, obj, ent_re, ent_im, rel_re, rel_im):
    # Embedding lookups (gathers)
    s_re = jnp.take(ent_re, subj, axis=0)
    s_im = jnp.take(ent_im, subj, axis=0)
    o_re = jnp.take(ent_re, obj, axis=0)
    o_im = jnp.take(ent_im, obj, axis=0)
    r_re = jnp.take(rel_re, rel, axis=0)
    r_im = jnp.take(rel_im, rel, axis=0)
    # ComplEx trilinear score
    score = (
        jnp.sum(s_re * r_re * o_re, axis=-1)
        + jnp.sum(s_im * r_re * o_im, axis=-1)
        + jnp.sum(s_re * r_im * o_im, axis=-1)
        - jnp.sum(s_im * r_im * o_re, axis=-1)
    )
    return score

if __name__ == "__main__":
    import jax
    _d = setup_inputs()
    print(jax.jit(kernel)(*tuple(_d.values())))

</pallas_src>

<mosaic_0001>
#map = affine_map<(d0, d1) -> (0)>
#map1 = affine_map<(d0, d1) -> (0, 0)>
module attributes {stable_mosaic.version = 14 : i64} {
  func.func @_tec_kernel(%arg0: i32, %arg1: i32, %arg2: memref<16384xi32, #tpu.memory_space<hbm>>, %arg3: memref<16384xi32, #tpu.memory_space<hbm>>, %arg4: memref<16384xi32, #tpu.memory_space<hbm>>, %arg5: memref<100000x128xf32, #tpu.memory_space<hbm>>, %arg6: memref<1000x128xf32, #tpu.memory_space<hbm>>, %arg7: memref<16384xf32, #tpu.memory_space<hbm>>, %arg8: memref<4x128xi32, #tpu.memory_space<vmem>>, %arg9: memref<4x128xi32, #tpu.memory_space<vmem>>, %arg10: memref<4x128xi32, #tpu.memory_space<vmem>>, %arg11: memref<128x128xf32, #tpu.memory_space<vmem>>, %arg12: memref<128x128xf32, #tpu.memory_space<vmem>>, %arg13: memref<128x128xf32, #tpu.memory_space<vmem>>, %arg14: memref<128x128xf32, #tpu.memory_space<vmem>>, %arg15: memref<128x128xf32, #tpu.memory_space<vmem>>, %arg16: memref<128x128xf32, #tpu.memory_space<vmem>>, %arg17: memref<2048xf32, #tpu.memory_space<vmem>>, %arg18: memref<512xf32, #tpu.memory_space<vmem>>, %arg19: memref<!tpu.dma_semaphore, #tpu.memory_space<semaphore_mem>>, %arg20: memref<!tpu.dma_semaphore, #tpu.memory_space<semaphore_mem>>) attributes {dimension_semantics = [#tpu.dimension_semantics<core_parallel>, #tpu.dimension_semantics<subcore_parallel>], iteration_bounds = array<i64: 2, 16>, scalar_prefetch = 0 : i64, scratch_operands = 13 : i64, tpu.core_type = #tpu.core_type<sc_vector_subcore>, window_params = [{transform_indices = #map}, {transform_indices = #map}, {transform_indices = #map}, {transform_indices = #map1}, {transform_indices = #map1}, {transform_indices = #map}]} {
    %mul3A = arith.constant 2 : i32
    %mul3A_0 = arith.muli %arg1, %mul3A : i32
    %add3A = arith.addi %mul3A_0, %arg0 : i32
    %mul3A_1 = arith.constant 512 : i32
    %mul3A_2 = arith.muli %add3A, %mul3A_1 : i32
    %add3A_3 = arith.constant 0 : i32
    %add3A_4 = arith.addi %mul3A_2, %add3A_3 : i32
    %run_scoped3A = arith.constant 0 : i32
    "tpu.region"() ({
      %run_scoped3A_262 = tpu.sem_alloc : memref<!tpu.dma_semaphore, #tpu.memory_space<semaphore_mem>>
      %dma_start3A_263 = arith.constant 0 : i32
      %dma_start3A_264 = tpu.memref_slice %arg8[%run_scoped3A, %dma_start3A_263] : memref<4x128xi32, #tpu.memory_space<vmem>> -> memref<1x128xi32, #tpu.memory_space<vmem>>
      %dma_start3A_265 = tpu.memref_squeeze %dma_start3A_264 : memref<1x128xi32, #tpu.memory_space<vmem>> -> memref<128xi32, #tpu.memory_space<vmem>>
      %dma_start3A_266 = tpu.memref_slice %arg2[%add3A_4] : memref<16384xi32, #tpu.memory_space<hbm>> -> memref<128xi32, #tpu.memory_space<hbm>>
      %dma_start3A_267 = arith.constant 0 : i32
      %dma_start3A_268 = tpu.memref_slice %arg8[%run_scoped3A, %dma_start3A_267] : memref<4x128xi32, #tpu.memory_space<vmem>> -> memref<1x128xi32, #tpu.memory_space<vmem>>
      %dma_start3A_269 = tpu.memref_squeeze %dma_start3A_268 : memref<1x128xi32, #tpu.memory_space<vmem>> -> memref<128xi32, #tpu.memory_space<vmem>>
      %dma_start3A_270 = tpu.memref_slice %arg2[%add3A_4] : memref<16384xi32, #tpu.memory_space<hbm>> -> memref<128xi32, #tpu.memory_space<hbm>>
      tpu.enqueue_dma source(%dma_start3A_270 : memref<128xi32, #tpu.memory_space<hbm>>) target(%dma_start3A_269 : memref<128xi32, #tpu.memory_space<vmem>>) target_semaphore(%run_scoped3A_262 : memref<!tpu.dma_semaphore, #tpu.memory_space<semaphore_mem>>)
      %dma_wait3A_271 = arith.constant 0 : i32
      %dma_wait3A_272 = tpu.memref_slice %arg8[%run_scoped3A, %dma_wait3A_271] : memref<4x128xi32, #tpu.memory_space<vmem>> -> memref<1x128xi32, #tpu.memory_space<vmem>>
      %dma_wait3A_273 = tpu.memref_squeeze %dma_wait3A_272 : memref<1x128xi32, #tpu.memory_space<vmem>> -> memref<128xi32, #tpu.memory_space<vmem>>
      %dma_wait3A_274 = tpu.memref_slice %arg2[%add3A_4] : memref<16384xi32, #tpu.memory_space<hbm>> -> memref<128xi32, #tpu.memory_space<hbm>>
      %dma_wait3A_275 = arith.constant 0 : i32
      %dma_wait3A_276 = tpu.memref_slice %arg8[%run_scoped3A, %dma_wait3A_275] : memref<4x128xi32, #tpu.memory_space<vmem>> -> memref<1x128xi32, #tpu.memory_space<vmem>>
      %dma_wait3A_277 = tpu.memref_squeeze %dma_wait3A_276 : memref<1x128xi32, #tpu.memory_space<vmem>> -> memref<128xi32, #tpu.memory_space<vmem>>
      %dma_wait3A_278 = tpu.memref_slice %arg2[%add3A_4] : memref<16384xi32, #tpu.memory_space<hbm>> -> memref<128xi32, #tpu.memory_space<hbm>>
      tpu.wait_dma2 semaphore(%run_scoped3A_262 : memref<!tpu.dma_semaphore, #tpu.memory_space<semaphore_mem>>) src(%dma_wait3A_278 : memref<128xi32, #tpu.memory_space<hbm>>) dst(%dma_wait3A_277 : memref<128xi32, #tpu.memory_space<vmem>>)
      tpu.yield
    }) : () -> ()
    %add3A_5 = arith.constant 0 : i32
    %add3A_6 = arith.addi %mul3A_2, %add3A_5 : i32
    %run_scoped3A_7 = arith.constant 0 : i32
    "tpu.region"() ({
      %run_scoped3A_262 = tpu.sem_alloc : memref<!tpu.dma_semaphore, #tpu.memory_space<semaphore_mem>>
      %dma_start3A_263 = arith.constant 0 : i32
      %dma_start3A_264 = tpu.memref_slice %arg9[%run_scoped3A_7, %dma_start3A_263] : memref<4x128xi32, #tpu.memory_space<vmem>> -> memref<1x128xi32, #tpu.memory_space<vmem>>
      %dma_start3A_265 = tpu.memref_squeeze %dma_start3A_264 : memref<1x128xi32, #tpu.memory_space<vmem>> -> memref<128xi32, #tpu.memory_space<vmem>>
      %dma_start3A_266 = tpu.memref_slice %arg3[%add3A_6] : memref<16384xi32, #tpu.memory_space<hbm>> -> memref<128xi32, #tpu.memory_space<hbm>>
      %dma_start3A_267 = arith.constant 0 : i32
      %dma_start3A_268 = tpu.memref_slice %arg9[%run_scoped3A_7, %dma_start3A_267] : memref<4x128xi32, #tpu.memory_space<vmem>> -> memref<1x128xi32, #tpu.memory_space<vmem>>
      %dma_start3A_269 = tpu.memref_squeeze %dma_start3A_268 : memref<1x128xi32, #tpu.memory_space<vmem>> -> memref<128xi32, #tpu.memory_space<vmem>>
      %dma_start3A_270 = tpu.memref_slice %arg3[%add3A_6] : memref<16384xi32, #tpu.memory_space<hbm>> -> memref<128xi32, #tpu.memory_space<hbm>>
      tpu.enqueue_dma source(%dma_start3A_270 : memref<128xi32, #tpu.memory_space<hbm>>) target(%dma_start3A_269 : memref<128xi32, #tpu.memory_space<vmem>>) target_semaphore(%run_scoped3A_262 : memref<!tpu.dma_semaphore, #tpu.memory_space<semaphore_mem>>)
      %dma_wait3A_271 = arith.constant 0 : i32
      %dma_wait3A_272 = tpu.memref_slice %arg9[%run_scoped3A_7, %dma_wait3A_271] : memref<4x128xi32, #tpu.memory_space<vmem>> -> memref<1x128xi32, #tpu.memory_space<vmem>>
      %dma_wait3A_273 = tpu.memref_squeeze %dma_wait3A_272 : memref<1x128xi32, #tpu.memory_space<vmem>> -> memref<128xi32, #tpu.memory_space<vmem>>
      %dma_wait3A_274 = tpu.memref_slice %arg3[%add3A_6] : memref<16384xi32, #tpu.memory_space<hbm>> -> memref<128xi32, #tpu.memory_space<hbm>>
      %dma_wait3A_275 = arith.constant 0 : i32
      %dma_wait3A_276 = tpu.memref_slice %arg9[%run_scoped3A_7, %dma_wait3A_275] : memref<4x128xi32, #tpu.memory_space<vmem>> -> memref<1x128xi32, #tpu.memory_space<vmem>>
      %dma_wait3A_277 = tpu.memref_squeeze %dma_wait3A_276 : memref<1x128xi32, #tpu.memory_space<vmem>> -> memref<128xi32, #tpu.memory_space<vmem>>
      %dma_wait3A_278 = tpu.memref_slice %arg3[%add3A_6] : memref<16384xi32, #tpu.memory_space<hbm>> -> memref<128xi32, #tpu.memory_space<hbm>>
      tpu.wait_dma2 semaphore(%run_scoped3A_262 : memref<!tpu.dma_semaphore, #tpu.memory_space<semaphore_mem>>) src(%dma_wait3A_278 : memref<128xi32, #tpu.memory_space<hbm>>) dst(%dma_wait3A_277 : memref<128xi32, #tpu.memory_space<vmem>>)
      tpu.yield
    }) : () -> ()
    %add3A_8 = arith.constant 0 : i32
    %add3A_9 = arith.addi %mul3A_2, %add3A_8 : i32
    %run_scoped3A_10 = arith.constant 0 : i32
    "tpu.region"() ({
      %run_scoped3A_262 = tpu.sem_alloc : memref<!tpu.dma_semaphore, #tpu.memory_space<semaphore_mem>>
      %dma_start3A_263 = arith.constant 0 : i32
      %dma_start3A_264 = tpu.memref_slice %arg10[%run_scoped3A_10, %dma_start3A_263] : memref<4x128xi32, #tpu.memory_space<vmem>> -> memref<1x128xi32, #tpu.memory_space<vmem>>
      %dma_start3A_265 = tpu.memref_squeeze %dma_start3A_264 : memref<1x128xi32, #tpu.memory_space<vmem>> -> memref<128xi32, #tpu.memory_space<vmem>>
      %dma_start3A_266 = tpu.memref_slice %arg4[%add3A_9] : memref<16384xi32, #tpu.memory_space<hbm>> -> memref<128xi32, #tpu.memory_space<hbm>>
      %dma_start3A_267 = arith.constant 0 : i32
      %dma_start3A_268 = tpu.memref_slice %arg10[%run_scoped3A_10, %dma_start3A_267] : memref<4x128xi32, #tpu.memory_space<vmem>> -> memref<1x128xi32, #tpu.memory_space<vmem>>
      %dma_start3A_269 = tpu.memref_squeeze %dma_start3A_268 : memref<1x128xi32, #tpu.memory_space<vmem>> -> memref<128xi32, #tpu.memory_space<vmem>>
      %dma_start3A_270 = tpu.memref_slice %arg4[%add3A_9] : memref<16384xi32, #tpu.memory_space<hbm>> -> memref<128xi32, #tpu.memory_space<hbm>>
      tpu.enqueue_dma source(%dma_start3A_270 : memref<128xi32, #tpu.memory_space<hbm>>) target(%dma_start3A_269 : memref<128xi32, #tpu.memory_space<vmem>>) target_semaphore(%run_scoped3A_262 : memref<!tpu.dma_semaphore, #tpu.memory_space<semaphore_mem>>)
      %dma_wait3A_271 = arith.constant 0 : i32
      %dma_wait3A_272 = tpu.memref_slice %arg10[%run_scoped3A_10, %dma_wait3A_271] : memref<4x128xi32, #tpu.memory_space<vmem>> -> memref<1x128xi32, #tpu.memory_space<vmem>>
      %dma_wait3A_273 = tpu.memref_squeeze %dma_wait3A_272 : memref<1x128xi32, #tpu.memory_space<vmem>> -> memref<128xi32, #tpu.memory_space<vmem>>
      %dma_wait3A_274 = tpu.memref_slice %arg4[%add3A_9] : memref<16384xi32, #tpu.memory_space<hbm>> -> memref<128xi32, #tpu.memory_space<hbm>>
      %dma_wait3A_275 = arith.constant 0 : i32
      %dma_wait3A_276 = tpu.memref_slice %arg10[%run_scoped3A_10, %dma_wait3A_275] : memref<4x128xi32, #tpu.memory_space<vmem>> -> memref<1x128xi32, #tpu.memory_space<vmem>>
      %dma_wait3A_277 = tpu.memref_squeeze %dma_wait3A_276 : memref<1x128xi32, #tpu.memory_space<vmem>> -> memref<128xi32, #tpu.memory_space<vmem>>
      %dma_wait3A_278 = tpu.memref_slice %arg4[%add3A_9] : memref<16384xi32, #tpu.memory_space<hbm>> -> memref<128xi32, #tpu.memory_space<hbm>>
      tpu.wait_dma2 semaphore(%run_scoped3A_262 : memref<!tpu.dma_semaphore, #tpu.memory_space<semaphore_mem>>) src(%dma_wait3A_278 : memref<128xi32, #tpu.memory_space<hbm>>) dst(%dma_wait3A_277 : memref<128xi32, #tpu.memory_space<vmem>>)
      tpu.yield
    }) : () -> ()
    %add3A_11 = arith.constant 128 : i32
    %add3A_12 = arith.addi %mul3A_2, %add3A_11 : i32
    %run_scoped3A_13 = arith.constant 1 : i32
    "tpu.region"() ({
      %run_scoped3A_262 = tpu.sem_alloc : memref<!tpu.dma_semaphore, #tpu.memory_space<semaphore_mem>>
      %dma_start3A_263 = arith.constant 0 : i32
      %dma_start3A_264 = tpu.memref_slice %arg8[%run_scoped3A_13, %dma_start3A_263] : memref<4x128xi32, #tpu.memory_space<vmem>> -> memref<1x128xi32, #tpu.memory_space<vmem>>
      %dma_start3A_265 = tpu.memref_squeeze %dma_start3A_264 : memref<1x128xi32, #tpu.memory_space<vmem>> -> memref<128xi32, #tpu.memory_space<vmem>>
      %dma_start3A_266 = tpu.memref_slice %arg2[%add3A_12] : memref<16384xi32, #tpu.memory_space<hbm>> -> memref<128xi32, #tpu.memory_space<hbm>>
      %dma_start3A_267 = arith.constant 0 : i32
      %dma_start3A_268 = tpu.memref_slice %arg8[%run_scoped3A_13, %dma_start3A_267] : memref<4x128xi32, #tpu.memory_space<vmem>> -> memref<1x128xi32, #tpu.memory_space<vmem>>
      %dma_start3A_269 = tpu.memref_squeeze %dma_start3A_268 : memref<1x128xi32, #tpu.memory_space<vmem>> -> memref<128xi32, #tpu.memory_space<vmem>>
      %dma_start3A_270 = tpu.memref_slice %arg2[%add3A_12] : memref<16384xi32, #tpu.memory_space<hbm>> -> memref<128xi32, #tpu.memory_space<hbm>>
      tpu.enqueue_dma source(%dma_start3A_270 : memref<128xi32, #tpu.memory_space<hbm>>) target(%dma_start3A_269 : memref<128xi32, #tpu.memory_space<vmem>>) target_semaphore(%run_scoped3A_262 : memref<!tpu.dma_semaphore, #tpu.memory_space<semaphore_mem>>)
      %dma_wait3A_271 = arith.constant 0 : i32
      %dma_wait3A_272 = tpu.memref_slice %arg8[%run_scoped3A_13, %dma_wait3A_271] : memref<4x128xi32, #tpu.memory_space<vmem>> -> memref<1x128xi32, #tpu.memory_space<vmem>>
      %dma_wait3A_273 = tpu.memref_squeeze %dma_wait3A_272 : memref<1x128xi32, #tpu.memory_space<vmem>> -> memref<128xi32, #tpu.memory_space<vmem>>
      %dma_wait3A_274 = tpu.memref_slice %arg2[%add3A_12] : memref<16384xi32, #tpu.memory_space<hbm>> -> memref<128xi32, #tpu.memory_space<hbm>>
      %dma_wait3A_275 = arith.constant 0 : i32
      %dma_wait3A_276 = tpu.memref_slice %arg8[%run_scoped3A_13, %dma_wait3A_275] : memref<4x128xi32, #tpu.memory_space<vmem>> -> memref<1x128xi32, #tpu.memory_space<vmem>>
      %dma_wait3A_277 = tpu.memref_squeeze %dma_wait3A_276 : memref<1x128xi32, #tpu.memory_space<vmem>> -> memref<128xi32, #tpu.memory_space<vmem>>
      %dma_wait3A_278 = tpu.memref_slice %arg2[%add3A_12] : memref<16384xi32, #tpu.memory_space<hbm>> -> memref<128xi32, #tpu.memory_space<hbm>>
      tpu.wait_dma2 semaphore(%run_scoped3A_262 : memref<!tpu.dma_semaphore, #tpu.memory_space<semaphore_mem>>) src(%dma_wait3A_278 : memref<128xi32, #tpu.memory_space<hbm>>) dst(%dma_wait3A_277 : memref<128xi32, #tpu.memory_space<vmem>>)
      tpu.yield
    }) : () -> ()
    %add3A_14 = arith.constant 128 : i32
    %add3A_15 = arith.addi %mul3A_2, %add3A_14 : i32
    %run_scoped3A_16 = arith.constant 1 : i32
    "tpu.region"() ({
      %run_scoped3A_262 = tpu.sem_alloc : memref<!tpu.dma_semaphore, #tpu.memory_space<semaphore_mem>>
      %dma_start3A_263 = arith.constant 0 : i32
      %dma_start3A_264 = tpu.memref_slice %arg9[%run_scoped3A_16, %dma_start3A_263] : memref<4x128xi32, #tpu.memory_space<vmem>> -> memref<1x128xi32, #tpu.memory_space<vmem>>
      %dma_start3A_265 = tpu.memref_squeeze %dma_start3A_264 : memref<1x128xi32, #tpu.memory_space<vmem>> -> memref<128xi32, #tpu.memory_space<vmem>>
      %dma_start3A_266 = tpu.memref_slice %arg3[%add3A_15] : memref<16384xi32, #tpu.memory_space<hbm>> -> memref<128xi32, #tpu.memory_space<hbm>>
      %dma_start3A_267 = arith.constant 0 : i32
      %dma_start3A_268 = tpu.memref_slice %arg9[%run_scoped3A_16, %dma_start3A_267] : memref<4x128xi32, #tpu.memory_space<vmem>> -> memref<1x128xi32, #tpu.memory_space<vmem>>
      %dma_start3A_269 = tpu.memref_squeeze %dma_start3A_268 : memref<1x128xi32, #tpu.memory_space<vmem>> -> memref<128xi32, #tpu.memory_space<vmem>>
      %dma_start3A_270 = tpu.memref_slice %arg3[%add3A_15] : memref<16384xi32, #tpu.memory_space<hbm>> -> memref<128xi32, #tpu.memory_space<hbm>>
      tpu.enqueue_dma source(%dma_start3A_270 : memref<128xi32, #tpu.memory_space<hbm>>) target(%dma_start3A_269 : memref<128xi32, #tpu.memory_space<vmem>>) target_semaphore(%run_scoped3A_262 : memref<!tpu.dma_semaphore, #tpu.memory_space<semaphore_mem>>)
      %dma_wait3A_271 = arith.constant 0 : i32
      %dma_wait3A_272 = tpu.memref_slice %arg9[%run_scoped3A_16, %dma_wait3A_271] : memref<4x128xi32, #tpu.memory_space<vmem>> -> memref<1x128xi32, #tpu.memory_space<vmem>>
      %dma_wait3A_273 = tpu.memref_squeeze %dma_wait3A_272 : memref<1x128xi32, #tpu.memory_space<vmem>> -> memref<128xi32, #tpu.memory_space<vmem>>
      %dma_wait3A_274 = tpu.memref_slice %arg3[%add3A_15] : memref<16384xi32, #tpu.memory_space<hbm>> -> memref<128xi32, #tpu.memory_space<hbm>>
      %dma_wait3A_275 = arith.constant 0 : i32
      %dma_wait3A_276 = tpu.memref_slice %arg9[%run_scoped3A_16, %dma_wait3A_275] : memref<4x128xi32, #tpu.memory_space<vmem>> -> memref<1x128xi32, #tpu.memory_space<vmem>>
      %dma_wait3A_277 = tpu.memref_squeeze %dma_wait3A_276 : memref<1x128xi32, #tpu.memory_space<vmem>> -> memref<128xi32, #tpu.memory_space<vmem>>
      %dma_wait3A_278 = tpu.memref_slice %arg3[%add3A_15] : memref<16384xi32, #tpu.memory_space<hbm>> -> memref<128xi32, #tpu.memory_space<hbm>>
      tpu.wait_dma2 semaphore(%run_scoped3A_262 : memref<!tpu.dma_semaphore, #tpu.memory_space<semaphore_mem>>) src(%dma_wait3A_278 : memref<128xi32, #tpu.memory_space<hbm>>) dst(%dma_wait3A_277 : memref<128xi32, #tpu.memory_space<vmem>>)
      tpu.yield
    }) : () -> ()
    %add3A_17 = arith.constant 128 : i32
    %add3A_18 = arith.addi %mul3A_2, %add3A_17 : i32
    %run_scoped3A_19 = arith.constant 1 : i32
    "tpu.region"() ({
      %run_scoped3A_262 = tpu.sem_alloc : memref<!tpu.dma_semaphore, #tpu.memory_space<semaphore_mem>>
      %dma_start3A_263 = arith.constant 0 : i32
      %dma_start3A_264 = tpu.memref_slice %arg10[%run_scoped3A_19, %dma_start3A_263] : memref<4x128xi32, #tpu.memory_space<vmem>> -> memref<1x128xi32, #tpu.memory_space<vmem>>
      %dma_start3A_265 = tpu.memref_squeeze %dma_start3A_264 : memref<1x128xi32, #tpu.memory_space<vmem>> -> memref<128xi32, #tpu.memory_space<vmem>>
      %dma_start3A_266 = tpu.memref_slice %arg4[%add3A_18] : memref<16384xi32, #tpu.memory_space<hbm>> -> memref<128xi32, #tpu.memory_space<hbm>>
      %dma_start3A_267 = arith.constant 0 : i32
      %dma_start3A_268 = tpu.memref_slice %arg10[%run_scoped3A_19, %dma_start3A_267] : memref<4x128xi32, #tpu.memory_space<vmem>> -> memref<1x128xi32, #tpu.memory_space<vmem>>
      %dma_start3A_269 = tpu.memref_squeeze %dma_start3A_268 : memref<1x128xi32, #tpu.memory_space<vmem>> -> memref<128xi32, #tpu.memory_space<vmem>>
      %dma_start3A_270 = tpu.memref_slice %arg4[%add3A_18] : memref<16384xi32, #tpu.memory_space<hbm>> -> memref<128xi32, #tpu.memory_space<hbm>>
      tpu.enqueue_dma source(%dma_start3A_270 : memref<128xi32, #tpu.memory_space<hbm>>) target(%dma_start3A_269 : memref<128xi32, #tpu.memory_space<vmem>>) target_semaphore(%run_scoped3A_262 : memref<!tpu.dma_semaphore, #tpu.memory_space<semaphore_mem>>)
      %dma_wait3A_271 = arith.constant 0 : i32
      %dma_wait3A_272 = tpu.memref_slice %arg10[%run_scoped3A_19, %dma_wait3A_271] : memref<4x128xi32, #tpu.memory_space<vmem>> -> memref<1x128xi32, #tpu.memory_space<vmem>>
      %dma_wait3A_273 = tpu.memref_squeeze %dma_wait3A_272 : memref<1x128xi32, #tpu.memory_space<vmem>> -> memref<128xi32, #tpu.memory_space<vmem>>
      %dma_wait3A_274 = tpu.memref_slice %arg4[%add3A_18] : memref<16384xi32, #tpu.memory_space<hbm>> -> memref<128xi32, #tpu.memory_space<hbm>>
      %dma_wait3A_275 = arith.constant 0 : i32
      %dma_wait3A_276 = tpu.memref_slice %arg10[%run_scoped3A_19, %dma_wait3A_275] : memref<4x128xi32, #tpu.memory_space<vmem>> -> memref<1x128xi32, #tpu.memory_space<vmem>>
      %dma_wait3A_277 = tpu.memref_squeeze %dma_wait3A_276 : memref<1x128xi32, #tpu.memory_space<vmem>> -> memref<128xi32, #tpu.memory_space<vmem>>
      %dma_wait3A_278 = tpu.memref_slice %arg4[%add3A_18] : memref<16384xi32, #tpu.memory_space<hbm>> -> memref<128xi32, #tpu.memory_space<hbm>>
      tpu.wait_dma2 semaphore(%run_scoped3A_262 : memref<!tpu.dma_semaphore, #tpu.memory_space<semaphore_mem>>) src(%dma_wait3A_278 : memref<128xi32, #tpu.memory_space<hbm>>) dst(%dma_wait3A_277 : memref<128xi32, #tpu.memory_space<vmem>>)
      tpu.yield
    }) : () -> ()
    %add3A_20 = arith.constant 256 : i32
    %add3A_21 = arith.addi %mul3A_2, %add3A_20 : i32
    %run_scoped3A_22 = arith.constant 2 : i32
    "tpu.region"() ({
      %run_scoped3A_262 = tpu.sem_alloc : memref<!tpu.dma_semaphore, #tpu.memory_space<semaphore_mem>>
      %dma_start3A_263 = arith.constant 0 : i32
      %dma_start3A_264 = tpu.memref_slice %arg8[%run_scoped3A_22, %dma_start3A_263] : memref<4x128xi32, #tpu.memory_space<vmem>> -> memref<1x128xi32, #tpu.memory_space<vmem>>
      %dma_start3A_265 = tpu.memref_squeeze %dma_start3A_264 : memref<1x128xi32, #tpu.memory_space<vmem>> -> memref<128xi32, #tpu.memory_space<vmem>>
      %dma_start3A_266 = tpu.memref_slice %arg2[%add3A_21] : memref<16384xi32, #tpu.memory_space<hbm>> -> memref<128xi32, #tpu.memory_space<hbm>>
      %dma_start3A_267 = arith.constant 0 : i32
      %dma_start3A_268 = tpu.memref_slice %arg8[%run_scoped3A_22, %dma_start3A_267] : memref<4x128xi32, #tpu.memory_space<vmem>> -> memref<1x128xi32, #tpu.memory_space<vmem>>
      %dma_start3A_269 = tpu.memref_squeeze %dma_start3A_268 : memref<1x128xi32, #tpu.memory_space<vmem>> -> memref<128xi32, #tpu.memory_space<vmem>>
      %dma_start3A_270 = tpu.memref_slice %arg2[%add3A_21] : memref<16384xi32, #tpu.memory_space<hbm>> -> memref<128xi32, #tpu.memory_space<hbm>>
      tpu.enqueue_dma source(%dma_start3A_270 : memref<128xi32, #tpu.memory_space<hbm>>) target(%dma_start3A_269 : memref<128xi32, #tpu.memory_space<vmem>>) target_semaphore(%run_scoped3A_262 : memref<!tpu.dma_semaphore, #tpu.memory_space<semaphore_mem>>)
      %dma_wait3A_271 = arith.constant 0 : i32
      %dma_wait3A_272 = tpu.memref_slice %arg8[%run_scoped3A_22, %dma_wait3A_271] : memref<4x128xi32, #tpu.memory_space<vmem>> -> memref<1x128xi32, #tpu.memory_space<vmem>>
      %dma_wait3A_273 = tpu.memref_squeeze %dma_wait3A_272 : memref<1x128xi32, #tpu.memory_space<vmem>> -> memref<128xi32, #tpu.memory_space<vmem>>
      %dma_wait3A_274 = tpu.memref_slice %arg2[%add3A_21] : memref<16384xi32, #tpu.memory_space<hbm>> -> memref<128xi32, #tpu.memory_space<hbm>>
      %dma_wait3A_275 = arith.constant 0 : i32
      %dma_wait3A_276 = tpu.memref_slice %arg8[%run_scoped3A_22, %dma_wait3A_275] : memref<4x128xi32, #tpu.memory_space<vmem>> -> memref<1x128xi32, #tpu.memory_space<vmem>>
      %dma_wait3A_277 = tpu.memref_squeeze %dma_wait3A_276 : memref<1x128xi32, #tpu.memory_space<vmem>> -> memref<128xi32, #tpu.memory_space<vmem>>
      %dma_wait3A_278 = tpu.memref_slice %arg2[%add3A_21] : memref<16384xi32, #tpu.memory_space<hbm>> -> memref<128xi32, #tpu.memory_space<hbm>>
      tpu.wait_dma2 semaphore(%run_scoped3A_262 : memref<!tpu.dma_semaphore, #tpu.memory_space<semaphore_mem>>) src(%dma_wait3A_278 : memref<128xi32, #tpu.memory_space<hbm>>) dst(%dma_wait3A_277 : memref<128xi32, #tpu.memory_space<vmem>>)
      tpu.yield
    }) : () -> ()
    %add3A_23 = arith.constant 256 : i32
    %add3A_24 = arith.addi %mul3A_2, %add3A_23 : i32
    %run_scoped3A_25 = arith.constant 2 : i32
    "tpu.region"() ({
      %run_scoped3A_262 = tpu.sem_alloc : memref<!tpu.dma_semaphore, #tpu.memory_space<semaphore_mem>>
      %dma_start3A_263 = arith.constant 0 : i32
      %dma_start3A_264 = tpu.memref_slice %arg9[%run_scoped3A_25, %dma_start3A_263] : memref<4x128xi32, #tpu.memory_space<vmem>> -> memref<1x128xi32, #tpu.memory_space<vmem>>
      %dma_start3A_265 = tpu.memref_squeeze %dma_start3A_264 : memref<1x128xi32, #tpu.memory_space<vmem>> -> memref<128xi32, #tpu.memory_space<vmem>>
      %dma_start3A_266 = tpu.memref_slice %arg3[%add3A_24] : memref<16384xi32, #tpu.memory_space<hbm>> -> memref<128xi32, #tpu.memory_space<hbm>>
      %dma_start3A_267 = arith.constant 0 : i32
      %dma_start3A_268 = tpu.memref_slice %arg9[%run_scoped3A_25, %dma_start3A_267] : memref<4x128xi32, #tpu.memory_space<vmem>> -> memref<1x128xi32, #tpu.memory_space<vmem>>
      %dma_start3A_269 = tpu.memref_squeeze %dma_start3A_268 : memref<1x128xi32, #tpu.memory_space<vmem>> -> memref<128xi32, #tpu.memory_space<vmem>>
      %dma_start3A_270 = tpu.memref_slice %arg3[%add3A_24] : memref<16384xi32, #tpu.memory_space<hbm>> -> memref<128xi32, #tpu.memory_space<hbm>>
      tpu.enqueue_dma source(%dma_start3A_270 : memref<128xi32, #tpu.memory_space<hbm>>) target(%dma_start3A_269 : memref<128xi32, #tpu.memory_space<vmem>>) target_semaphore(%run_scoped3A_262 : memref<!tpu.dma_semaphore, #tpu.memory_space<semaphore_mem>>)
      %dma_wait3A_271 = arith.constant 0 : i32
      %dma_wait3A_272 = tpu.memref_slice %arg9[%run_scoped3A_25, %dma_wait3A_271] : memref<4x128xi32, #tpu.memory_space<vmem>> -> memref<1x128xi32, #tpu.memory_space<vmem>>
      %dma_wait3A_273 = tpu.memref_squeeze %dma_wait3A_272 : memref<1x128xi32, #tpu.memory_space<vmem>> -> memref<128xi32, #tpu.memory_space<vmem>>
      %dma_wait3A_274 = tpu.memref_slice %arg3[%add3A_24] : memref<16384xi32, #tpu.memory_space<hbm>> -> memref<128xi32, #tpu.memory_space<hbm>>
      %dma_wait3A_275 = arith.constant 0 : i32
      %dma_wait3A_276 = tpu.memref_slice %arg9[%run_scoped3A_25, %dma_wait3A_275] : memref<4x128xi32, #tpu.memory_space<vmem>> -> memref<1x128xi32, #tpu.memory_space<vmem>>
      %dma_wait3A_277 = tpu.memref_squeeze %dma_wait3A_276 : memref<1x128xi32, #tpu.memory_space<vmem>> -> memref<128xi32, #tpu.memory_space<vmem>>
      %dma_wait3A_278 = tpu.memref_slice %arg3[%add3A_24] : memref<16384xi32, #tpu.memory_space<hbm>> -> memref<128xi32, #tpu.memory_space<hbm>>
      tpu.wait_dma2 semaphore(%run_scoped3A_262 : memref<!tpu.dma_semaphore, #tpu.memory_space<semaphore_mem>>) src(%dma_wait3A_278 : memref<128xi32, #tpu.memory_space<hbm>>) dst(%dma_wait3A_277 : memref<128xi32, #tpu.memory_space<vmem>>)
      tpu.yield
    }) : () -> ()
    %add3A_26 = arith.constant 256 : i32
    %add3A_27 = arith.addi %mul3A_2, %add3A_26 : i32
    %run_scoped3A_28 = arith.constant 2 : i32
    "tpu.region"() ({
      %run_scoped3A_262 = tpu.sem_alloc : memref<!tpu.dma_semaphore, #tpu.memory_space<semaphore_mem>>
      %dma_start3A_263 = arith.constant 0 : i32
      %dma_start3A_264 = tpu.memref_slice %arg10[%run_scoped3A_28, %dma_start3A_263] : memref<4x128xi32, #tpu.memory_space<vmem>> -> memref<1x128xi32, #tpu.memory_space<vmem>>
      %dma_start3A_265 = tpu.memref_squeeze %dma_start3A_264 : memref<1x128xi32, #tpu.memory_space<vmem>> -> memref<128xi32, #tpu.memory_space<vmem>>
      %dma_start3A_266 = tpu.memref_slice %arg4[%add3A_27] : memref<16384xi32, #tpu.memory_space<hbm>> -> memref<128xi32, #tpu.memory_space<hbm>>
      %dma_start3A_267 = arith.constant 0 : i32
      %dma_start3A_268 = tpu.memref_slice %arg10[%run_scoped3A_28, %dma_start3A_267] : memref<4x128xi32, #tpu.memory_space<vmem>> -> memref<1x128xi32, #tpu.memory_space<vmem>>
      %dma_start3A_269 = tpu.memref_squeeze %dma_start3A_268 : memref<1x128xi32, #tpu.memory_space<vmem>> -> memref<128xi32, #tpu.memory_space<vmem>>
      %dma_start3A_270 = tpu.memref_slice %arg4[%add3A_27] : memref<16384xi32, #tpu.memory_space<hbm>> -> memref<128xi32, #tpu.memory_space<hbm>>
      tpu.enqueue_dma source(%dma_start3A_270 : memref<128xi32, #tpu.memory_space<hbm>>) target(%dma_start3A_269 : memref<128xi32, #tpu.memory_space<vmem>>) target_semaphore(%run_scoped3A_262 : memref<!tpu.dma_semaphore, #tpu.memory_space<semaphore_mem>>)
      %dma_wait3A_271 = arith.constant 0 : i32
      %dma_wait3A_272 = tpu.memref_slice %arg10[%run_scoped3A_28, %dma_wait3A_271] : memref<4x128xi32, #tpu.memory_space<vmem>> -> memref<1x128xi32, #tpu.memory_space<vmem>>
      %dma_wait3A_273 = tpu.memref_squeeze %dma_wait3A_272 : memref<1x128xi32, #tpu.memory_space<vmem>> -> memref<128xi32, #tpu.memory_space<vmem>>
      %dma_wait3A_274 = tpu.memref_slice %arg4[%add3A_27] : memref<16384xi32, #tpu.memory_space<hbm>> -> memref<128xi32, #tpu.memory_space<hbm>>
      %dma_wait3A_275 = arith.constant 0 : i32
      %dma_wait3A_276 = tpu.memref_slice %arg10[%run_scoped3A_28, %dma_wait3A_275] : memref<4x128xi32, #tpu.memory_space<vmem>> -> memref<1x128xi32, #tpu.memory_space<vmem>>
      %dma_wait3A_277 = tpu.memref_squeeze %dma_wait3A_276 : memref<1x128xi32, #tpu.memory_space<vmem>> -> memref<128xi32, #tpu.memory_space<vmem>>
      %dma_wait3A_278 = tpu.memref_slice %arg4[%add3A_27] : memref<16384xi32, #tpu.memory_space<hbm>> -> memref<128xi32, #tpu.memory_space<hbm>>
      tpu.wait_dma2 semaphore(%run_scoped3A_262 : memref<!tpu.dma_semaphore, #tpu.memory_space<semaphore_mem>>) src(%dma_wait3A_278 : memref<128xi32, #tpu.memory_space<hbm>>) dst(%dma_wait3A_277 : memref<128xi32, #tpu.memory_space<vmem>>)
      tpu.yield
    }) : () -> ()
    %add3A_29 = arith.constant 384 : i32
    %add3A_30 = arith.addi %mul3A_2, %add3A_29 : i32
    %run_scoped3A_31 = arith.constant 3 : i32
    "tpu.region"() ({
      %run_scoped3A_262 = tpu.sem_alloc : memref<!tpu.dma_semaphore, #tpu.memory_space<semaphore_mem>>
      %dma_start3A_263 = arith.constant 0 : i32
      %dma_start3A_264 = tpu.memref_slice %arg8[%run_scoped3A_31, %dma_start3A_263] : memref<4x128xi32, #tpu.memory_space<vmem>> -> memref<1x128xi32, #tpu.memory_space<vmem>>
      %dma_start3A_265 = tpu.memref_squeeze %dma_start3A_264 : memref<1x128xi32, #tpu.memory_space<vmem>> -> memref<128xi32, #tpu.memory_space<vmem>>
      %dma_start3A_266 = tpu.memref_slice %arg2[%add3A_30] : memref<16384xi32, #tpu.memory_space<hbm>> -> memref<128xi32, #tpu.memory_space<hbm>>
      %dma_start3A_267 = arith.constant 0 : i32
      %dma_start3A_268 = tpu.memref_slice %arg8[%run_scoped3A_31, %dma_start3A_267] : memref<4x128xi32, #tpu.memory_space<vmem>> -> memref<1x128xi32, #tpu.memory_space<vmem>>
      %dma_start3A_269 = tpu.memref_squeeze %dma_start3A_268 : memref<1x128xi32, #tpu.memory_space<vmem>> -> memref<128xi32, #tpu.memory_space<vmem>>
      %dma_start3A_270 = tpu.memref_slice %arg2[%add3A_30] : memref<16384xi32, #tpu.memory_space<hbm>> -> memref<128xi32, #tpu.memory_space<hbm>>
      tpu.enqueue_dma source(%dma_start3A_270 : memref<128xi32, #tpu.memory_space<hbm>>) target(%dma_start3A_269 : memref<128xi32, #tpu.memory_space<vmem>>) target_semaphore(%run_scoped3A_262 : memref<!tpu.dma_semaphore, #tpu.memory_space<semaphore_mem>>)
      %dma_wait3A_271 = arith.constant 0 : i32
      %dma_wait3A_272 = tpu.memref_slice %arg8[%run_scoped3A_31, %dma_wait3A_271] : memref<4x128xi32, #tpu.memory_space<vmem>> -> memref<1x128xi32, #tpu.memory_space<vmem>>
      %dma_wait3A_273 = tpu.memref_squeeze %dma_wait3A_272 : memref<1x128xi32, #tpu.memory_space<vmem>> -> memref<128xi32, #tpu.memory_space<vmem>>
      %dma_wait3A_274 = tpu.memref_slice %arg2[%add3A_30] : memref<16384xi32, #tpu.memory_space<hbm>> -> memref<128xi32, #tpu.memory_space<hbm>>
      %dma_wait3A_275 = arith.constant 0 : i32
      %dma_wait3A_276 = tpu.memref_slice %arg8[%run_scoped3A_31, %dma_wait3A_275] : memref<4x128xi32, #tpu.memory_space<vmem>> -> memref<1x128xi32, #tpu.memory_space<vmem>>
      %dma_wait3A_277 = tpu.memref_squeeze %dma_wait3A_276 : memref<1x128xi32, #tpu.memory_space<vmem>> -> memref<128xi32, #tpu.memory_space<vmem>>
      %dma_wait3A_278 = tpu.memref_slice %arg2[%add3A_30] : memref<16384xi32, #tpu.memory_space<hbm>> -> memref<128xi32, #tpu.memory_space<hbm>>
      tpu.wait_dma2 semaphore(%run_scoped3A_262 : memref<!tpu.dma_semaphore, #tpu.memory_space<semaphore_mem>>) src(%dma_wait3A_278 : memref<128xi32, #tpu.memory_space<hbm>>) dst(%dma_wait3A_277 : memref<128xi32, #tpu.memory_space<vmem>>)
      tpu.yield
    }) : () -> ()
    %add3A_32 = arith.constant 384 : i32
    %add3A_33 = arith.addi %mul3A_2, %add3A_32 : i32
    %run_scoped3A_34 = arith.constant 3 : i32
    "tpu.region"() ({
      %run_scoped3A_262 = tpu.sem_alloc : memref<!tpu.dma_semaphore, #tpu.memory_space<semaphore_mem>>
      %dma_start3A_263 = arith.constant 0 : i32
      %dma_start3A_264 = tpu.memref_slice %arg9[%run_scoped3A_34, %dma_start3A_263] : memref<4x128xi32, #tpu.memory_space<vmem>> -> memref<1x128xi32, #tpu.memory_space<vmem>>
      %dma_start3A_265 = tpu.memref_squeeze %dma_start3A_264 : memref<1x128xi32, #tpu.memory_space<vmem>> -> memref<128xi32, #tpu.memory_space<vmem>>
      %dma_start3A_266 = tpu.memref_slice %arg3[%add3A_33] : memref<16384xi32, #tpu.memory_space<hbm>> -> memref<128xi32, #tpu.memory_space<hbm>>
      %dma_start3A_267 = arith.constant 0 : i32
      %dma_start3A_268 = tpu.memref_slice %arg9[%run_scoped3A_34, %dma_start3A_267] : memref<4x128xi32, #tpu.memory_space<vmem>> -> memref<1x128xi32, #tpu.memory_space<vmem>>
      %dma_start3A_269 = tpu.memref_squeeze %dma_start3A_268 : memref<1x128xi32, #tpu.memory_space<vmem>> -> memref<128xi32, #tpu.memory_space<vmem>>
      %dma_start3A_270 = tpu.memref_slice %arg3[%add3A_33] : memref<16384xi32, #tpu.memory_space<hbm>> -> memref<128xi32, #tpu.memory_space<hbm>>
      tpu.enqueue_dma source(%dma_start3A_270 : memref<128xi32, #tpu.memory_space<hbm>>) target(%dma_start3A_269 : memref<128xi32, #tpu.memory_space<vmem>>) target_semaphore(%run_scoped3A_262 : memref<!tpu.dma_semaphore, #tpu.memory_space<semaphore_mem>>)
      %dma_wait3A_271 = arith.constant 0 : i32
      %dma_wait3A_272 = tpu.memref_slice %arg9[%run_scoped3A_34, %dma_wait3A_271] : memref<4x128xi32, #tpu.memory_space<vmem>> -> memref<1x128xi32, #tpu.memory_space<vmem>>
      %dma_wait3A_273 = tpu.memref_squeeze %dma_wait3A_272 : memref<1x128xi32, #tpu.memory_space<vmem>> -> memref<128xi32, #tpu.memory_space<vmem>>
      %dma_wait3A_274 = tpu.memref_slice %arg3[%add3A_33] : memref<16384xi32, #tpu.memory_space<hbm>> -> memref<128xi32, #tpu.memory_space<hbm>>
      %dma_wait3A_275 = arith.constant 0 : i32
      %dma_wait3A_276 = tpu.memref_slice %arg9[%run_scoped3A_34, %dma_wait3A_275] : memref<4x128xi32, #tpu.memory_space<vmem>> -> memref<1x128xi32, #tpu.memory_space<vmem>>
      %dma_wait3A_277 = tpu.memref_squeeze %dma_wait3A_276 : memref<1x128xi32, #tpu.memory_space<vmem>> -> memref<128xi32, #tpu.memory_space<vmem>>
      %dma_wait3A_278 = tpu.memref_slice %arg3[%add3A_33] : memref<16384xi32, #tpu.memory_space<hbm>> -> memref<128xi32, #tpu.memory_space<hbm>>
      tpu.wait_dma2 semaphore(%run_scoped3A_262 : memref<!tpu.dma_semaphore, #tpu.memory_space<semaphore_mem>>) src(%dma_wait3A_278 : memref<128xi32, #tpu.memory_space<hbm>>) dst(%dma_wait3A_277 : memref<128xi32, #tpu.memory_space<vmem>>)
      tpu.yield
    }) : () -> ()
    %add3A_35 = arith.constant 384 : i32
    %add3A_36 = arith.addi %mul3A_2, %add3A_35 : i32
    %run_scoped3A_37 = arith.constant 3 : i32
    "tpu.region"() ({
      %run_scoped3A_262 = tpu.sem_alloc : memref<!tpu.dma_semaphore, #tpu.memory_space<semaphore_mem>>
      %dma_start3A_263 = arith.constant 0 : i32
      %dma_start3A_264 = tpu.memref_slice %arg10[%run_scoped3A_37, %dma_start3A_263] : memref<4x128xi32, #tpu.memory_space<vmem>> -> memref<1x128xi32, #tpu.memory_space<vmem>>
      %dma_start3A_265 = tpu.memref_squeeze %dma_start3A_264 : memref<1x128xi32, #tpu.memory_space<vmem>> -> memref<128xi32, #tpu.memory_space<vmem>>
      %dma_start3A_266 = tpu.memref_slice %arg4[%add3A_36] : memref<16384xi32, #tpu.memory_space<hbm>> -> memref<128xi32, #tpu.memory_space<hbm>>
      %dma_start3A_267 = arith.constant 0 : i32
      %dma_start3A_268 = tpu.memref_slice %arg10[%run_scoped3A_37, %dma_start3A_267] : memref<4x128xi32, #tpu.memory_space<vmem>> -> memref<1x128xi32, #tpu.memory_space<vmem>>
      %dma_start3A_269 = tpu.memref_squeeze %dma_start3A_268 : memref<1x128xi32, #tpu.memory_space<vmem>> -> memref<128xi32, #tpu.memory_space<vmem>>
      %dma_start3A_270 = tpu.memref_slice %arg4[%add3A_36] : memref<16384xi32, #tpu.memory_space<hbm>> -> memref<128xi32, #tpu.memory_space<hbm>>
      tpu.enqueue_dma source(%dma_start3A_270 : memref<128xi32, #tpu.memory_space<hbm>>) target(%dma_start3A_269 : memref<128xi32, #tpu.memory_space<vmem>>) target_semaphore(%run_scoped3A_262 : memref<!tpu.dma_semaphore, #tpu.memory_space<semaphore_mem>>)
      %dma_wait3A_271 = arith.constant 0 : i32
      %dma_wait3A_272 = tpu.memref_slice %arg10[%run_scoped3A_37, %dma_wait3A_271] : memref<4x128xi32, #tpu.memory_space<vmem>> -> memref<1x128xi32, #tpu.memory_space<vmem>>
      %dma_wait3A_273 = tpu.memref_squeeze %dma_wait3A_272 : memref<1x128xi32, #tpu.memory_space<vmem>> -> memref<128xi32, #tpu.memory_space<vmem>>
      %dma_wait3A_274 = tpu.memref_slice %arg4[%add3A_36] : memref<16384xi32, #tpu.memory_space<hbm>> -> memref<128xi32, #tpu.memory_space<hbm>>
      %dma_wait3A_275 = arith.constant 0 : i32
      %dma_wait3A_276 = tpu.memref_slice %arg10[%run_scoped3A_37, %dma_wait3A_275] : memref<4x128xi32, #tpu.memory_space<vmem>> -> memref<1x128xi32, #tpu.memory_space<vmem>>
      %dma_wait3A_277 = tpu.memref_squeeze %dma_wait3A_276 : memref<1x128xi32, #tpu.memory_space<vmem>> -> memref<128xi32, #tpu.memory_space<vmem>>
      %dma_wait3A_278 = tpu.memref_slice %arg4[%add3A_36] : memref<16384xi32, #tpu.memory_space<hbm>> -> memref<128xi32, #tpu.memory_space<hbm>>
      tpu.wait_dma2 semaphore(%run_scoped3A_262 : memref<!tpu.dma_semaphore, #tpu.memory_space<semaphore_mem>>) src(%dma_wait3A_278 : memref<128xi32, #tpu.memory_space<hbm>>) dst(%dma_wait3A_277 : memref<128xi32, #tpu.memory_space<vmem>>)
      tpu.yield
    }) : () -> ()
    %iota3A = tpu.iota {dimensions = array<i32: 0>} : vector<16xi32>
    %mul3A_38 = arith.constant 128 : i32
    %mul3A_39 = vector.broadcast %mul3A_38 : i32 to vector<16xi32>
    %mul3A_40 = arith.muli %iota3A, %mul3A_39 : vector<16xi32>
    %dma_start3A = arith.constant 0 : i32
    %dma_start3A_41 = arith.constant 0 : i32
    %dma_start3A_42 = tpu.memref_slice %arg8[%dma_start3A, %dma_start3A_41] : memref<4x128xi32, #tpu.memory_space<vmem>> -> memref<1x128xi32, #tpu.memory_space<vmem>>
    %dma_start3A_43 = tpu.memref_squeeze %dma_start3A_42 : memref<1x128xi32, #tpu.memory_space<vmem>> -> memref<128xi32, #tpu.memory_space<vmem>>
    %dma_start3A_44 = arith.constant 0 : i32
    %dma_start3A_45 = arith.constant 0 : i32
    %dma_start3A_46 = tpu.memref_slice %arg5[%dma_start3A_44, %dma_start3A_45] : memref<100000x128xf32, #tpu.memory_space<hbm>> -> memref<100000x128xf32, #tpu.memory_space<hbm>>
    tpu.enqueue_indirect_dma source(%dma_start3A_46 : memref<100000x128xf32, #tpu.memory_space<hbm>>) target(%arg11 : memref<128x128xf32, #tpu.memory_space<vmem>>) offsets(%dma_start3A_43 : memref<128xi32, #tpu.memory_space<vmem>>) semaphore(%arg19 : memref<!tpu.dma_semaphore, #tpu.memory_space<semaphore_mem>>)
    %dma_start3A_47 = arith.constant 0 : i32
    %dma_start3A_48 = arith.constant 0 : i32
    %dma_start3A_49 = tpu.memref_slice %arg10[%dma_start3A_47, %dma_start3A_48] : memref<4x128xi32, #tpu.memory_space<vmem>> -> memref<1x128xi32, #tpu.memory_space<vmem>>
    %dma_start3A_50 = tpu.memref_squeeze %dma_start3A_49 : memref<1x128xi32, #tpu.memory_space<vmem>> -> memref<128xi32, #tpu.memory_space<vmem>>
    %dma_start3A_51 = arith.constant 0 : i32
    %dma_start3A_52 = arith.constant 0 : i32
    %dma_start3A_53 = tpu.memref_slice %arg5[%dma_start3A_51, %dma_start3A_52] : memref<100000x128xf32, #tpu.memory_space<hbm>> -> memref<100000x128xf32, #tpu.memory_space<hbm>>
    tpu.enqueue_indirect_dma source(%dma_start3A_53 : memref<100000x128xf32, #tpu.memory_space<hbm>>) target(%arg12 : memref<128x128xf32, #tpu.memory_space<vmem>>) offsets(%dma_start3A_50 : memref<128xi32, #tpu.memory_space<vmem>>) semaphore(%arg19 : memref<!tpu.dma_semaphore, #tpu.memory_space<semaphore_mem>>)
    %dma_start3A_54 = arith.constant 0 : i32
    %dma_start3A_55 = arith.constant 0 : i32
    %dma_start3A_56 = tpu.memref_slice %arg9[%dma_start3A_54, %dma_start3A_55] : memref<4x128xi32, #tpu.memory_space<vmem>> -> memref<1x128xi32, #tpu.memory_space<vmem>>
    %dma_start3A_57 = tpu.memref_squeeze %dma_start3A_56 : memref<1x128xi32, #tpu.memory_space<vmem>> -> memref<128xi32, #tpu.memory_space<vmem>>
    %dma_start3A_58 = arith.constant 0 : i32
    %dma_start3A_59 = arith.constant 0 : i32
    %dma_start3A_60 = tpu.memref_slice %arg6[%dma_start3A_58, %dma_start3A_59] : memref<1000x128xf32, #tpu.memory_space<hbm>> -> memref<1000x128xf32, #tpu.memory_space<hbm>>
    tpu.enqueue_indirect_dma source(%dma_start3A_60 : memref<1000x128xf32, #tpu.memory_space<hbm>>) target(%arg13 : memref<128x128xf32, #tpu.memory_space<vmem>>) offsets(%dma_start3A_57 : memref<128xi32, #tpu.memory_space<vmem>>) semaphore(%arg19 : memref<!tpu.dma_semaphore, #tpu.memory_space<semaphore_mem>>)
    %dma_start3A_61 = arith.constant 1 : i32
    %dma_start3A_62 = arith.constant 0 : i32
    %dma_start3A_63 = tpu.memref_slice %arg8[%dma_start3A_61, %dma_start3A_62] : memref<4x128xi32, #tpu.memory_space<vmem>> -> memref<1x128xi32, #tpu.memory_space<vmem>>
    %dma_start3A_64 = tpu.memref_squeeze %dma_start3A_63 : memref<1x128xi32, #tpu.memory_space<vmem>> -> memref<128xi32, #tpu.memory_space<vmem>>
    %dma_start3A_65 = arith.constant 0 : i32
    %dma_start3A_66 = arith.constant 0 : i32
    %dma_start3A_67 = tpu.memref_slice %arg5[%dma_start3A_65, %dma_start3A_66] : memref<100000x128xf32, #tpu.memory_space<hbm>> -> memref<100000x128xf32, #tpu.memory_space<hbm>>
    tpu.enqueue_indirect_dma source(%dma_start3A_67 : memref<100000x128xf32, #tpu.memory_space<hbm>>) target(%arg14 : memref<128x128xf32, #tpu.memory_space<vmem>>) offsets(%dma_start3A_64 : memref<128xi32, #tpu.memory_space<vmem>>) semaphore(%arg20 : memref<!tpu.dma_semaphore, #tpu.memory_space<semaphore_mem>>)
    %dma_start3A_68 = arith.constant 1 : i32
    %dma_start3A_69 = arith.constant 0 : i32
    %dma_start3A_70 = tpu.memref_slice %arg10[%dma_start3A_68, %dma_start3A_69] : memref<4x128xi32, #tpu.memory_space<vmem>> -> memref<1x128xi32, #tpu.memory_space<vmem>>
    %dma_start3A_71 = tpu.memref_squeeze %dma_start3A_70 : memref<1x128xi32, #tpu.memory_space<vmem>> -> memref<128xi32, #tpu.memory_space<vmem>>
    %dma_start3A_72 = arith.constant 0 : i32
    %dma_start3A_73 = arith.constant 0 : i32
    %dma_start3A_74 = tpu.memref_slice %arg5[%dma_start3A_72, %dma_start3A_73] : memref<100000x128xf32, #tpu.memory_space<hbm>> -> memref<100000x128xf32, #tpu.memory_space<hbm>>
    tpu.enqueue_indirect_dma source(%dma_start3A_74 : memref<100000x128xf32, #tpu.memory_space<hbm>>) target(%arg15 : memref<128x128xf32, #tpu.memory_space<vmem>>) offsets(%dma_start3A_71 : memref<128xi32, #tpu.memory_space<vmem>>) semaphore(%arg20 : memref<!tpu.dma_semaphore, #tpu.memory_space<semaphore_mem>>)
    %dma_start3A_75 = arith.constant 1 : i32
    %dma_start3A_76 = arith.constant 0 : i32
    %dma_start3A_77 = tpu.memref_slice %arg9[%dma_start3A_75, %dma_start3A_76] : memref<4x128xi32, #tpu.memory_space<vmem>> -> memref<1x128xi32, #tpu.memory_space<vmem>>
    %dma_start3A_78 = tpu.memref_squeeze %dma_start3A_77 : memref<1x128xi32, #tpu.memory_space<vmem>> -> memref<128xi32, #tpu.memory_space<vmem>>
    %dma_start3A_79 = arith.constant 0 : i32
    %dma_start3A_80 = arith.constant 0 : i32
    %dma_start3A_81 = tpu.memref_slice %arg6[%dma_start3A_79, %dma_start3A_80] : memref<1000x128xf32, #tpu.memory_space<hbm>> -> memref<1000x128xf32, #tpu.memory_space<hbm>>
    tpu.enqueue_indirect_dma source(%dma_start3A_81 : memref<1000x128xf32, #tpu.memory_space<hbm>>) target(%arg16 : memref<128x128xf32, #tpu.memory_space<vmem>>) offsets(%dma_start3A_78 : memref<128xi32, #tpu.memory_space<vmem>>) semaphore(%arg20 : memref<!tpu.dma_semaphore, #tpu.memory_space<semaphore_mem>>)
    %dma_wait3A = arith.constant 0 : i32
    %dma_wait3A_82 = arith.constant 0 : i32
    %dma_wait3A_83 = tpu.memref_slice %arg8[%dma_wait3A, %dma_wait3A_82] : memref<4x128xi32, #tpu.memory_space<vmem>> -> memref<1x128xi32, #tpu.memory_space<vmem>>
    %dma_wait3A_84 = tpu.memref_squeeze %dma_wait3A_83 : memref<1x128xi32, #tpu.memory_space<vmem>> -> memref<128xi32, #tpu.memory_space<vmem>>
    %dma_wait3A_85 = arith.constant 0 : i32
    %dma_wait3A_86 = arith.constant 0 : i32
    %dma_wait3A_87 = tpu.memref_slice %arg5[%dma_wait3A_85, %dma_wait3A_86] : memref<100000x128xf32, #tpu.memory_space<hbm>> -> memref<100000x128xf32, #tpu.memory_space<hbm>>
    tpu.wait_indirect_dma semaphore(%arg19 : memref<!tpu.dma_semaphore, #tpu.memory_space<semaphore_mem>>) src(%dma_wait3A_87 : memref<100000x128xf32, #tpu.memory_space<hbm>>) dst(%arg11 : memref<128x128xf32, #tpu.memory_space<vmem>>)
    %dma_wait3A_88 = arith.constant 0 : i32
    %dma_wait3A_89 = arith.constant 0 : i32
    %dma_wait3A_90 = tpu.memref_slice %arg10[%dma_wait3A_88, %dma_wait3A_89] : memref<4x128xi32, #tpu.memory_space<vmem>> -> memref<1x128xi32, #tpu.memory_space<vmem>>
    %dma_wait3A_91 = tpu.memref_squeeze %dma_wait3A_90 : memref<1x128xi32, #tpu.memory_space<vmem>> -> memref<128xi32, #tpu.memory_space<vmem>>
    %dma_wait3A_92 = arith.constant 0 : i32
    %dma_wait3A_93 = arith.constant 0 : i32
    %dma_wait3A_94 = tpu.memref_slice %arg5[%dma_wait3A_92, %dma_wait3A_93] : memref<100000x128xf32, #tpu.memory_space<hbm>> -> memref<100000x128xf32, #tpu.memory_space<hbm>>
    tpu.wait_indirect_dma semaphore(%arg19 : memref<!tpu.dma_semaphore, #tpu.memory_space<semaphore_mem>>) src(%dma_wait3A_94 : memref<100000x128xf32, #tpu.memory_space<hbm>>) dst(%arg12 : memref<128x128xf32, #tpu.memory_space<vmem>>)
    %dma_wait3A_95 = arith.constant 0 : i32
    %dma_wait3A_96 = arith.constant 0 : i32
    %dma_wait3A_97 = tpu.memref_slice %arg9[%dma_wait3A_95, %dma_wait3A_96] : memref<4x128xi32, #tpu.memory_space<vmem>> -> memref<1x128xi32, #tpu.memory_space<vmem>>
    %dma_wait3A_98 = tpu.memref_squeeze %dma_wait3A_97 : memref<1x128xi32, #tpu.memory_space<vmem>> -> memref<128xi32, #tpu.memory_space<vmem>>
    %dma_wait3A_99 = arith.constant 0 : i32
    %dma_wait3A_100 = arith.constant 0 : i32
    %dma_wait3A_101 = tpu.memref_slice %arg6[%dma_wait3A_99, %dma_wait3A_100] : memref<1000x128xf32, #tpu.memory_space<hbm>> -> memref<1000x128xf32, #tpu.memory_space<hbm>>
    tpu.wait_indirect_dma semaphore(%arg19 : memref<!tpu.dma_semaphore, #tpu.memory_space<semaphore_mem>>) src(%dma_wait3A_101 : memref<1000x128xf32, #tpu.memory_space<hbm>>) dst(%arg13 : memref<128x128xf32, #tpu.memory_space<vmem>>)
    %scan3A = arith.constant 0 : i32
    %scan3A_102 = arith.constant 0 : i32
    %scan3A_103 = arith.constant 128 : i32
    %scan3A_104 = arith.addi %scan3A_102, %scan3A_103 : i32
    %scan3A_105 = arith.constant 1 : i32
    %scan3A_106 = scf.for %scan3A_262 = %scan3A_102 to %scan3A_104 step %scan3A_105 iter_args(%scan3A_263 = %scan3A) -> (i32)  : i32 {
      %broadcast_in_dim3A = arith.constant 0.000000e+00 : f32
      %broadcast_in_dim3A_264 = vector.broadcast %broadcast_in_dim3A : f32 to vector<16xf32>
      %get3A = arith.index_cast %scan3A_262 : i32 to index
      %get3A_265 = arith.constant 0 : index
      %get3A_266 = tpu.vector_load %arg11[%get3A, %get3A_265] {strides = array<i32>} : memref<128x128xf32, #tpu.memory_space<vmem>>, vector<16xf32>,
      %get3A_267 = arith.index_cast %scan3A_262 : i32 to index
      %get3A_268 = arith.constant 64 : index
      %get3A_269 = tpu.vector_load %arg11[%get3A_267, %get3A_268] {strides = array<i32>} : memref<128x128xf32, #tpu.memory_space<vmem>>, vector<16xf32>,
      %get3A_270 = arith.index_cast %scan3A_262 : i32 to index
      %get3A_271 = arith.constant 0 : index
      %get3A_272 = tpu.vector_load %arg12[%get3A_270, %get3A_271] {strides = array<i32>} : memref<128x128xf32, #tpu.memory_space<vmem>>, vector<16xf32>,
      %get3A_273 = arith.index_cast %scan3A_262 : i32 to index
      %get3A_274 = arith.constant 64 : index
      %get3A_275 = tpu.vector_load %arg12[%get3A_273, %get3A_274] {strides = array<i32>} : memref<128x128xf32, #tpu.memory_space<vmem>>, vector<16xf32>,
      %get3A_276 = arith.index_cast %scan3A_262 : i32 to index
      %get3A_277 = arith.constant 0 : index
      %get3A_278 = tpu.vector_load %arg13[%get3A_276, %get3A_277] {strides = array<i32>} : memref<128x128xf32, #tpu.memory_space<vmem>>, vector<16xf32>,
      %get3A_279 = arith.index_cast %scan3A_262 : i32 to index
      %get3A_280 = arith.constant 64 : index
      %get3A_281 = tpu.vector_load %arg13[%get3A_279, %get3A_280] {strides = array<i32>} : memref<128x128xf32, #tpu.memory_space<vmem>>, vector<16xf32>,
      %mul3A_282 = arith.mulf %get3A_278, %get3A_272 : vector<16xf32>
      %mul3A_283 = arith.mulf %get3A_281, %get3A_275 : vector<16xf32>
      %add3A_284 = arith.addf %mul3A_282, %mul3A_283 : vector<16xf32>
      %mul3A_285 = arith.mulf %get3A_278, %get3A_275 : vector<16xf32>
      %mul3A_286 = arith.mulf %get3A_281, %get3A_272 : vector<16xf32>
      %sub3A = arith.subf %mul3A_285, %mul3A_286 : vector<16xf32>
      %mul3A_287 = arith.mulf %get3A_266, %add3A_284 : vector<16xf32>
      %add3A_288 = arith.addf %broadcast_in_dim3A_264, %mul3A_287 : vector<16xf32>
      %mul3A_289 = arith.mulf %get3A_269, %sub3A : vector<16xf32>
      %add3A_290 = arith.addf %add3A_288, %mul3A_289 : vector<16xf32>
      %get3A_291 = arith.index_cast %scan3A_262 : i32 to index
      %get3A_292 = arith.constant 16 : index
      %get3A_293 = tpu.vector_load %arg11[%get3A_291, %get3A_292] {strides = array<i32>} : memref<128x128xf32, #tpu.memory_space<vmem>>, vector<16xf32>,
      %get3A_294 = arith.index_cast %scan3A_262 : i32 to index
      %get3A_295 = arith.constant 80 : index
      %get3A_296 = tpu.vector_load %arg11[%get3A_294, %get3A_295] {strides = array<i32>} : memref<128x128xf32, #tpu.memory_space<vmem>>, vector<16xf32>,
      %get3A_297 = arith.index_cast %scan3A_262 : i32 to index
      %get3A_298 = arith.constant 16 : index
      %get3A_299 = tpu.vector_load %arg12[%get3A_297, %get3A_298] {strides = array<i32>} : memref<128x128xf32, #tpu.memory_space<vmem>>, vector<16xf32>,
      %get3A_300 = arith.index_cast %scan3A_262 : i32 to index
      %get3A_301 = arith.constant 80 : index
      %get3A_302 = tpu.vector_load %arg12[%get3A_300, %get3A_301] {strides = array<i32>} : memref<128x128xf32, #tpu.memory_space<vmem>>, vector<16xf32>,
      %get3A_303 = arith.index_cast %scan3A_262 : i32 to index
      %get3A_304 = arith.constant 16 : index
      %get3A_305 = tpu.vector_load %arg13[%get3A_303, %get3A_304] {strides = array<i32>} : memref<128x128xf32, #tpu.memory_space<vmem>>, vector<16xf32>,
      %get3A_306 = arith.index_cast %scan3A_262 : i32 to index
      %get3A_307 = arith.constant 80 : index
      %get3A_308 = tpu.vector_load %arg13[%get3A_306, %get3A_307] {strides = array<i32>} : memref<128x128xf32, #tpu.memory_space<vmem>>, vector<16xf32>,
      %mul3A_309 = arith.mulf %get3A_305, %get3A_299 : vector<16xf32>
      %mul3A_310 = arith.mulf %get3A_308, %get3A_302 : vector<16xf32>
      %add3A_311 = arith.addf %mul3A_309, %mul3A_310 : vector<16xf32>
      %mul3A_312 = arith.mulf %get3A_305, %get3A_302 : vector<16xf32>
      %mul3A_313 = arith.mulf %get3A_308, %get3A_299 : vector<16xf32>
      %sub3A_314 = arith.subf %mul3A_312, %mul3A_313 : vector<16xf32>
      %mul3A_315 = arith.mulf %get3A_293, %add3A_311 : vector<16xf32>
      %add3A_316 = arith.addf %add3A_290, %mul3A_315 : vector<16xf32>
      %mul3A_317 = arith.mulf %get3A_296, %sub3A_314 : vector<16xf32>
      %add3A_318 = arith.addf %add3A_316, %mul3A_317 : vector<16xf32>
      %get3A_319 = arith.index_cast %scan3A_262 : i32 to index
      %get3A_320 = arith.constant 32 : index
      %get3A_321 = tpu.vector_load %arg11[%get3A_319, %get3A_320] {strides = array<i32>} : memref<128x128xf32, #tpu.memory_space<vmem>>, vector<16xf32>,
      %get3A_322 = arith.index_cast %scan3A_262 : i32 to index
      %get3A_323 = arith.constant 96 : index
      %get3A_324 = tpu.vector_load %arg11[%get3A_322, %get3A_323] {strides = array<i32>} : memref<128x128xf32, #tpu.memory_space<vmem>>, vector<16xf32>,
      %get3A_325 = arith.index_cast %scan3A_262 : i32 to index
      %get3A_326 = arith.constant 32 : index
      %get3A_327 = tpu.vector_load %arg12[%get3A_325, %get3A_326] {strides = array<i32>} : memref<128x128xf32, #tpu.memory_space<vmem>>, vector<16xf32>,
      %get3A_328 = arith.index_cast %scan3A_262 : i32 to index
      %get3A_329 = arith.constant 96 : index
      %get3A_330 = tpu.vector_load %arg12[%get3A_328, %get3A_329] {strides = array<i32>} : memref<128x128xf32, #tpu.memory_space<vmem>>, vector<16xf32>,
      %get3A_331 = arith.index_cast %scan3A_262 : i32 to index
      %get3A_332 = arith.constant 32 : index
      %get3A_333 = tpu.vector_load %arg13[%get3A_331, %get3A_332] {strides = array<i32>} : memref<128x128xf32, #tpu.memory_space<vmem>>, vector<16xf32>,
      %get3A_334 = arith.index_cast %scan3A_262 : i32 to index
      %get3A_335 = arith.constant 96 : index
      %get3A_336 = tpu.vector_load %arg13[%get3A_334, %get3A_335] {strides = array<i32>} : memref<128x128xf32, #tpu.memory_space<vmem>>, vector<16xf32>,
      %mul3A_337 = arith.mulf %get3A_333, %get3A_327 : vector<16xf32>
      %mul3A_338 = arith.mulf %get3A_336, %get3A_330 : vector<16xf32>
      %add3A_339 = arith.addf %mul3A_337, %mul3A_338 : vector<16xf32>
      %mul3A_340 = arith.mulf %get3A_333, %get3A_330 : vector<16xf32>
      %mul3A_341 = arith.mulf %get3A_336, %get3A_327 : vector<16xf32>
      %sub3A_342 = arith.subf %mul3A_340, %mul3A_341 : vector<16xf32>
      %mul3A_343 = arith.mulf %get3A_321, %add3A_339 : vector<16xf32>
      %add3A_344 = arith.addf %add3A_318, %mul3A_343 : vector<16xf32>
      %mul3A_345 = arith.mulf %get3A_324, %sub3A_342 : vector<16xf32>
      %add3A_346 = arith.addf %add3A_344, %mul3A_345 : vector<16xf32>
      %get3A_347 = arith.index_cast %scan3A_262 : i32 to index
      %get3A_348 = arith.constant 48 : index
      %get3A_349 = tpu.vector_load %arg11[%get3A_347, %get3A_348] {strides = array<i32>} : memref<128x128xf32, #tpu.memory_space<vmem>>, vector<16xf32>,
      %get3A_350 = arith.index_cast %scan3A_262 : i32 to index
      %get3A_351 = arith.constant 112 : index
      %get3A_352 = tpu.vector_load %arg11[%get3A_350, %get3A_351] {strides = array<i32>} : memref<128x128xf32, #tpu.memory_space<vmem>>, vector<16xf32>,
      %get3A_353 = arith.index_cast %scan3A_262 : i32 to index
      %get3A_354 = arith.constant 48 : index
      %get3A_355 = tpu.vector_load %arg12[%get3A_353, %get3A_354] {strides = array<i32>} : memref<128x128xf32, #tpu.memory_space<vmem>>, vector<16xf32>,
      %get3A_356 = arith.index_cast %scan3A_262 : i32 to index
      %get3A_357 = arith.constant 112 : index
      %get3A_358 = tpu.vector_load %arg12[%get3A_356, %get3A_357] {strides = array<i32>} : memref<128x128xf32, #tpu.memory_space<vmem>>, vector<16xf32>,
      %get3A_359 = arith.index_cast %scan3A_262 : i32 to index
      %get3A_360 = arith.constant 48 : index
      %get3A_361 = tpu.vector_load %arg13[%get3A_359, %get3A_360] {strides = array<i32>} : memref<128x128xf32, #tpu.memory_space<vmem>>, vector<16xf32>,
      %get3A_362 = arith.index_cast %scan3A_262 : i32 to index
      %get3A_363 = arith.constant 112 : index
      %get3A_364 = tpu.vector_load %arg13[%get3A_362, %get3A_363] {strides = array<i32>} : memref<128x128xf32, #tpu.memory_space<vmem>>, vector<16xf32>,
      %mul3A_365 = arith.mulf %get3A_361, %get3A_355 : vector<16xf32>
      %mul3A_366 = arith.mulf %get3A_364, %get3A_358 : vector<16xf32>
      %add3A_367 = arith.addf %mul3A_365, %mul3A_366 : vector<16xf32>
      %mul3A_368 = arith.mulf %get3A_361, %get3A_358 : vector<16xf32>
      %mul3A_369 = arith.mulf %get3A_364, %get3A_355 : vector<16xf32>
      %sub3A_370 = arith.subf %mul3A_368, %mul3A_369 : vector<16xf32>
      %mul3A_371 = arith.mulf %get3A_349, %add3A_367 : vector<16xf32>
      %add3A_372 = arith.addf %add3A_346, %mul3A_371 : vector<16xf32>
      %mul3A_373 = arith.mulf %get3A_352, %sub3A_370 : vector<16xf32>
      %add3A_374 = arith.addf %add3A_372, %mul3A_373 : vector<16xf32>
      %add3A_375 = vector.broadcast %scan3A_262 : i32 to vector<16xi32>
      %add3A_376 = arith.addi %mul3A_40, %add3A_375 : vector<16xi32>
      tpu.vector_store_idx %arg17[%add3A_376], %add3A_374 : memref<2048xf32, #tpu.memory_space<vmem>>[vector<16xi32>], vector<16xf32>,
      %scan3A_377 = arith.constant 0 : i32
      scf.yield %scan3A_377 : i32
    }
    %scan3A_107 = arith.constant 128 : i32
    %scan3A_108 = arith.constant 0 : i32
    %scan3A_109 = arith.constant 0 : i32
    %scan3A_110 = arith.constant 8 : i32
    %scan3A_111 = arith.addi %scan3A_109, %scan3A_110 : i32
    %scan3A_112 = arith.constant 1 : i32
    %scan3A_113 = scf.for %scan3A_262 = %scan3A_109 to %scan3A_111 step %scan3A_112 iter_args(%scan3A_263 = %scan3A_108) -> (i32)  : i32 {
      %mul3A_264 = arith.constant 16 : i32
      %mul3A_265 = arith.muli %scan3A_262, %mul3A_264 : i32
      %get3A = arith.index_cast %mul3A_265 : i32 to index
      %get3A_266 = tpu.vector_load %arg17[%get3A] {strides = array<i32>} : memref<2048xf32, #tpu.memory_space<vmem>>, vector<16xf32>,
      %mul3A_267 = arith.constant 16 : i32
      %mul3A_268 = arith.muli %scan3A_262, %mul3A_267 : i32
      %add3A_269 = arith.constant 128 : i32
      %add3A_270 = arith.addi %add3A_269, %mul3A_268 : i32
      %get3A_271 = arith.index_cast %add3A_270 : i32 to index
      %get3A_272 = tpu.vector_load %arg17[%get3A_271] {strides = array<i32>} : memref<2048xf32, #tpu.memory_space<vmem>>, vector<16xf32>,
      %add3A_273 = arith.addf %get3A_266, %get3A_272 : vector<16xf32>
      %mul3A_274 = arith.constant 16 : i32
      %mul3A_275 = arith.muli %scan3A_262, %mul3A_274 : i32
      %add3A_276 = arith.constant 256 : i32
      %add3A_277 = arith.addi %add3A_276, %mul3A_275 : i32
      %get3A_278 = arith.index_cast %add3A_277 : i32 to index
      %get3A_279 = tpu.vector_load %arg17[%get3A_278] {strides = array<i32>} : memref<2048xf32, #tpu.memory_space<vmem>>, vector<16xf32>,
      %add3A_280 = arith.addf %add3A_273, %get3A_279 : vector<16xf32>
      %mul3A_281 = arith.constant 16 : i32
      %mul3A_282 = arith.muli %scan3A_262, %mul3A_281 : i32
      %add3A_283 = arith.constant 384 : i32
      %add3A_284 = arith.addi %add3A_283, %mul3A_282 : i32
      %get3A_285 = arith.index_cast %add3A_284 : i32 to index
      %get3A_286 = tpu.vector_load %arg17[%get3A_285] {strides = array<i32>} : memref<2048xf32, #tpu.memory_space<vmem>>, vector<16xf32>,
      %add3A_287 = arith.addf %add3A_280, %get3A_286 : vector<16xf32>
      %mul3A_288 = arith.constant 16 : i32
      %mul3A_289 = arith.muli %scan3A_262, %mul3A_288 : i32
      %add3A_290 = arith.constant 512 : i32
      %add3A_291 = arith.addi %add3A_290, %mul3A_289 : i32
      %get3A_292 = arith.index_cast %add3A_291 : i32 to index
      %get3A_293 = tpu.vector_load %arg17[%get3A_292] {strides = array<i32>} : memref<2048xf32, #tpu.memory_space<vmem>>, vector<16xf32>,
      %add3A_294 = arith.addf %add3A_287, %get3A_293 : vector<16xf32>
      %mul3A_295 = arith.constant 16 : i32
      %mul3A_296 = arith.muli %scan3A_262, %mul3A_295 : i32
      %add3A_297 = arith.constant 640 : i32
      %add3A_298 = arith.addi %add3A_297, %mul3A_296 : i32
      %get3A_299 = arith.index_cast %add3A_298 : i32 to index
      %get3A_300 = tpu.vector_load %arg17[%get3A_299] {strides = array<i32>} : memref<2048xf32, #tpu.memory_space<vmem>>, vector<16xf32>,
      %add3A_301 = arith.addf %add3A_294, %get3A_300 : vector<16xf32>
      %mul3A_302 = arith.constant 16 : i32
      %mul3A_303 = arith.muli %scan3A_262, %mul3A_302 : i32
      %add3A_304 = arith.constant 768 : i32
      %add3A_305 = arith.addi %add3A_304, %mul3A_303 : i32
      %get3A_306 = arith.index_cast %add3A_305 : i32 to index
      %get3A_307 = tpu.vector_load %arg17[%get3A_306] {strides = array<i32>} : memref<2048xf32, #tpu.memory_space<vmem>>, vector<16xf32>,
      %add3A_308 = arith.addf %add3A_301, %get3A_307 : vector<16xf32>
      %mul3A_309 = arith.constant 16 : i32
      %mul3A_310 = arith.muli %scan3A_262, %mul3A_309 : i32
      %add3A_311 = arith.constant 896 : i32
      %add3A_312 = arith.addi %add3A_311, %mul3A_310 : i32
      %get3A_313 = arith.index_cast %add3A_312 : i32 to index
      %get3A_314 = tpu.vector_load %arg17[%get3A_313] {strides = array<i32>} : memref<2048xf32, #tpu.memory_space<vmem>>, vector<16xf32>,
      %add3A_315 = arith.addf %add3A_308, %get3A_314 : vector<16xf32>
      %mul3A_316 = arith.constant 16 : i32
      %mul3A_317 = arith.muli %scan3A_262, %mul3A_316 : i32
      %add3A_318 = arith.constant 1024 : i32
      %add3A_319 = arith.addi %add3A_318, %mul3A_317 : i32
      %get3A_320 = arith.index_cast %add3A_319 : i32 to index
      %get3A_321 = tpu.vector_load %arg17[%get3A_320] {strides = array<i32>} : memref<2048xf32, #tpu.memory_space<vmem>>, vector<16xf32>,
      %add3A_322 = arith.addf %add3A_315, %get3A_321 : vector<16xf32>
      %mul3A_323 = arith.constant 16 : i32
      %mul3A_324 = arith.muli %scan3A_262, %mul3A_323 : i32
      %add3A_325 = arith.constant 1152 : i32
      %add3A_326 = arith.addi %add3A_325, %mul3A_324 : i32
      %get3A_327 = arith.index_cast %add3A_326 : i32 to index
      %get3A_328 = tpu.vector_load %arg17[%get3A_327] {strides = array<i32>} : memref<2048xf32, #tpu.memory_space<vmem>>, vector<16xf32>,
      %add3A_329 = arith.addf %add3A_322, %get3A_328 : vector<16xf32>
      %mul3A_330 = arith.constant 16 : i32
      %mul3A_331 = arith.muli %scan3A_262, %mul3A_330 : i32
      %add3A_332 = arith.constant 1280 : i32
      %add3A_333 = arith.addi %add3A_332, %mul3A_331 : i32
      %get3A_334 = arith.index_cast %add3A_333 : i32 to index
      %get3A_335 = tpu.vector_load %arg17[%get3A_334] {strides = array<i32>} : memref<2048xf32, #tpu.memory_space<vmem>>, vector<16xf32>,
      %add3A_336 = arith.addf %add3A_329, %get3A_335 : vector<16xf32>
      %mul3A_337 = arith.constant 16 : i32
      %mul3A_338 = arith.muli %scan3A_262, %mul3A_337 : i32
      %add3A_339 = arith.constant 1408 : i32
      %add3A_340 = arith.addi %add3A_339, %mul3A_338 : i32
      %get3A_341 = arith.index_cast %add3A_340 : i32 to index
      %get3A_342 = tpu.vector_load %arg17[%get3A_341] {strides = array<i32>} : memref<2048xf32, #tpu.memory_space<vmem>>, vector<16xf32>,
      %add3A_343 = arith.addf %add3A_336, %get3A_342 : vector<16xf32>
      %mul3A_344 = arith.constant 16 : i32
      %mul3A_345 = arith.muli %scan3A_262, %mul3A_344 : i32
      %add3A_346 = arith.constant 1536 : i32
      %add3A_347 = arith.addi %add3A_346, %mul3A_345 : i32
      %get3A_348 = arith.index_cast %add3A_347 : i32 to index
      %get3A_349 = tpu.vector_load %arg17[%get3A_348] {strides = array<i32>} : memref<2048xf32, #tpu.memory_space<vmem>>, vector<16xf32>,
      %add3A_350 = arith.addf %add3A_343, %get3A_349 : vector<16xf32>
      %mul3A_351 = arith.constant 16 : i32
      %mul3A_352 = arith.muli %scan3A_262, %mul3A_351 : i32
      %add3A_353 = arith.constant 1664 : i32
      %add3A_354 = arith.addi %add3A_353, %mul3A_352 : i32
      %get3A_355 = arith.index_cast %add3A_354 : i32 to index
      %get3A_356 = tpu.vector_load %arg17[%get3A_355] {strides = array<i32>} : memref<2048xf32, #tpu.memory_space<vmem>>, vector<16xf32>,
      %add3A_357 = arith.addf %add3A_350, %get3A_356 : vector<16xf32>
      %mul3A_358 = arith.constant 16 : i32
      %mul3A_359 = arith.muli %scan3A_262, %mul3A_358 : i32
      %add3A_360 = arith.constant 1792 : i32
      %add3A_361 = arith.addi %add3A_360, %mul3A_359 : i32
      %get3A_362 = arith.index_cast %add3A_361 : i32 to index
      %get3A_363 = tpu.vector_load %arg17[%get3A_362] {strides = array<i32>} : memref<2048xf32, #tpu.memory_space<vmem>>, vector<16xf32>,
      %add3A_364 = arith.addf %add3A_357, %get3A_363 : vector<16xf32>
      %mul3A_365 = arith.constant 16 : i32
      %mul3A_366 = arith.muli %scan3A_262, %mul3A_365 : i32
      %add3A_367 = arith.constant 1920 : i32
      %add3A_368 = arith.addi %add3A_367, %mul3A_366 : i32
      %get3A_369 = arith.index_cast %add3A_368 : i32 to index
      %get3A_370 = tpu.vector_load %arg17[%get3A_369] {strides = array<i32>} : memref<2048xf32, #tpu.memory_space<vmem>>, vector<16xf32>,
      %add3A_371 = arith.addf %add3A_364, %get3A_370 : vector<16xf32>
      %mul3A_372 = arith.constant 16 : i32
      %mul3A_373 = arith.muli %scan3A_262, %mul3A_372 : i32
      %add3A_374 = arith.constant 0 : i32
      %add3A_375 = arith.addi %add3A_374, %mul3A_373 : i32
      %swap3A = arith.index_cast %add3A_375 : i32 to index
      %swap3A_376 = tpu.vector_load %arg18[%swap3A] {strides = array<i32>} : memref<512xf32, #tpu.memory_space<vmem>>, vector<16xf32>,
      tpu.vector_store %arg18[%swap3A], %add3A_371 {strides = array<i32>} : memref<512xf32, #tpu.memory_space<vmem>>, vector<16xf32>,
      %scan3A_377 = arith.constant 0 : i32
      scf.yield %scan3A_377 : i32
    }
    %scan3A_114 = arith.constant 8 : i32
    %dma_start3A_115 = arith.constant 2 : i32
    %dma_start3A_116 = arith.constant 0 : i32
    %dma_start3A_117 = tpu.memref_slice %arg8[%dma_start3A_115, %dma_start3A_116] : memref<4x128xi32, #tpu.memory_space<vmem>> -> memref<1x128xi32, #tpu.memory_space<vmem>>
    %dma_start3A_118 = tpu.memref_squeeze %dma_start3A_117 : memref<1x128xi32, #tpu.memory_space<vmem>> -> memref<128xi32, #tpu.memory_space<vmem>>
    %dma_start3A_119 = arith.constant 0 : i32
    %dma_start3A_120 = arith.constant 0 : i32
    %dma_start3A_121 = tpu.memref_slice %arg5[%dma_start3A_119, %dma_start3A_120] : memref<100000x128xf32, #tpu.memory_space<hbm>> -> memref<100000x128xf32, #tpu.memory_space<hbm>>
    tpu.enqueue_indirect_dma source(%dma_start3A_121 : memref<100000x128xf32, #tpu.memory_space<hbm>>) target(%arg11 : memref<128x128xf32, #tpu.memory_space<vmem>>) offsets(%dma_start3A_118 : memref<128xi32, #tpu.memory_space<vmem>>) semaphore(%arg19 : memref<!tpu.dma_semaphore, #tpu.memory_space<semaphore_mem>>)
    %dma_start3A_122 = arith.constant 2 : i32
    %dma_start3A_123 = arith.constant 0 : i32
    %dma_start3A_124 = tpu.memref_slice %arg10[%dma_start3A_122, %dma_start3A_123] : memref<4x128xi32, #tpu.memory_space<vmem>> -> memref<1x128xi32, #tpu.memory_space<vmem>>
    %dma_start3A_125 = tpu.memref_squeeze %dma_start3A_124 : memref<1x128xi32, #tpu.memory_space<vmem>> -> memref<128xi32, #tpu.memory_space<vmem>>
    %dma_start3A_126 = arith.constant 0 : i32
    %dma_start3A_127 = arith.constant 0 : i32
    %dma_start3A_128 = tpu.memref_slice %arg5[%dma_start3A_126, %dma_start3A_127] : memref<100000x128xf32, #tpu.memory_space<hbm>> -> memref<100000x128xf32, #tpu.memory_space<hbm>>
    tpu.enqueue_indirect_dma source(%dma_start3A_128 : memref<100000x128xf32, #tpu.memory_space<hbm>>) target(%arg12 : memref<128x128xf32, #tpu.memory_space<vmem>>) offsets(%dma_start3A_125 : memref<128xi32, #tpu.memory_space<vmem>>) semaphore(%arg19 : memref<!tpu.dma_semaphore, #tpu.memory_space<semaphore_mem>>)
    %dma_start3A_129 = arith.constant 2 : i32
    %dma_start3A_130 = arith.constant 0 : i32
    %dma_start3A_131 = tpu.memref_slice %arg9[%dma_start3A_129, %dma_start3A_130] : memref<4x128xi32, #tpu.memory_space<vmem>> -> memref<1x128xi32, #tpu.memory_space<vmem>>
    %dma_start3A_132 = tpu.memref_squeeze %dma_start3A_131 : memref<1x128xi32, #tpu.memory_space<vmem>> -> memref<128xi32, #tpu.memory_space<vmem>>
    %dma_start3A_133 = arith.constant 0 : i32
    %dma_start3A_134 = arith.constant 0 : i32
    %dma_start3A_135 = tpu.memref_slice %arg6[%dma_start3A_133, %dma_start3A_134] : memref<1000x128xf32, #tpu.memory_space<hbm>> -> memref<1000x128xf32, #tpu.memory_space<hbm>>
    tpu.enqueue_indirect_dma source(%dma_start3A_135 : memref<1000x128xf32, #tpu.memory_space<hbm>>) target(%arg13 : memref<128x128xf32, #tpu.memory_space<vmem>>) offsets(%dma_start3A_132 : memref<128xi32, #tpu.memory_space<vmem>>) semaphore(%arg19 : memref<!tpu.dma_semaphore, #tpu.memory_space<semaphore_mem>>)
    %dma_wait3A_136 = arith.constant 1 : i32
    %dma_wait3A_137 = arith.constant 0 : i32
    %dma_wait3A_138 = tpu.memref_slice %arg8[%dma_wait3A_136, %dma_wait3A_137] : memref<4x128xi32, #tpu.memory_space<vmem>> -> memref<1x128xi32, #tpu.memory_space<vmem>>
    %dma_wait3A_139 = tpu.memref_squeeze %dma_wait3A_138 : memref<1x128xi32, #tpu.memory_space<vmem>> -> memref<128xi32, #tpu.memory_space<vmem>>
    %dma_wait3A_140 = arith.constant 0 : i32
    %dma_wait3A_141 = arith.constant 0 : i32
    %dma_wait3A_142 = tpu.memref_slice %arg5[%dma_wait3A_140, %dma_wait3A_141] : memref<100000x128xf32, #tpu.memory_space<hbm>> -> memref<100000x128xf32, #tpu.memory_space<hbm>>
    tpu.wait_indirect_dma semaphore(%arg20 : memref<!tpu.dma_semaphore, #tpu.memory_space<semaphore_mem>>) src(%dma_wait3A_142 : memref<100000x128xf32, #tpu.memory_space<hbm>>) dst(%arg14 : memref<128x128xf32, #tpu.memory_space<vmem>>)
    %dma_wait3A_143 = arith.constant 1 : i32
    %dma_wait3A_144 = arith.constant 0 : i32
    %dma_wait3A_145 = tpu.memref_slice %arg10[%dma_wait3A_143, %dma_wait3A_144] : memref<4x128xi32, #tpu.memory_space<vmem>> -> memref<1x128xi32, #tpu.memory_space<vmem>>
    %dma_wait3A_146 = tpu.memref_squeeze %dma_wait3A_145 : memref<1x128xi32, #tpu.memory_space<vmem>> -> memref<128xi32, #tpu.memory_space<vmem>>
    %dma_wait3A_147 = arith.constant 0 : i32
    %dma_wait3A_148 = arith.constant 0 : i32
    %dma_wait3A_149 = tpu.memref_slice %arg5[%dma_wait3A_147, %dma_wait3A_148] : memref<100000x128xf32, #tpu.memory_space<hbm>> -> memref<100000x128xf32, #tpu.memory_space<hbm>>
    tpu.wait_indirect_dma semaphore(%arg20 : memref<!tpu.dma_semaphore, #tpu.memory_space<semaphore_mem>>) src(%dma_wait3A_149 : memref<100000x128xf32, #tpu.memory_space<hbm>>) dst(%arg15 : memref<128x128xf32, #tpu.memory_space<vmem>>)
    %dma_wait3A_150 = arith.constant 1 : i32
    %dma_wait3A_151 = arith.constant 0 : i32
    %dma_wait3A_152 = tpu.memref_slice %arg9[%dma_wait3A_150, %dma_wait3A_151] : memref<4x128xi32, #tpu.memory_space<vmem>> -> memref<1x128xi32, #tpu.memory_space<vmem>>
    %dma_wait3A_153 = tpu.memref_squeeze %dma_wait3A_152 : memref<1x128xi32, #tpu.memory_space<vmem>> -> memref<128xi32, #tpu.memory_space<vmem>>
    %dma_wait3A_154 = arith.constant 0 : i32
    %dma_wait3A_155 = arith.constant 0 : i32
    %dma_wait3A_156 = tpu.memref_slice %arg6[%dma_wait3A_154, %dma_wait3A_155] : memref<1000x128xf32, #tpu.memory_space<hbm>> -> memref<1000x128xf32, #tpu.memory_space<hbm>>
    tpu.wait_indirect_dma semaphore(%arg20 : memref<!tpu.dma_semaphore, #tpu.memory_space<semaphore_mem>>) src(%dma_wait3A_156 : memref<1000x128xf32, #tpu.memory_space<hbm>>) dst(%arg16 : memref<128x128xf32, #tpu.memory_space<vmem>>)
    %scan3A_157 = arith.constant 0 : i32
    %scan3A_158 = arith.constant 0 : i32
    %scan3A_159 = arith.constant 128 : i32
    %scan3A_160 = arith.addi %scan3A_158, %scan3A_159 : i32
    %scan3A_161 = arith.constant 1 : i32
    %scan3A_162 = scf.for %scan3A_262 = %scan3A_158 to %scan3A_160 step %scan3A_161 iter_args(%scan3A_263 = %scan3A_157) -> (i32)  : i32 {
      %broadcast_in_dim3A = arith.constant 0.000000e+00 : f32
      %broadcast_in_dim3A_264 = vector.broadcast %broadcast_in_dim3A : f32 to vector<16xf32>
      %get3A = arith.index_cast %scan3A_262 : i32 to index
      %get3A_265 = arith.constant 0 : index
      %get3A_266 = tpu.vector_load %arg14[%get3A, %get3A_265] {strides = array<i32>} : memref<128x128xf32, #tpu.memory_space<vmem>>, vector<16xf32>,
      %get3A_267 = arith.index_cast %scan3A_262 : i32 to index
      %get3A_268 = arith.constant 64 : index
      %get3A_269 = tpu.vector_load %arg14[%get3A_267, %get3A_268] {strides = array<i32>} : memref<128x128xf32, #tpu.memory_space<vmem>>, vector<16xf32>,
      %get3A_270 = arith.index_cast %scan3A_262 : i32 to index
      %get3A_271 = arith.constant 0 : index
      %get3A_272 = tpu.vector_load %arg15[%get3A_270, %get3A_271] {strides = array<i32>} : memref<128x128xf32, #tpu.memory_space<vmem>>, vector<16xf32>,
      %get3A_273 = arith.index_cast %scan3A_262 : i32 to index
      %get3A_274 = arith.constant 64 : index
      %get3A_275 = tpu.vector_load %arg15[%get3A_273, %get3A_274] {strides = array<i32>} : memref<128x128xf32, #tpu.memory_space<vmem>>, vector<16xf32>,
      %get3A_276 = arith.index_cast %scan3A_262 : i32 to index
      %get3A_277 = arith.constant 0 : index
      %get3A_278 = tpu.vector_load %arg16[%get3A_276, %get3A_277] {strides = array<i32>} : memref<128x128xf32, #tpu.memory_space<vmem>>, vector<16xf32>,
      %get3A_279 = arith.index_cast %scan3A_262 : i32 to index
      %get3A_280 = arith.constant 64 : index
      %get3A_281 = tpu.vector_load %arg16[%get3A_279, %get3A_280] {strides = array<i32>} : memref<128x128xf32, #tpu.memory_space<vmem>>, vector<16xf32>,
      %mul3A_282 = arith.mulf %get3A_278, %get3A_272 : vector<16xf32>
      %mul3A_283 = arith.mulf %get3A_281, %get3A_275 : vector<16xf32>
      %add3A_284 = arith.addf %mul3A_282, %mul3A_283 : vector<16xf32>
      %mul3A_285 = arith.mulf %get3A_278, %get3A_275 : vector<16xf32>
      %mul3A_286 = arith.mulf %get3A_281, %get3A_272 : vector<16xf32>
      %sub3A = arith.subf %mul3A_285, %mul3A_286 : vector<16xf32>
      %mul3A_287 = arith.mulf %get3A_266, %add3A_284 : vector<16xf32>
      %add3A_288 = arith.addf %broadcast_in_dim3A_264, %mul3A_287 : vector<16xf32>
      %mul3A_289 = arith.mulf %get3A_269, %sub3A : vector<16xf32>
      %add3A_290 = arith.addf %add3A_288, %mul3A_289 : vector<16xf32>
      %get3A_291 = arith.index_cast %scan3A_262 : i32 to index
      %get3A_292 = arith.constant 16 : index
      %get3A_293 = tpu.vector_load %arg14[%get3A_291, %get3A_292] {strides = array<i32>} : memref<128x128xf32, #tpu.memory_space<vmem>>, vector<16xf32>,
      %get3A_294 = arith.index_cast %scan3A_262 : i32 to index
      %get3A_295 = arith.constant 80 : index
      %get3A_296 = tpu.vector_load %arg14[%get3A_294, %get3A_295] {strides = array<i32>} : memref<128x128xf32, #tpu.memory_space<vmem>>, vector<16xf32>,
      %get3A_297 = arith.index_cast %scan3A_262 : i32 to index
      %get3A_298 = arith.constant 16 : index
      %get3A_299 = tpu.vector_load %arg15[%get3A_297, %get3A_298] {strides = array<i32>} : memref<128x128xf32, #tpu.memory_space<vmem>>, vector<16xf32>,
      %get3A_300 = arith.index_cast %scan3A_262 : i32 to index
      %get3A_301 = arith.constant 80 : index
      %get3A_302 = tpu.vector_load %arg15[%get3A_300, %get3A_301] {strides = array<i32>} : memref<128x128xf32, #tpu.memory_space<vmem>>, vector<16xf32>,
      %get3A_303 = arith.index_cast %scan3A_262 : i32 to index
      %get3A_304 = arith.constant 16 : index
      %get3A_305 = tpu.vector_load %arg16[%get3A_303, %get3A_304] {strides = array<i32>} : memref<128x128xf32, #tpu.memory_space<vmem>>, vector<16xf32>,
      %get3A_306 = arith.index_cast %scan3A_262 : i32 to index
      %get3A_307 = arith.constant 80 : index
      %get3A_308 = tpu.vector_load %arg16[%get3A_306, %get3A_307] {strides = array<i32>} : memref<128x128xf32, #tpu.memory_space<vmem>>, vector<16xf32>,
      %mul3A_309 = arith.mulf %get3A_305, %get3A_299 : vector<16xf32>
      %mul3A_310 = arith.mulf %get3A_308, %get3A_302 : vector<16xf32>
      %add3A_311 = arith.addf %mul3A_309, %mul3A_310 : vector<16xf32>
      %mul3A_312 = arith.mulf %get3A_305, %get3A_302 : vector<16xf32>
      %mul3A_313 = arith.mulf %get3A_308, %get3A_299 : vector<16xf32>
      %sub3A_314 = arith.subf %mul3A_312, %mul3A_313 : vector<16xf32>
      %mul3A_315 = arith.mulf %get3A_293, %add3A_311 : vector<16xf32>
      %add3A_316 = arith.addf %add3A_290, %mul3A_315 : vector<16xf32>
      %mul3A_317 = arith.mulf %get3A_296, %sub3A_314 : vector<16xf32>
      %add3A_318 = arith.addf %add3A_316, %mul3A_317 : vector<16xf32>
      %get3A_319 = arith.index_cast %scan3A_262 : i32 to index
      %get3A_320 = arith.constant 32 : index
      %get3A_321 = tpu.vector_load %arg14[%get3A_319, %get3A_320] {strides = array<i32>} : memref<128x128xf32, #tpu.memory_space<vmem>>, vector<16xf32>,
      %get3A_322 = arith.index_cast %scan3A_262 : i32 to index
      %get3A_323 = arith.constant 96 : index
      %get3A_324 = tpu.vector_load %arg14[%get3A_322, %get3A_323] {strides = array<i32>} : memref<128x128xf32, #tpu.memory_space<vmem>>, vector<16xf32>,
      %get3A_325 = arith.index_cast %scan3A_262 : i32 to index
      %get3A_326 = arith.constant 32 : index
      %get3A_327 = tpu.vector_load %arg15[%get3A_325, %get3A_326] {strides = array<i32>} : memref<128x128xf32, #tpu.memory_space<vmem>>, vector<16xf32>,
      %get3A_328 = arith.index_cast %scan3A_262 : i32 to index
      %get3A_329 = arith.constant 96 : index
      %get3A_330 = tpu.vector_load %arg15[%get3A_328, %get3A_329] {strides = array<i32>} : memref<128x128xf32, #tpu.memory_space<vmem>>, vector<16xf32>,
      %get3A_331 = arith.index_cast %scan3A_262 : i32 to index
      %get3A_332 = arith.constant 32 : index
      %get3A_333 = tpu.vector_load %arg16[%get3A_331, %get3A_332] {strides = array<i32>} : memref<128x128xf32, #tpu.memory_space<vmem>>, vector<16xf32>,
      %get3A_334 = arith.index_cast %scan3A_262 : i32 to index
      %get3A_335 = arith.constant 96 : index
      %get3A_336 = tpu.vector_load %arg16[%get3A_334, %get3A_335] {strides = array<i32>} : memref<128x128xf32, #tpu.memory_space<vmem>>, vector<16xf32>,
      %mul3A_337 = arith.mulf %get3A_333, %get3A_327 : vector<16xf32>
      %mul3A_338 = arith.mulf %get3A_336, %get3A_330 : vector<16xf32>
      %add3A_339 = arith.addf %mul3A_337, %mul3A_338 : vector<16xf32>
      %mul3A_340 = arith.mulf %get3A_333, %get3A_330 : vector<16xf32>
      %mul3A_341 = arith.mulf %get3A_336, %get3A_327 : vector<16xf32>
      %sub3A_342 = arith.subf %mul3A_340, %mul3A_341 : vector<16xf32>
      %mul3A_343 = arith.mulf %get3A_321, %add3A_339 : vector<16xf32>
      %add3A_344 = arith.addf %add3A_318, %mul3A_343 : vector<16xf32>
      %mul3A_345 = arith.mulf %get3A_324, %sub3A_342 : vector<16xf32>
      %add3A_346 = arith.addf %add3A_344, %mul3A_345 : vector<16xf32>
      %get3A_347 = arith.index_cast %scan3A_262 : i32 to index
      %get3A_348 = arith.constant 48 : index
      %get3A_349 = tpu.vector_load %arg14[%get3A_347, %get3A_348] {strides = array<i32>} : memref<128x128xf32, #tpu.memory_space<vmem>>, vector<16xf32>,
      %get3A_350 = arith.index_cast %scan3A_262 : i32 to index
      %get3A_351 = arith.constant 112 : index
      %get3A_352 = tpu.vector_load %arg14[%get3A_350, %get3A_351] {strides = array<i32>} : memref<128x128xf32, #tpu.memory_space<vmem>>, vector<16xf32>,
      %get3A_353 = arith.index_cast %scan3A_262 : i32 to index
      %get3A_354 = arith.constant 48 : index
      %get3A_355 = tpu.vector_load %arg15[%get3A_353, %get3A_354] {strides = array<i32>} : memref<128x128xf32, #tpu.memory_space<vmem>>, vector<16xf32>,
      %get3A_356 = arith.index_cast %scan3A_262 : i32 to index
      %get3A_357 = arith.constant 112 : index
      %get3A_358 = tpu.vector_load %arg15[%get3A_356, %get3A_357] {strides = array<i32>} : memref<128x128xf32, #tpu.memory_space<vmem>>, vector<16xf32>,
      %get3A_359 = arith.index_cast %scan3A_262 : i32 to index
      %get3A_360 = arith.constant 48 : index
      %get3A_361 = tpu.vector_load %arg16[%get3A_359, %get3A_360] {strides = array<i32>} : memref<128x128xf32, #tpu.memory_space<vmem>>, vector<16xf32>,
      %get3A_362 = arith.index_cast %scan3A_262 : i32 to index
      %get3A_363 = arith.constant 112 : index
      %get3A_364 = tpu.vector_load %arg16[%get3A_362, %get3A_363] {strides = array<i32>} : memref<128x128xf32, #tpu.memory_space<vmem>>, vector<16xf32>,
      %mul3A_365 = arith.mulf %get3A_361, %get3A_355 : vector<16xf32>
      %mul3A_366 = arith.mulf %get3A_364, %get3A_358 : vector<16xf32>
      %add3A_367 = arith.addf %mul3A_365, %mul3A_366 : vector<16xf32>
      %mul3A_368 = arith.mulf %get3A_361, %get3A_358 : vector<16xf32>
      %mul3A_369 = arith.mulf %get3A_364, %get3A_355 : vector<16xf32>
      %sub3A_370 = arith.subf %mul3A_368, %mul3A_369 : vector<16xf32>
      %mul3A_371 = arith.mulf %get3A_349, %add3A_367 : vector<16xf32>
      %add3A_372 = arith.addf %add3A_346, %mul3A_371 : vector<16xf32>
      %mul3A_373 = arith.mulf %get3A_352, %sub3A_370 : vector<16xf32>
      %add3A_374 = arith.addf %add3A_372, %mul3A_373 : vector<16xf32>
      %add3A_375 = vector.broadcast %scan3A_262 : i32 to vector<16xi32>
      %add3A_376 = arith.addi %mul3A_40, %add3A_375 : vector<16xi32>
      tpu.vector_store_idx %arg17[%add3A_376], %add3A_374 : memref<2048xf32, #tpu.memory_space<vmem>>[vector<16xi32>], vector<16xf32>,
      %scan3A_377 = arith.constant 0 : i32
      scf.yield %scan3A_377 : i32
    }
    %scan3A_163 = arith.constant 128 : i32
    %scan3A_164 = arith.constant 0 : i32
    %scan3A_165 = arith.constant 0 : i32
    %scan3A_166 = arith.constant 8 : i32
    %scan3A_167 = arith.addi %scan3A_165, %scan3A_166 : i32
    %scan3A_168 = arith.constant 1 : i32
    %scan3A_169 = scf.for %scan3A_262 = %scan3A_165 to %scan3A_167 step %scan3A_168 iter_args(%scan3A_263 = %scan3A_164) -> (i32)  : i32 {
      %mul3A_264 = arith.constant 16 : i32
      %mul3A_265 = arith.muli %scan3A_262, %mul3A_264 : i32
      %get3A = arith.index_cast %mul3A_265 : i32 to index
      %get3A_266 = tpu.vector_load %arg17[%get3A] {strides = array<i32>} : memref<2048xf32, #tpu.memory_space<vmem>>, vector<16xf32>,
      %mul3A_267 = arith.constant 16 : i32
      %mul3A_268 = arith.muli %scan3A_262, %mul3A_267 : i32
      %add3A_269 = arith.constant 128 : i32
      %add3A_270 = arith.addi %add3A_269, %mul3A_268 : i32
      %get3A_271 = arith.index_cast %add3A_270 : i32 to index
      %get3A_272 = tpu.vector_load %arg17[%get3A_271] {strides = array<i32>} : memref<2048xf32, #tpu.memory_space<vmem>>, vector<16xf32>,
      %add3A_273 = arith.addf %get3A_266, %get3A_272 : vector<16xf32>
      %mul3A_274 = arith.constant 16 : i32
      %mul3A_275 = arith.muli %scan3A_262, %mul3A_274 : i32
      %add3A_276 = arith.constant 256 : i32
      %add3A_277 = arith.addi %add3A_276, %mul3A_275 : i32
      %get3A_278 = arith.index_cast %add3A_277 : i32 to index
      %get3A_279 = tpu.vector_load %arg17[%get3A_278] {strides = array<i32>} : memref<2048xf32, #tpu.memory_space<vmem>>, vector<16xf32>,
      %add3A_280 = arith.addf %add3A_273, %get3A_279 : vector<16xf32>
      %mul3A_281 = arith.constant 16 : i32
      %mul3A_282 = arith.muli %scan3A_262, %mul3A_281 : i32
      %add3A_283 = arith.constant 384 : i32
      %add3A_284 = arith.addi %add3A_283, %mul3A_282 : i32
      %get3A_285 = arith.index_cast %add3A_284 : i32 to index
      %get3A_286 = tpu.vector_load %arg17[%get3A_285] {strides = array<i32>} : memref<2048xf32, #tpu.memory_space<vmem>>, vector<16xf32>,
      %add3A_287 = arith.addf %add3A_280, %get3A_286 : vector<16xf32>
      %mul3A_288 = arith.constant 16 : i32
      %mul3A_289 = arith.muli %scan3A_262, %mul3A_288 : i32
      %add3A_290 = arith.constant 512 : i32
      %add3A_291 = arith.addi %add3A_290, %mul3A_289 : i32
      %get3A_292 = arith.index_cast %add3A_291 : i32 to index
      %get3A_293 = tpu.vector_load %arg17[%get3A_292] {strides = array<i32>} : memref<2048xf32, #tpu.memory_space<vmem>>, vector<16xf32>,
      %add3A_294 = arith.addf %add3A_287, %get3A_293 : vector<16xf32>
      %mul3A_295 = arith.constant 16 : i32
      %mul3A_296 = arith.muli %scan3A_262, %mul3A_295 : i32
      %add3A_297 = arith.constant 640 : i32
      %add3A_298 = arith.addi %add3A_297, %mul3A_296 : i32
      %get3A_299 = arith.index_cast %add3A_298 : i32 to index
      %get3A_300 = tpu.vector_load %arg17[%get3A_299] {strides = array<i32>} : memref<2048xf32, #tpu.memory_space<vmem>>, vector<16xf32>,
      %add3A_301 = arith.addf %add3A_294, %get3A_300 : vector<16xf32>
      %mul3A_302 = arith.constant 16 : i32
      %mul3A_303 = arith.muli %scan3A_262, %mul3A_302 : i32
      %add3A_304 = arith.constant 768 : i32
      %add3A_305 = arith.addi %add3A_304, %mul3A_303 : i32
      %get3A_306 = arith.index_cast %add3A_305 : i32 to index
      %get3A_307 = tpu.vector_load %arg17[%get3A_306] {strides = array<i32>} : memref<2048xf32, #tpu.memory_space<vmem>>, vector<16xf32>,
      %add3A_308 = arith.addf %add3A_301, %get3A_307 : vector<16xf32>
      %mul3A_309 = arith.constant 16 : i32
      %mul3A_310 = arith.muli %scan3A_262, %mul3A_309 : i32
      %add3A_311 = arith.constant 896 : i32
      %add3A_312 = arith.addi %add3A_311, %mul3A_310 : i32
      %get3A_313 = arith.index_cast %add3A_312 : i32 to index
      %get3A_314 = tpu.vector_load %arg17[%get3A_313] {strides = array<i32>} : memref<2048xf32, #tpu.memory_space<vmem>>, vector<16xf32>,
      %add3A_315 = arith.addf %add3A_308, %get3A_314 : vector<16xf32>
      %mul3A_316 = arith.constant 16 : i32
      %mul3A_317 = arith.muli %scan3A_262, %mul3A_316 : i32
      %add3A_318 = arith.constant 1024 : i32
      %add3A_319 = arith.addi %add3A_318, %mul3A_317 : i32
      %get3A_320 = arith.index_cast %add3A_319 : i32 to index
      %get3A_321 = tpu.vector_load %arg17[%get3A_320] {strides = array<i32>} : memref<2048xf32, #tpu.memory_space<vmem>>, vector<16xf32>,
      %add3A_322 = arith.addf %add3A_315, %get3A_321 : vector<16xf32>
      %mul3A_323 = arith.constant 16 : i32
      %mul3A_324 = arith.muli %scan3A_262, %mul3A_323 : i32
      %add3A_325 = arith.constant 1152 : i32
      %add3A_326 = arith.addi %add3A_325, %mul3A_324 : i32
      %get3A_327 = arith.index_cast %add3A_326 : i32 to index
      %get3A_328 = tpu.vector_load %arg17[%get3A_327] {strides = array<i32>} : memref<2048xf32, #tpu.memory_space<vmem>>, vector<16xf32>,
      %add3A_329 = arith.addf %add3A_322, %get3A_328 : vector<16xf32>
      %mul3A_330 = arith.constant 16 : i32
      %mul3A_331 = arith.muli %scan3A_262, %mul3A_330 : i32
      %add3A_332 = arith.constant 1280 : i32
      %add3A_333 = arith.addi %add3A_332, %mul3A_331 : i32
      %get3A_334 = arith.index_cast %add3A_333 : i32 to index
      %get3A_335 = tpu.vector_load %arg17[%get3A_334] {strides = array<i32>} : memref<2048xf32, #tpu.memory_space<vmem>>, vector<16xf32>,
      %add3A_336 = arith.addf %add3A_329, %get3A_335 : vector<16xf32>
      %mul3A_337 = arith.constant 16 : i32
      %mul3A_338 = arith.muli %scan3A_262, %mul3A_337 : i32
      %add3A_339 = arith.constant 1408 : i32
      %add3A_340 = arith.addi %add3A_339, %mul3A_338 : i32
      %get3A_341 = arith.index_cast %add3A_340 : i32 to index
      %get3A_342 = tpu.vector_load %arg17[%get3A_341] {strides = array<i32>} : memref<2048xf32, #tpu.memory_space<vmem>>, vector<16xf32>,
      %add3A_343 = arith.addf %add3A_336, %get3A_342 : vector<16xf32>
      %mul3A_344 = arith.constant 16 : i32
      %mul3A_345 = arith.muli %scan3A_262, %mul3A_344 : i32
      %add3A_346 = arith.constant 1536 : i32
      %add3A_347 = arith.addi %add3A_346, %mul3A_345 : i32
      %get3A_348 = arith.index_cast %add3A_347 : i32 to index
      %get3A_349 = tpu.vector_load %arg17[%get3A_348] {strides = array<i32>} : memref<2048xf32, #tpu.memory_space<vmem>>, vector<16xf32>,
      %add3A_350 = arith.addf %add3A_343, %get3A_349 : vector<16xf32>
      %mul3A_351 = arith.constant 16 : i32
      %mul3A_352 = arith.muli %scan3A_262, %mul3A_351 : i32
      %add3A_353 = arith.constant 1664 : i32
      %add3A_354 = arith.addi %add3A_353, %mul3A_352 : i32
      %get3A_355 = arith.index_cast %add3A_354 : i32 to index
      %get3A_356 = tpu.vector_load %arg17[%get3A_355] {strides = array<i32>} : memref<2048xf32, #tpu.memory_space<vmem>>, vector<16xf32>,
      %add3A_357 = arith.addf %add3A_350, %get3A_356 : vector<16xf32>
      %mul3A_358 = arith.constant 16 : i32
      %mul3A_359 = arith.muli %scan3A_262, %mul3A_358 : i32
      %add3A_360 = arith.constant 1792 : i32
      %add3A_361 = arith.addi %add3A_360, %mul3A_359 : i32
      %get3A_362 = arith.index_cast %add3A_361 : i32 to index
      %get3A_363 = tpu.vector_load %arg17[%get3A_362] {strides = array<i32>} : memref<2048xf32, #tpu.memory_space<vmem>>, vector<16xf32>,
      %add3A_364 = arith.addf %add3A_357, %get3A_363 : vector<16xf32>
      %mul3A_365 = arith.constant 16 : i32
      %mul3A_366 = arith.muli %scan3A_262, %mul3A_365 : i32
      %add3A_367 = arith.constant 1920 : i32
      %add3A_368 = arith.addi %add3A_367, %mul3A_366 : i32
      %get3A_369 = arith.index_cast %add3A_368 : i32 to index
      %get3A_370 = tpu.vector_load %arg17[%get3A_369] {strides = array<i32>} : memref<2048xf32, #tpu.memory_space<vmem>>, vector<16xf32>,
      %add3A_371 = arith.addf %add3A_364, %get3A_370 : vector<16xf32>
      %mul3A_372 = arith.constant 16 : i32
      %mul3A_373 = arith.muli %scan3A_262, %mul3A_372 : i32
      %add3A_374 = arith.constant 128 : i32
      %add3A_375 = arith.addi %add3A_374, %mul3A_373 : i32
      %swap3A = arith.index_cast %add3A_375 : i32 to index
      %swap3A_376 = tpu.vector_load %arg18[%swap3A] {strides = array<i32>} : memref<512xf32, #tpu.memory_space<vmem>>, vector<16xf32>,
      tpu.vector_store %arg18[%swap3A], %add3A_371 {strides = array<i32>} : memref<512xf32, #tpu.memory_space<vmem>>, vector<16xf32>,
      %scan3A_377 = arith.constant 0 : i32
      scf.yield %scan3A_377 : i32
    }
    %scan3A_170 = arith.constant 8 : i32
    %dma_start3A_171 = arith.constant 3 : i32
    %dma_start3A_172 = arith.constant 0 : i32
    %dma_start3A_173 = tpu.memref_slice %arg8[%dma_start3A_171, %dma_start3A_172] : memref<4x128xi32, #tpu.memory_space<vmem>> -> memref<1x128xi32, #tpu.memory_space<vmem>>
    %dma_start3A_174 = tpu.memref_squeeze %dma_start3A_173 : memref<1x128xi32, #tpu.memory_space<vmem>> -> memref<128xi32, #tpu.memory_space<vmem>>
    %dma_start3A_175 = arith.constant 0 : i32
    %dma_start3A_176 = arith.constant 0 : i32
    %dma_start3A_177 = tpu.memref_slice %arg5[%dma_start3A_175, %dma_start3A_176] : memref<100000x128xf32, #tpu.memory_space<hbm>> -> memref<100000x128xf32, #tpu.memory_space<hbm>>
    tpu.enqueue_indirect_dma source(%dma_start3A_177 : memref<100000x128xf32, #tpu.memory_space<hbm>>) target(%arg14 : memref<128x128xf32, #tpu.memory_space<vmem>>) offsets(%dma_start3A_174 : memref<128xi32, #tpu.memory_space<vmem>>) semaphore(%arg20 : memref<!tpu.dma_semaphore, #tpu.memory_space<semaphore_mem>>)
    %dma_start3A_178 = arith.constant 3 : i32
    %dma_start3A_179 = arith.constant 0 : i32
    %dma_start3A_180 = tpu.memref_slice %arg10[%dma_start3A_178, %dma_start3A_179] : memref<4x128xi32, #tpu.memory_space<vmem>> -> memref<1x128xi32, #tpu.memory_space<vmem>>
    %dma_start3A_181 = tpu.memref_squeeze %dma_start3A_180 : memref<1x128xi32, #tpu.memory_space<vmem>> -> memref<128xi32, #tpu.memory_space<vmem>>
    %dma_start3A_182 = arith.constant 0 : i32
    %dma_start3A_183 = arith.constant 0 : i32
    %dma_start3A_184 = tpu.memref_slice %arg5[%dma_start3A_182, %dma_start3A_183] : memref<100000x128xf32, #tpu.memory_space<hbm>> -> memref<100000x128xf32, #tpu.memory_space<hbm>>
    tpu.enqueue_indirect_dma source(%dma_start3A_184 : memref<100000x128xf32, #tpu.memory_space<hbm>>) target(%arg15 : memref<128x128xf32, #tpu.memory_space<vmem>>) offsets(%dma_start3A_181 : memref<128xi32, #tpu.memory_space<vmem>>) semaphore(%arg20 : memref<!tpu.dma_semaphore, #tpu.memory_space<semaphore_mem>>)
    %dma_start3A_185 = arith.constant 3 : i32
    %dma_start3A_186 = arith.constant 0 : i32
    %dma_start3A_187 = tpu.memref_slice %arg9[%dma_start3A_185, %dma_start3A_186] : memref<4x128xi32, #tpu.memory_space<vmem>> -> memref<1x128xi32, #tpu.memory_space<vmem>>
    %dma_start3A_188 = tpu.memref_squeeze %dma_start3A_187 : memref<1x128xi32, #tpu.memory_space<vmem>> -> memref<128xi32, #tpu.memory_space<vmem>>
    %dma_start3A_189 = arith.constant 0 : i32
    %dma_start3A_190 = arith.constant 0 : i32
    %dma_start3A_191 = tpu.memref_slice %arg6[%dma_start3A_189, %dma_start3A_190] : memref<1000x128xf32, #tpu.memory_space<hbm>> -> memref<1000x128xf32, #tpu.memory_space<hbm>>
    tpu.enqueue_indirect_dma source(%dma_start3A_191 : memref<1000x128xf32, #tpu.memory_space<hbm>>) target(%arg16 : memref<128x128xf32, #tpu.memory_space<vmem>>) offsets(%dma_start3A_188 : memref<128xi32, #tpu.memory_space<vmem>>) semaphore(%arg20 : memref<!tpu.dma_semaphore, #tpu.memory_space<semaphore_mem>>)
    %dma_wait3A_192 = arith.constant 2 : i32
    %dma_wait3A_193 = arith.constant 0 : i32
    %dma_wait3A_194 = tpu.memref_slice %arg8[%dma_wait3A_192, %dma_wait3A_193] : memref<4x128xi32, #tpu.memory_space<vmem>> -> memref<1x128xi32, #tpu.memory_space<vmem>>
    %dma_wait3A_195 = tpu.memref_squeeze %dma_wait3A_194 : memref<1x128xi32, #tpu.memory_space<vmem>> -> memref<128xi32, #tpu.memory_space<vmem>>
    %dma_wait3A_196 = arith.constant 0 : i32
    %dma_wait3A_197 = arith.constant 0 : i32
    %dma_wait3A_198 = tpu.memref_slice %arg5[%dma_wait3A_196, %dma_wait3A_197] : memref<100000x128xf32, #tpu.memory_space<hbm>> -> memref<100000x128xf32, #tpu.memory_space<hbm>>
    tpu.wait_indirect_dma semaphore(%arg19 : memref<!tpu.dma_semaphore, #tpu.memory_space<semaphore_mem>>) src(%dma_wait3A_198 : memref<100000x128xf32, #tpu.memory_space<hbm>>) dst(%arg11 : memref<128x128xf32, #tpu.memory_space<vmem>>)
    %dma_wait3A_199 = arith.constant 2 : i32
    %dma_wait3A_200 = arith.constant 0 : i32
    %dma_wait3A_201 = tpu.memref_slice %arg10[%dma_wait3A_199, %dma_wait3A_200] : memref<4x128xi32, #tpu.memory_space<vmem>> -> memref<1x128xi32, #tpu.memory_space<vmem>>
    %dma_wait3A_202 = tpu.memref_squeeze %dma_wait3A_201 : memref<1x128xi32, #tpu.memory_space<vmem>> -> memref<128xi32, #tpu.memory_space<vmem>>
    %dma_wait3A_203 = arith.constant 0 : i32
    %dma_wait3A_204 = arith.constant 0 : i32
    %dma_wait3A_205 = tpu.memref_slice %arg5[%dma_wait3A_203, %dma_wait3A_204] : memref<100000x128xf32, #tpu.memory_space<hbm>> -> memref<100000x128xf32, #tpu.memory_space<hbm>>
    tpu.wait_indirect_dma semaphore(%arg19 : memref<!tpu.dma_semaphore, #tpu.memory_space<semaphore_mem>>) src(%dma_wait3A_205 : memref<100000x128xf32, #tpu.memory_space<hbm>>) dst(%arg12 : memref<128x128xf32, #tpu.memory_space<vmem>>)
    %dma_wait3A_206 = arith.constant 2 : i32
    %dma_wait3A_207 = arith.constant 0 : i32
    %dma_wait3A_208 = tpu.memref_slice %arg9[%dma_wait3A_206, %dma_wait3A_207] : memref<4x128xi32, #tpu.memory_space<vmem>> -> memref<1x128xi32, #tpu.memory_space<vmem>>
    %dma_wait3A_209 = tpu.memref_squeeze %dma_wait3A_208 : memref<1x128xi32, #tpu.memory_space<vmem>> -> memref<128xi32, #tpu.memory_space<vmem>>
    %dma_wait3A_210 = arith.constant 0 : i32
    %dma_wait3A_211 = arith.constant 0 : i32
    %dma_wait3A_212 = tpu.memref_slice %arg6[%dma_wait3A_210, %dma_wait3A_211] : memref<1000x128xf32, #tpu.memory_space<hbm>> -> memref<1000x128xf32, #tpu.memory_space<hbm>>
    tpu.wait_indirect_dma semaphore(%arg19 : memref<!tpu.dma_semaphore, #tpu.memory_space<semaphore_mem>>) src(%dma_wait3A_212 : memref<1000x128xf32, #tpu.memory_space<hbm>>) dst(%arg13 : memref<128x128xf32, #tpu.memory_space<vmem>>)
    %scan3A_213 = arith.constant 0 : i32
    %scan3A_214 = arith.constant 0 : i32
    %scan3A_215 = arith.constant 128 : i32
    %scan3A_216 = arith.addi %scan3A_214, %scan3A_215 : i32
    %scan3A_217 = arith.constant 1 : i32
    %scan3A_218 = scf.for %scan3A_262 = %scan3A_214 to %scan3A_216 step %scan3A_217 iter_args(%scan3A_263 = %scan3A_213) -> (i32)  : i32 {
      %broadcast_in_dim3A = arith.constant 0.000000e+00 : f32
      %broadcast_in_dim3A_264 = vector.broadcast %broadcast_in_dim3A : f32 to vector<16xf32>
      %get3A = arith.index_cast %scan3A_262 : i32 to index
      %get3A_265 = arith.constant 0 : index
      %get3A_266 = tpu.vector_load %arg11[%get3A, %get3A_265] {strides = array<i32>} : memref<128x128xf32, #tpu.memory_space<vmem>>, vector<16xf32>,
      %get3A_267 = arith.index_cast %scan3A_262 : i32 to index
      %get3A_268 = arith.constant 64 : index
      %get3A_269 = tpu.vector_load %arg11[%get3A_267, %get3A_268] {strides = array<i32>} : memref<128x128xf32, #tpu.memory_space<vmem>>, vector<16xf32>,
      %get3A_270 = arith.index_cast %scan3A_262 : i32 to index
      %get3A_271 = arith.constant 0 : index
      %get3A_272 = tpu.vector_load %arg12[%get3A_270, %get3A_271] {strides = array<i32>} : memref<128x128xf32, #tpu.memory_space<vmem>>, vector<16xf32>,
      %get3A_273 = arith.index_cast %scan3A_262 : i32 to index
      %get3A_274 = arith.constant 64 : index
      %get3A_275 = tpu.vector_load %arg12[%get3A_273, %get3A_274] {strides = array<i32>} : memref<128x128xf32, #tpu.memory_space<vmem>>, vector<16xf32>,
      %get3A_276 = arith.index_cast %scan3A_262 : i32 to index
      %get3A_277 = arith.constant 0 : index
      %get3A_278 = tpu.vector_load %arg13[%get3A_276, %get3A_277] {strides = array<i32>} : memref<128x128xf32, #tpu.memory_space<vmem>>, vector<16xf32>,
      %get3A_279 = arith.index_cast %scan3A_262 : i32 to index
      %get3A_280 = arith.constant 64 : index
      %get3A_281 = tpu.vector_load %arg13[%get3A_279, %get3A_280] {strides = array<i32>} : memref<128x128xf32, #tpu.memory_space<vmem>>, vector<16xf32>,
      %mul3A_282 = arith.mulf %get3A_278, %get3A_272 : vector<16xf32>
      %mul3A_283 = arith.mulf %get3A_281, %get3A_275 : vector<16xf32>
      %add3A_284 = arith.addf %mul3A_282, %mul3A_283 : vector<16xf32>
      %mul3A_285 = arith.mulf %get3A_278, %get3A_275 : vector<16xf32>
      %mul3A_286 = arith.mulf %get3A_281, %get3A_272 : vector<16xf32>
      %sub3A = arith.subf %mul3A_285, %mul3A_286 : vector<16xf32>
      %mul3A_287 = arith.mulf %get3A_266, %add3A_284 : vector<16xf32>
      %add3A_288 = arith.addf %broadcast_in_dim3A_264, %mul3A_287 : vector<16xf32>
      %mul3A_289 = arith.mulf %get3A_269, %sub3A : vector<16xf32>
      %add3A_290 = arith.addf %add3A_288, %mul3A_289 : vector<16xf32>
      %get3A_291 = arith.index_cast %scan3A_262 : i32 to index
      %get3A_292 = arith.constant 16 : index
      %get3A_293 = tpu.vector_load %arg11[%get3A_291, %get3A_292] {strides = array<i32>} : memref<128x128xf32, #tpu.memory_space<vmem>>, vector<16xf32>,
      %get3A_294 = arith.index_cast %scan3A_262 : i32 to index
      %get3A_295 = arith.constant 80 : index
      %get3A_296 = tpu.vector_load %arg11[%get3A_294, %get3A_295] {strides = array<i32>} : memref<128x128xf32, #tpu.memory_space<vmem>>, vector<16xf32>,
      %get3A_297 = arith.index_cast %scan3A_262 : i32 to index
      %get3A_298 = arith.constant 16 : index
      %get3A_299 = tpu.vector_load %arg12[%get3A_297, %get3A_298] {strides = array<i32>} : memref<128x128xf32, #tpu.memory_space<vmem>>, vector<16xf32>,
      %get3A_300 = arith.index_cast %scan3A_262 : i32 to index
      %get3A_301 = arith.constant 80 : index
      %get3A_302 = tpu.vector_load %arg12[%get3A_300, %get3A_301] {strides = array<i32>} : memref<128x128xf32, #tpu.memory_space<vmem>>, vector<16xf32>,
      %get3A_303 = arith.index_cast %scan3A_262 : i32 to index
      %get3A_304 = arith.constant 16 : index
      %get3A_305 = tpu.vector_load %arg13[%get3A_303, %get3A_304] {strides = array<i32>} : memref<128x128xf32, #tpu.memory_space<vmem>>, vector<16xf32>,
      %get3A_306 = arith.index_cast %scan3A_262 : i32 to index
      %get3A_307 = arith.constant 80 : index
      %get3A_308 = tpu.vector_load %arg13[%get3A_306, %get3A_307] {strides = array<i32>} : memref<128x128xf32, #tpu.memory_space<vmem>>, vector<16xf32>,
      %mul3A_309 = arith.mulf %get3A_305, %get3A_299 : vector<16xf32>
      %mul3A_310 = arith.mulf %get3A_308, %get3A_302 : vector<16xf32>
      %add3A_311 = arith.addf %mul3A_309, %mul3A_310 : vector<16xf32>
      %mul3A_312 = arith.mulf %get3A_305, %get3A_302 : vector<16xf32>
      %mul3A_313 = arith.mulf %get3A_308, %get3A_299 : vector<16xf32>
      %sub3A_314 = arith.subf %mul3A_312, %mul3A_313 : vector<16xf32>
      %mul3A_315 = arith.mulf %get3A_293, %add3A_311 : vector<16xf32>
      %add3A_316 = arith.addf %add3A_290, %mul3A_315 : vector<16xf32>
      %mul3A_317 = arith.mulf %get3A_296, %sub3A_314 : vector<16xf32>
      %add3A_318 = arith.addf %add3A_316, %mul3A_317 : vector<16xf32>
      %get3A_319 = arith.index_cast %scan3A_262 : i32 to index
      %get3A_320 = arith.constant 32 : index
      %get3A_321 = tpu.vector_load %arg11[%get3A_319, %get3A_320] {strides = array<i32>} : memref<128x128xf32, #tpu.memory_space<vmem>>, vector<16xf32>,
      %get3A_322 = arith.index_cast %scan3A_262 : i32 to index
      %get3A_323 = arith.constant 96 : index
      %get3A_324 = tpu.vector_load %arg11[%get3A_322, %get3A_323] {strides = array<i32>} : memref<128x128xf32, #tpu.memory_space<vmem>>, vector<16xf32>,
      %get3A_325 = arith.index_cast %scan3A_262 : i32 to index
      %get3A_326 = arith.constant 32 : index
      %get3A_327 = tpu.vector_load %arg12[%get3A_325, %get3A_326] {strides = array<i32>} : memref<128x128xf32, #tpu.memory_space<vmem>>, vector<16xf32>,
      %get3A_328 = arith.index_cast %scan3A_262 : i32 to index
      %get3A_329 = arith.constant 96 : index
      %get3A_330 = tpu.vector_load %arg12[%get3A_328, %get3A_329] {strides = array<i32>} : memref<128x128xf32, #tpu.memory_space<vmem>>, vector<16xf32>,
      %get3A_331 = arith.index_cast %scan3A_262 : i32 to index
      %get3A_332 = arith.constant 32 : index
      %get3A_333 = tpu.vector_load %arg13[%get3A_331, %get3A_332] {strides = array<i32>} : memref<128x128xf32, #tpu.memory_space<vmem>>, vector<16xf32>,
      %get3A_334 = arith.index_cast %scan3A_262 : i32 to index
      %get3A_335 = arith.constant 96 : index
      %get3A_336 = tpu.vector_load %arg13[%get3A_334, %get3A_335] {strides = array<i32>} : memref<128x128xf32, #tpu.memory_space<vmem>>, vector<16xf32>,
      %mul3A_337 = arith.mulf %get3A_333, %get3A_327 : vector<16xf32>
      %mul3A_338 = arith.mulf %get3A_336, %get3A_330 : vector<16xf32>
      %add3A_339 = arith.addf %mul3A_337, %mul3A_338 : vector<16xf32>
      %mul3A_340 = arith.mulf %get3A_333, %get3A_330 : vector<16xf32>
      %mul3A_341 = arith.mulf %get3A_336, %get3A_327 : vector<16xf32>
      %sub3A_342 = arith.subf %mul3A_340, %mul3A_341 : vector<16xf32>
      %mul3A_343 = arith.mulf %get3A_321, %add3A_339 : vector<16xf32>
      %add3A_344 = arith.addf %add3A_318, %mul3A_343 : vector<16xf32>
      %mul3A_345 = arith.mulf %get3A_324, %sub3A_342 : vector<16xf32>
      %add3A_346 = arith.addf %add3A_344, %mul3A_345 : vector<16xf32>
      %get3A_347 = arith.index_cast %scan3A_262 : i32 to index
      %get3A_348 = arith.constant 48 : index
      %get3A_349 = tpu.vector_load %arg11[%get3A_347, %get3A_348] {strides = array<i32>} : memref<128x128xf32, #tpu.memory_space<vmem>>, vector<16xf32>,
      %get3A_350 = arith.index_cast %scan3A_262 : i32 to index
      %get3A_351 = arith.constant 112 : index
      %get3A_352 = tpu.vector_load %arg11[%get3A_350, %get3A_351] {strides = array<i32>} : memref<128x128xf32, #tpu.memory_space<vmem>>, vector<16xf32>,
      %get3A_353 = arith.index_cast %scan3A_262 : i32 to index
      %get3A_354 = arith.constant 48 : index
      %get3A_355 = tpu.vector_load %arg12[%get3A_353, %get3A_354] {strides = array<i32>} : memref<128x128xf32, #tpu.memory_space<vmem>>, vector<16xf32>,
      %get3A_356 = arith.index_cast %scan3A_262 : i32 to index
      %get3A_357 = arith.constant 112 : index
      %get3A_358 = tpu.vector_load %arg12[%get3A_356, %get3A_357] {strides = array<i32>} : memref<128x128xf32, #tpu.memory_space<vmem>>, vector<16xf32>,
      %get3A_359 = arith.index_cast %scan3A_262 : i32 to index
      %get3A_360 = arith.constant 48 : index
      %get3A_361 = tpu.vector_load %arg13[%get3A_359, %get3A_360] {strides = array<i32>} : memref<128x128xf32, #tpu.memory_space<vmem>>, vector<16xf32>,
      %get3A_362 = arith.index_cast %scan3A_262 : i32 to index
      %get3A_363 = arith.constant 112 : index
      %get3A_364 = tpu.vector_load %arg13[%get3A_362, %get3A_363] {strides = array<i32>} : memref<128x128xf32, #tpu.memory_space<vmem>>, vector<16xf32>,
      %mul3A_365 = arith.mulf %get3A_361, %get3A_355 : vector<16xf32>
      %mul3A_366 = arith.mulf %get3A_364, %get3A_358 : vector<16xf32>
      %add3A_367 = arith.addf %mul3A_365, %mul3A_366 : vector<16xf32>
      %mul3A_368 = arith.mulf %get3A_361, %get3A_358 : vector<16xf32>
      %mul3A_369 = arith.mulf %get3A_364, %get3A_355 : vector<16xf32>
      %sub3A_370 = arith.subf %mul3A_368, %mul3A_369 : vector<16xf32>
      %mul3A_371 = arith.mulf %get3A_349, %add3A_367 : vector<16xf32>
      %add3A_372 = arith.addf %add3A_346, %mul3A_371 : vector<16xf32>
      %mul3A_373 = arith.mulf %get3A_352, %sub3A_370 : vector<16xf32>
      %add3A_374 = arith.addf %add3A_372, %mul3A_373 : vector<16xf32>
      %add3A_375 = vector.broadcast %scan3A_262 : i32 to vector<16xi32>
      %add3A_376 = arith.addi %mul3A_40, %add3A_375 : vector<16xi32>
      tpu.vector_store_idx %arg17[%add3A_376], %add3A_374 : memref<2048xf32, #tpu.memory_space<vmem>>[vector<16xi32>], vector<16xf32>,
      %scan3A_377 = arith.constant 0 : i32
      scf.yield %scan3A_377 : i32
    }
    %scan3A_219 = arith.constant 128 : i32
    %scan3A_220 = arith.constant 0 : i32
    %scan3A_221 = arith.constant 0 : i32
    %scan3A_222 = arith.constant 8 : i32
    %scan3A_223 = arith.addi %scan3A_221, %scan3A_222 : i32
    %scan3A_224 = arith.constant 1 : i32
    %scan3A_225 = scf.for %scan3A_262 = %scan3A_221 to %scan3A_223 step %scan3A_224 iter_args(%scan3A_263 = %scan3A_220) -> (i32)  : i32 {
      %mul3A_264 = arith.constant 16 : i32
      %mul3A_265 = arith.muli %scan3A_262, %mul3A_264 : i32
      %get3A = arith.index_cast %mul3A_265 : i32 to index
      %get3A_266 = tpu.vector_load %arg17[%get3A] {strides = array<i32>} : memref<2048xf32, #tpu.memory_space<vmem>>, vector<16xf32>,
      %mul3A_267 = arith.constant 16 : i32
      %mul3A_268 = arith.muli %scan3A_262, %mul3A_267 : i32
      %add3A_269 = arith.constant 128 : i32
      %add3A_270 = arith.addi %add3A_269, %mul3A_268 : i32
      %get3A_271 = arith.index_cast %add3A_270 : i32 to index
      %get3A_272 = tpu.vector_load %arg17[%get3A_271] {strides = array<i32>} : memref<2048xf32, #tpu.memory_space<vmem>>, vector<16xf32>,
      %add3A_273 = arith.addf %get3A_266, %get3A_272 : vector<16xf32>
      %mul3A_274 = arith.constant 16 : i32
      %mul3A_275 = arith.muli %scan3A_262, %mul3A_274 : i32
      %add3A_276 = arith.constant 256 : i32
      %add3A_277 = arith.addi %add3A_276, %mul3A_275 : i32
      %get3A_278 = arith.index_cast %add3A_277 : i32 to index
      %get3A_279 = tpu.vector_load %arg17[%get3A_278] {strides = array<i32>} : memref<2048xf32, #tpu.memory_space<vmem>>, vector<16xf32>,
      %add3A_280 = arith.addf %add3A_273, %get3A_279 : vector<16xf32>
      %mul3A_281 = arith.constant 16 : i32
      %mul3A_282 = arith.muli %scan3A_262, %mul3A_281 : i32
      %add3A_283 = arith.constant 384 : i32
      %add3A_284 = arith.addi %add3A_283, %mul3A_282 : i32
      %get3A_285 = arith.index_cast %add3A_284 : i32 to index
      %get3A_286 = tpu.vector_load %arg17[%get3A_285] {strides = array<i32>} : memref<2048xf32, #tpu.memory_space<vmem>>, vector<16xf32>,
      %add3A_287 = arith.addf %add3A_280, %get3A_286 : vector<16xf32>
      %mul3A_288 = arith.constant 16 : i32
      %mul3A_289 = arith.muli %scan3A_262, %mul3A_288 : i32
      %add3A_290 = arith.constant 512 : i32
      %add3A_291 = arith.addi %add3A_290, %mul3A_289 : i32
      %get3A_292 = arith.index_cast %add3A_291 : i32 to index
      %get3A_293 = tpu.vector_load %arg17[%get3A_292] {strides = array<i32>} : memref<2048xf32, #tpu.memory_space<vmem>>, vector<16xf32>,
      %add3A_294 = arith.addf %add3A_287, %get3A_293 : vector<16xf32>
      %mul3A_295 = arith.constant 16 : i32
      %mul3A_296 = arith.muli %scan3A_262, %mul3A_295 : i32
      %add3A_297 = arith.constant 640 : i32
      %add3A_298 = arith.addi %add3A_297, %mul3A_296 : i32
      %get3A_299 = arith.index_cast %add3A_298 : i32 to index
      %get3A_300 = tpu.vector_load %arg17[%get3A_299] {strides = array<i32>} : memref<2048xf32, #tpu.memory_space<vmem>>, vector<16xf32>,
      %add3A_301 = arith.addf %add3A_294, %get3A_300 : vector<16xf32>
      %mul3A_302 = arith.constant 16 : i32
      %mul3A_303 = arith.muli %scan3A_262, %mul3A_302 : i32
      %add3A_304 = arith.constant 768 : i32
      %add3A_305 = arith.addi %add3A_304, %mul3A_303 : i32
      %get3A_306 = arith.index_cast %add3A_305 : i32 to index
      %get3A_307 = tpu.vector_load %arg17[%get3A_306] {strides = array<i32>} : memref<2048xf32, #tpu.memory_space<vmem>>, vector<16xf32>,
      %add3A_308 = arith.addf %add3A_301, %get3A_307 : vector<16xf32>
      %mul3A_309 = arith.constant 16 : i32
      %mul3A_310 = arith.muli %scan3A_262, %mul3A_309 : i32
      %add3A_311 = arith.constant 896 : i32
      %add3A_312 = arith.addi %add3A_311, %mul3A_310 : i32
      %get3A_313 = arith.index_cast %add3A_312 : i32 to index
      %get3A_314 = tpu.vector_load %arg17[%get3A_313] {strides = array<i32>} : memref<2048xf32, #tpu.memory_space<vmem>>, vector<16xf32>,
      %add3A_315 = arith.addf %add3A_308, %get3A_314 : vector<16xf32>
      %mul3A_316 = arith.constant 16 : i32
      %mul3A_317 = arith.muli %scan3A_262, %mul3A_316 : i32
      %add3A_318 = arith.constant 1024 : i32
      %add3A_319 = arith.addi %add3A_318, %mul3A_317 : i32
      %get3A_320 = arith.index_cast %add3A_319 : i32 to index
      %get3A_321 = tpu.vector_load %arg17[%get3A_320] {strides = array<i32>} : memref<2048xf32, #tpu.memory_space<vmem>>, vector<16xf32>,
      %add3A_322 = arith.addf %add3A_315, %get3A_321 : vector<16xf32>
      %mul3A_323 = arith.constant 16 : i32
      %mul3A_324 = arith.muli %scan3A_262, %mul3A_323 : i32
      %add3A_325 = arith.constant 1152 : i32
      %add3A_326 = arith.addi %add3A_325, %mul3A_324 : i32
      %get3A_327 = arith.index_cast %add3A_326 : i32 to index
      %get3A_328 = tpu.vector_load %arg17[%get3A_327] {strides = array<i32>} : memref<2048xf32, #tpu.memory_space<vmem>>, vector<16xf32>,
      %add3A_329 = arith.addf %add3A_322, %get3A_328 : vector<16xf32>
      %mul3A_330 = arith.constant 16 : i32
      %mul3A_331 = arith.muli %scan3A_262, %mul3A_330 : i32
      %add3A_332 = arith.constant 1280 : i32
      %add3A_333 = arith.addi %add3A_332, %mul3A_331 : i32
      %get3A_334 = arith.index_cast %add3A_333 : i32 to index
      %get3A_335 = tpu.vector_load %arg17[%get3A_334] {strides = array<i32>} : memref<2048xf32, #tpu.memory_space<vmem>>, vector<16xf32>,
      %add3A_336 = arith.addf %add3A_329, %get3A_335 : vector<16xf32>
      %mul3A_337 = arith.constant 16 : i32
      %mul3A_338 = arith.muli %scan3A_262, %mul3A_337 : i32
      %add3A_339 = arith.constant 1408 : i32
      %add3A_340 = arith.addi %add3A_339, %mul3A_338 : i32
      %get3A_341 = arith.index_cast %add3A_340 : i32 to index
      %get3A_342 = tpu.vector_load %arg17[%get3A_341] {strides = array<i32>} : memref<2048xf32, #tpu.memory_space<vmem>>, vector<16xf32>,
      %add3A_343 = arith.addf %add3A_336, %get3A_342 : vector<16xf32>
      %mul3A_344 = arith.constant 16 : i32
      %mul3A_345 = arith.muli %scan3A_262, %mul3A_344 : i32
      %add3A_346 = arith.constant 1536 : i32
      %add3A_347 = arith.addi %add3A_346, %mul3A_345 : i32
      %get3A_348 = arith.index_cast %add3A_347 : i32 to index
      %get3A_349 = tpu.vector_load %arg17[%get3A_348] {strides = array<i32>} : memref<2048xf32, #tpu.memory_space<vmem>>, vector<16xf32>,
      %add3A_350 = arith.addf %add3A_343, %get3A_349 : vector<16xf32>
      %mul3A_351 = arith.constant 16 : i32
      %mul3A_352 = arith.muli %scan3A_262, %mul3A_351 : i32
      %add3A_353 = arith.constant 1664 : i32
      %add3A_354 = arith.addi %add3A_353, %mul3A_352 : i32
      %get3A_355 = arith.index_cast %add3A_354 : i32 to index
      %get3A_356 = tpu.vector_load %arg17[%get3A_355] {strides = array<i32>} : memref<2048xf32, #tpu.memory_space<vmem>>, vector<16xf32>,
      %add3A_357 = arith.addf %add3A_350, %get3A_356 : vector<16xf32>
      %mul3A_358 = arith.constant 16 : i32
      %mul3A_359 = arith.muli %scan3A_262, %mul3A_358 : i32
      %add3A_360 = arith.constant 1792 : i32
      %add3A_361 = arith.addi %add3A_360, %mul3A_359 : i32
      %get3A_362 = arith.index_cast %add3A_361 : i32 to index
      %get3A_363 = tpu.vector_load %arg17[%get3A_362] {strides = array<i32>} : memref<2048xf32, #tpu.memory_space<vmem>>, vector<16xf32>,
      %add3A_364 = arith.addf %add3A_357, %get3A_363 : vector<16xf32>
      %mul3A_365 = arith.constant 16 : i32
      %mul3A_366 = arith.muli %scan3A_262, %mul3A_365 : i32
      %add3A_367 = arith.constant 1920 : i32
      %add3A_368 = arith.addi %add3A_367, %mul3A_366 : i32
      %get3A_369 = arith.index_cast %add3A_368 : i32 to index
      %get3A_370 = tpu.vector_load %arg17[%get3A_369] {strides = array<i32>} : memref<2048xf32, #tpu.memory_space<vmem>>, vector<16xf32>,
      %add3A_371 = arith.addf %add3A_364, %get3A_370 : vector<16xf32>
      %mul3A_372 = arith.constant 16 : i32
      %mul3A_373 = arith.muli %scan3A_262, %mul3A_372 : i32
      %add3A_374 = arith.constant 256 : i32
      %add3A_375 = arith.addi %add3A_374, %mul3A_373 : i32
      %swap3A = arith.index_cast %add3A_375 : i32 to index
      %swap3A_376 = tpu.vector_load %arg18[%swap3A] {strides = array<i32>} : memref<512xf32, #tpu.memory_space<vmem>>, vector<16xf32>,
      tpu.vector_store %arg18[%swap3A], %add3A_371 {strides = array<i32>} : memref<512xf32, #tpu.memory_space<vmem>>, vector<16xf32>,
      %scan3A_377 = arith.constant 0 : i32
      scf.yield %scan3A_377 : i32
    }
    %scan3A_226 = arith.constant 8 : i32
    %dma_wait3A_227 = arith.constant 3 : i32
    %dma_wait3A_228 = arith.constant 0 : i32
    %dma_wait3A_229 = tpu.memref_slice %arg8[%dma_wait3A_227, %dma_wait3A_228] : memref<4x128xi32, #tpu.memory_space<vmem>> -> memref<1x128xi32, #tpu.memory_space<vmem>>
    %dma_wait3A_230 = tpu.memref_squeeze %dma_wait3A_229 : memref<1x128xi32, #tpu.memory_space<vmem>> -> memref<128xi32, #tpu.memory_space<vmem>>
    %dma_wait3A_231 = arith.constant 0 : i32
    %dma_wait3A_232 = arith.constant 0 : i32
    %dma_wait3A_233 = tpu.memref_slice %arg5[%dma_wait3A_231, %dma_wait3A_232] : memref<100000x128xf32, #tpu.memory_space<hbm>> -> memref<100000x128xf32, #tpu.memory_space<hbm>>
    tpu.wait_indirect_dma semaphore(%arg20 : memref<!tpu.dma_semaphore, #tpu.memory_space<semaphore_mem>>) src(%dma_wait3A_233 : memref<100000x128xf32, #tpu.memory_space<hbm>>) dst(%arg14 : memref<128x128xf32, #tpu.memory_space<vmem>>)
    %dma_wait3A_234 = arith.constant 3 : i32
    %dma_wait3A_235 = arith.constant 0 : i32
    %dma_wait3A_236 = tpu.memref_slice %arg10[%dma_wait3A_234, %dma_wait3A_235] : memref<4x128xi32, #tpu.memory_space<vmem>> -> memref<1x128xi32, #tpu.memory_space<vmem>>
    %dma_wait3A_237 = tpu.memref_squeeze %dma_wait3A_236 : memref<1x128xi32, #tpu.memory_space<vmem>> -> memref<128xi32, #tpu.memory_space<vmem>>
    %dma_wait3A_238 = arith.constant 0 : i32
    %dma_wait3A_239 = arith.constant 0 : i32
    %dma_wait3A_240 = tpu.memref_slice %arg5[%dma_wait3A_238, %dma_wait3A_239] : memref<100000x128xf32, #tpu.memory_space<hbm>> -> memref<100000x128xf32, #tpu.memory_space<hbm>>
    tpu.wait_indirect_dma semaphore(%arg20 : memref<!tpu.dma_semaphore, #tpu.memory_space<semaphore_mem>>) src(%dma_wait3A_240 : memref<100000x128xf32, #tpu.memory_space<hbm>>) dst(%arg15 : memref<128x128xf32, #tpu.memory_space<vmem>>)
    %dma_wait3A_241 = arith.constant 3 : i32
    %dma_wait3A_242 = arith.constant 0 : i32
    %dma_wait3A_243 = tpu.memref_slice %arg9[%dma_wait3A_241, %dma_wait3A_242] : memref<4x128xi32, #tpu.memory_space<vmem>> -> memref<1x128xi32, #tpu.memory_space<vmem>>
    %dma_wait3A_244 = tpu.memref_squeeze %dma_wait3A_243 : memref<1x128xi32, #tpu.memory_space<vmem>> -> memref<128xi32, #tpu.memory_space<vmem>>
    %dma_wait3A_245 = arith.constant 0 : i32
    %dma_wait3A_246 = arith.constant 0 : i32
    %dma_wait3A_247 = tpu.memref_slice %arg6[%dma_wait3A_245, %dma_wait3A_246] : memref<1000x128xf32, #tpu.memory_space<hbm>> -> memref<1000x128xf32, #tpu.memory_space<hbm>>
    tpu.wait_indirect_dma semaphore(%arg20 : memref<!tpu.dma_semaphore, #tpu.memory_space<semaphore_mem>>) src(%dma_wait3A_247 : memref<1000x128xf32, #tpu.memory_space<hbm>>) dst(%arg16 : memref<128x128xf32, #tpu.memory_space<vmem>>)
    %scan3A_248 = arith.constant 0 : i32
    %scan3A_249 = arith.constant 0 : i32
    %scan3A_250 = arith.constant 128 : i32
    %scan3A_251 = arith.addi %scan3A_249, %scan3A_250 : i32
    %scan3A_252 = arith.constant 1 : i32
    %scan3A_253 = scf.for %scan3A_262 = %scan3A_249 to %scan3A_251 step %scan3A_252 iter_args(%scan3A_263 = %scan3A_248) -> (i32)  : i32 {
      %broadcast_in_dim3A = arith.constant 0.000000e+00 : f32
      %broadcast_in_dim3A_264 = vector.broadcast %broadcast_in_dim3A : f32 to vector<16xf32>
      %get3A = arith.index_cast %scan3A_262 : i32 to index
      %get3A_265 = arith.constant 0 : index
      %get3A_266 = tpu.vector_load %arg14[%get3A, %get3A_265] {strides = array<i32>} : memref<128x128xf32, #tpu.memory_space<vmem>>, vector<16xf32>,
      %get3A_267 = arith.index_cast %scan3A_262 : i32 to index
      %get3A_268 = arith.constant 64 : index
      %get3A_269 = tpu.vector_load %arg14[%get3A_267, %get3A_268] {strides = array<i32>} : memref<128x128xf32, #tpu.memory_space<vmem>>, vector<16xf32>,
      %get3A_270 = arith.index_cast %scan3A_262 : i32 to index
      %get3A_271 = arith.constant 0 : index
      %get3A_272 = tpu.vector_load %arg15[%get3A_270, %get3A_271] {strides = array<i32>} : memref<128x128xf32, #tpu.memory_space<vmem>>, vector<16xf32>,
      %get3A_273 = arith.index_cast %scan3A_262 : i32 to index
      %get3A_274 = arith.constant 64 : index
      %get3A_275 = tpu.vector_load %arg15[%get3A_273, %get3A_274] {strides = array<i32>} : memref<128x128xf32, #tpu.memory_space<vmem>>, vector<16xf32>,
      %get3A_276 = arith.index_cast %scan3A_262 : i32 to index
      %get3A_277 = arith.constant 0 : index
      %get3A_278 = tpu.vector_load %arg16[%get3A_276, %get3A_277] {strides = array<i32>} : memref<128x128xf32, #tpu.memory_space<vmem>>, vector<16xf32>,
      %get3A_279 = arith.index_cast %scan3A_262 : i32 to index
      %get3A_280 = arith.constant 64 : index
      %get3A_281 = tpu.vector_load %arg16[%get3A_279, %get3A_280] {strides = array<i32>} : memref<128x128xf32, #tpu.memory_space<vmem>>, vector<16xf32>,
      %mul3A_282 = arith.mulf %get3A_278, %get3A_272 : vector<16xf32>
      %mul3A_283 = arith.mulf %get3A_281, %get3A_275 : vector<16xf32>
      %add3A_284 = arith.addf %mul3A_282, %mul3A_283 : vector<16xf32>
      %mul3A_285 = arith.mulf %get3A_278, %get3A_275 : vector<16xf32>
      %mul3A_286 = arith.mulf %get3A_281, %get3A_272 : vector<16xf32>
      %sub3A = arith.subf %mul3A_285, %mul3A_286 : vector<16xf32>
      %mul3A_287 = arith.mulf %get3A_266, %add3A_284 : vector<16xf32>
      %add3A_288 = arith.addf %broadcast_in_dim3A_264, %mul3A_287 : vector<16xf32>
      %mul3A_289 = arith.mulf %get3A_269, %sub3A : vector<16xf32>
      %add3A_290 = arith.addf %add3A_288, %mul3A_289 : vector<16xf32>
      %get3A_291 = arith.index_cast %scan3A_262 : i32 to index
      %get3A_292 = arith.constant 16 : index
      %get3A_293 = tpu.vector_load %arg14[%get3A_291, %get3A_292] {strides = array<i32>} : memref<128x128xf32, #tpu.memory_space<vmem>>, vector<16xf32>,
      %get3A_294 = arith.index_cast %scan3A_262 : i32 to index
      %get3A_295 = arith.constant 80 : index
      %get3A_296 = tpu.vector_load %arg14[%get3A_294, %get3A_295] {strides = array<i32>} : memref<128x128xf32, #tpu.memory_space<vmem>>, vector<16xf32>,
      %get3A_297 = arith.index_cast %scan3A_262 : i32 to index
      %get3A_298 = arith.constant 16 : index
      %get3A_299 = tpu.vector_load %arg15[%get3A_297, %get3A_298] {strides = array<i32>} : memref<128x128xf32, #tpu.memory_space<vmem>>, vector<16xf32>,
      %get3A_300 = arith.index_cast %scan3A_262 : i32 to index
      %get3A_301 = arith.constant 80 : index
      %get3A_302 = tpu.vector_load %arg15[%get3A_300, %get3A_301] {strides = array<i32>} : memref<128x128xf32, #tpu.memory_space<vmem>>, vector<16xf32>,
      %get3A_303 = arith.index_cast %scan3A_262 : i32 to index
      %get3A_304 = arith.constant 16 : index
      %get3A_305 = tpu.vector_load %arg16[%get3A_303, %get3A_304] {strides = array<i32>} : memref<128x128xf32, #tpu.memory_space<vmem>>, vector<16xf32>,
      %get3A_306 = arith.index_cast %scan3A_262 : i32 to index
      %get3A_307 = arith.constant 80 : index
      %get3A_308 = tpu.vector_load %arg16[%get3A_306, %get3A_307] {strides = array<i32>} : memref<128x128xf32, #tpu.memory_space<vmem>>, vector<16xf32>,
      %mul3A_309 = arith.mulf %get3A_305, %get3A_299 : vector<16xf32>
      %mul3A_310 = arith.mulf %get3A_308, %get3A_302 : vector<16xf32>
      %add3A_311 = arith.addf %mul3A_309, %mul3A_310 : vector<16xf32>
      %mul3A_312 = arith.mulf %get3A_305, %get3A_302 : vector<16xf32>
      %mul3A_313 = arith.mulf %get3A_308, %get3A_299 : vector<16xf32>
      %sub3A_314 = arith.subf %mul3A_312, %mul3A_313 : vector<16xf32>
      %mul3A_315 = arith.mulf %get3A_293, %add3A_311 : vector<16xf32>
      %add3A_316 = arith.addf %add3A_290, %mul3A_315 : vector<16xf32>
      %mul3A_317 = arith.mulf %get3A_296, %sub3A_314 : vector<16xf32>
      %add3A_318 = arith.addf %add3A_316, %mul3A_317 : vector<16xf32>
      %get3A_319 = arith.index_cast %scan3A_262 : i32 to index
      %get3A_320 = arith.constant 32 : index
      %get3A_321 = tpu.vector_load %arg14[%get3A_319, %get3A_320] {strides = array<i32>} : memref<128x128xf32, #tpu.memory_space<vmem>>, vector<16xf32>,
      %get3A_322 = arith.index_cast %scan3A_262 : i32 to index
      %get3A_323 = arith.constant 96 : index
      %get3A_324 = tpu.vector_load %arg14[%get3A_322, %get3A_323] {strides = array<i32>} : memref<128x128xf32, #tpu.memory_space<vmem>>, vector<16xf32>,
      %get3A_325 = arith.index_cast %scan3A_262 : i32 to index
      %get3A_326 = arith.constant 32 : index
      %get3A_327 = tpu.vector_load %arg15[%get3A_325, %get3A_326] {strides = array<i32>} : memref<128x128xf32, #tpu.memory_space<vmem>>, vector<16xf32>,
      %get3A_328 = arith.index_cast %scan3A_262 : i32 to index
      %get3A_329 = arith.constant 96 : index
      %get3A_330 = tpu.vector_load %arg15[%get3A_328, %get3A_329] {strides = array<i32>} : memref<128x128xf32, #tpu.memory_space<vmem>>, vector<16xf32>,
      %get3A_331 = arith.index_cast %scan3A_262 : i32 to index
      %get3A_332 = arith.constant 32 : index
      %get3A_333 = tpu.vector_load %arg16[%get3A_331, %get3A_332] {strides = array<i32>} : memref<128x128xf32, #tpu.memory_space<vmem>>, vector<16xf32>,
      %get3A_334 = arith.index_cast %scan3A_262 : i32 to index
      %get3A_335 = arith.constant 96 : index
      %get3A_336 = tpu.vector_load %arg16[%get3A_334, %get3A_335] {strides = array<i32>} : memref<128x128xf32, #tpu.memory_space<vmem>>, vector<16xf32>,
      %mul3A_337 = arith.mulf %get3A_333, %get3A_327 : vector<16xf32>
      %mul3A_338 = arith.mulf %get3A_336, %get3A_330 : vector<16xf32>
      %add3A_339 = arith.addf %mul3A_337, %mul3A_338 : vector<16xf32>
      %mul3A_340 = arith.mulf %get3A_333, %get3A_330 : vector<16xf32>
      %mul3A_341 = arith.mulf %get3A_336, %get3A_327 : vector<16xf32>
      %sub3A_342 = arith.subf %mul3A_340, %mul3A_341 : vector<16xf32>
      %mul3A_343 = arith.mulf %get3A_321, %add3A_339 : vector<16xf32>
      %add3A_344 = arith.addf %add3A_318, %mul3A_343 : vector<16xf32>
      %mul3A_345 = arith.mulf %get3A_324, %sub3A_342 : vector<16xf32>
      %add3A_346 = arith.addf %add3A_344, %mul3A_345 : vector<16xf32>
      %get3A_347 = arith.index_cast %scan3A_262 : i32 to index
      %get3A_348 = arith.constant 48 : index
      %get3A_349 = tpu.vector_load %arg14[%get3A_347, %get3A_348] {strides = array<i32>} : memref<128x128xf32, #tpu.memory_space<vmem>>, vector<16xf32>,
      %get3A_350 = arith.index_cast %scan3A_262 : i32 to index
      %get3A_351 = arith.constant 112 : index
      %get3A_352 = tpu.vector_load %arg14[%get3A_350, %get3A_351] {strides = array<i32>} : memref<128x128xf32, #tpu.memory_space<vmem>>, vector<16xf32>,
      %get3A_353 = arith.index_cast %scan3A_262 : i32 to index
      %get3A_354 = arith.constant 48 : index
      %get3A_355 = tpu.vector_load %arg15[%get3A_353, %get3A_354] {strides = array<i32>} : memref<128x128xf32, #tpu.memory_space<vmem>>, vector<16xf32>,
      %get3A_356 = arith.index_cast %scan3A_262 : i32 to index
      %get3A_357 = arith.constant 112 : index
      %get3A_358 = tpu.vector_load %arg15[%get3A_356, %get3A_357] {strides = array<i32>} : memref<128x128xf32, #tpu.memory_space<vmem>>, vector<16xf32>,
      %get3A_359 = arith.index_cast %scan3A_262 : i32 to index
      %get3A_360 = arith.constant 48 : index
      %get3A_361 = tpu.vector_load %arg16[%get3A_359, %get3A_360] {strides = array<i32>} : memref<128x128xf32, #tpu.memory_space<vmem>>, vector<16xf32>,
      %get3A_362 = arith.index_cast %scan3A_262 : i32 to index
      %get3A_363 = arith.constant 112 : index
      %get3A_364 = tpu.vector_load %arg16[%get3A_362, %get3A_363] {strides = array<i32>} : memref<128x128xf32, #tpu.memory_space<vmem>>, vector<16xf32>,
      %mul3A_365 = arith.mulf %get3A_361, %get3A_355 : vector<16xf32>
      %mul3A_366 = arith.mulf %get3A_364, %get3A_358 : vector<16xf32>
      %add3A_367 = arith.addf %mul3A_365, %mul3A_366 : vector<16xf32>
      %mul3A_368 = arith.mulf %get3A_361, %get3A_358 : vector<16xf32>
      %mul3A_369 = arith.mulf %get3A_364, %get3A_355 : vector<16xf32>
      %sub3A_370 = arith.subf %mul3A_368, %mul3A_369 : vector<16xf32>
      %mul3A_371 = arith.mulf %get3A_349, %add3A_367 : vector<16xf32>
      %add3A_372 = arith.addf %add3A_346, %mul3A_371 : vector<16xf32>
      %mul3A_373 = arith.mulf %get3A_352, %sub3A_370 : vector<16xf32>
      %add3A_374 = arith.addf %add3A_372, %mul3A_373 : vector<16xf32>
      %add3A_375 = vector.broadcast %scan3A_262 : i32 to vector<16xi32>
      %add3A_376 = arith.addi %mul3A_40, %add3A_375 : vector<16xi32>
      tpu.vector_store_idx %arg17[%add3A_376], %add3A_374 : memref<2048xf32, #tpu.memory_space<vmem>>[vector<16xi32>], vector<16xf32>,
      %scan3A_377 = arith.constant 0 : i32
      scf.yield %scan3A_377 : i32
    }
    %scan3A_254 = arith.constant 128 : i32
    %scan3A_255 = arith.constant 0 : i32
    %scan3A_256 = arith.constant 0 : i32
    %scan3A_257 = arith.constant 8 : i32
    %scan3A_258 = arith.addi %scan3A_256, %scan3A_257 : i32
    %scan3A_259 = arith.constant 1 : i32
    %scan3A_260 = scf.for %scan3A_262 = %scan3A_256 to %scan3A_258 step %scan3A_259 iter_args(%scan3A_263 = %scan3A_255) -> (i32)  : i32 {
      %mul3A_264 = arith.constant 16 : i32
      %mul3A_265 = arith.muli %scan3A_262, %mul3A_264 : i32
      %get3A = arith.index_cast %mul3A_265 : i32 to index
      %get3A_266 = tpu.vector_load %arg17[%get3A] {strides = array<i32>} : memref<2048xf32, #tpu.memory_space<vmem>>, vector<16xf32>,
      %mul3A_267 = arith.constant 16 : i32
      %mul3A_268 = arith.muli %scan3A_262, %mul3A_267 : i32
      %add3A_269 = arith.constant 128 : i32
      %add3A_270 = arith.addi %add3A_269, %mul3A_268 : i32
      %get3A_271 = arith.index_cast %add3A_270 : i32 to index
      %get3A_272 = tpu.vector_load %arg17[%get3A_271] {strides = array<i32>} : memref<2048xf32, #tpu.memory_space<vmem>>, vector<16xf32>,
      %add3A_273 = arith.addf %get3A_266, %get3A_272 : vector<16xf32>
      %mul3A_274 = arith.constant 16 : i32
      %mul3A_275 = arith.muli %scan3A_262, %mul3A_274 : i32
      %add3A_276 = arith.constant 256 : i32
      %add3A_277 = arith.addi %add3A_276, %mul3A_275 : i32
      %get3A_278 = arith.index_cast %add3A_277 : i32 to index
      %get3A_279 = tpu.vector_load %arg17[%get3A_278] {strides = array<i32>} : memref<2048xf32, #tpu.memory_space<vmem>>, vector<16xf32>,
      %add3A_280 = arith.addf %add3A_273, %get3A_279 : vector<16xf32>
      %mul3A_281 = arith.constant 16 : i32
      %mul3A_282 = arith.muli %scan3A_262, %mul3A_281 : i32
      %add3A_283 = arith.constant 384 : i32
      %add3A_284 = arith.addi %add3A_283, %mul3A_282 : i32
      %get3A_285 = arith.index_cast %add3A_284 : i32 to index
      %get3A_286 = tpu.vector_load %arg17[%get3A_285] {strides = array<i32>} : memref<2048xf32, #tpu.memory_space<vmem>>, vector<16xf32>,
      %add3A_287 = arith.addf %add3A_280, %get3A_286 : vector<16xf32>
      %mul3A_288 = arith.constant 16 : i32
      %mul3A_289 = arith.muli %scan3A_262, %mul3A_288 : i32
      %add3A_290 = arith.constant 512 : i32
      %add3A_291 = arith.addi %add3A_290, %mul3A_289 : i32
      %get3A_292 = arith.index_cast %add3A_291 : i32 to index
      %get3A_293 = tpu.vector_load %arg17[%get3A_292] {strides = array<i32>} : memref<2048xf32, #tpu.memory_space<vmem>>, vector<16xf32>,
      %add3A_294 = arith.addf %add3A_287, %get3A_293 : vector<16xf32>
      %mul3A_295 = arith.constant 16 : i32
      %mul3A_296 = arith.muli %scan3A_262, %mul3A_295 : i32
      %add3A_297 = arith.constant 640 : i32
      %add3A_298 = arith.addi %add3A_297, %mul3A_296 : i32
      %get3A_299 = arith.index_cast %add3A_298 : i32 to index
      %get3A_300 = tpu.vector_load %arg17[%get3A_299] {strides = array<i32>} : memref<2048xf32, #tpu.memory_space<vmem>>, vector<16xf32>,
      %add3A_301 = arith.addf %add3A_294, %get3A_300 : vector<16xf32>
      %mul3A_302 = arith.constant 16 : i32
      %mul3A_303 = arith.muli %scan3A_262, %mul3A_302 : i32
      %add3A_304 = arith.constant 768 : i32
      %add3A_305 = arith.addi %add3A_304, %mul3A_303 : i32
      %get3A_306 = arith.index_cast %add3A_305 : i32 to index
      %get3A_307 = tpu.vector_load %arg17[%get3A_306] {strides = array<i32>} : memref<2048xf32, #tpu.memory_space<vmem>>, vector<16xf32>,
      %add3A_308 = arith.addf %add3A_301, %get3A_307 : vector<16xf32>
      %mul3A_309 = arith.constant 16 : i32
      %mul3A_310 = arith.muli %scan3A_262, %mul3A_309 : i32
      %add3A_311 = arith.constant 896 : i32
      %add3A_312 = arith.addi %add3A_311, %mul3A_310 : i32
      %get3A_313 = arith.index_cast %add3A_312 : i32 to index
      %get3A_314 = tpu.vector_load %arg17[%get3A_313] {strides = array<i32>} : memref<2048xf32, #tpu.memory_space<vmem>>, vector<16xf32>,
      %add3A_315 = arith.addf %add3A_308, %get3A_314 : vector<16xf32>
      %mul3A_316 = arith.constant 16 : i32
      %mul3A_317 = arith.muli %scan3A_262, %mul3A_316 : i32
      %add3A_318 = arith.constant 1024 : i32
      %add3A_319 = arith.addi %add3A_318, %mul3A_317 : i32
      %get3A_320 = arith.index_cast %add3A_319 : i32 to index
      %get3A_321 = tpu.vector_load %arg17[%get3A_320] {strides = array<i32>} : memref<2048xf32, #tpu.memory_space<vmem>>, vector<16xf32>,
      %add3A_322 = arith.addf %add3A_315, %get3A_321 : vector<16xf32>
      %mul3A_323 = arith.constant 16 : i32
      %mul3A_324 = arith.muli %scan3A_262, %mul3A_323 : i32
      %add3A_325 = arith.constant 1152 : i32
      %add3A_326 = arith.addi %add3A_325, %mul3A_324 : i32
      %get3A_327 = arith.index_cast %add3A_326 : i32 to index
      %get3A_328 = tpu.vector_load %arg17[%get3A_327] {strides = array<i32>} : memref<2048xf32, #tpu.memory_space<vmem>>, vector<16xf32>,
      %add3A_329 = arith.addf %add3A_322, %get3A_328 : vector<16xf32>
      %mul3A_330 = arith.constant 16 : i32
      %mul3A_331 = arith.muli %scan3A_262, %mul3A_330 : i32
      %add3A_332 = arith.constant 1280 : i32
      %add3A_333 = arith.addi %add3A_332, %mul3A_331 : i32
      %get3A_334 = arith.index_cast %add3A_333 : i32 to index
      %get3A_335 = tpu.vector_load %arg17[%get3A_334] {strides = array<i32>} : memref<2048xf32, #tpu.memory_space<vmem>>, vector<16xf32>,
      %add3A_336 = arith.addf %add3A_329, %get3A_335 : vector<16xf32>
      %mul3A_337 = arith.constant 16 : i32
      %mul3A_338 = arith.muli %scan3A_262, %mul3A_337 : i32
      %add3A_339 = arith.constant 1408 : i32
      %add3A_340 = arith.addi %add3A_339, %mul3A_338 : i32
      %get3A_341 = arith.index_cast %add3A_340 : i32 to index
      %get3A_342 = tpu.vector_load %arg17[%get3A_341] {strides = array<i32>} : memref<2048xf32, #tpu.memory_space<vmem>>, vector<16xf32>,
      %add3A_343 = arith.addf %add3A_336, %get3A_342 : vector<16xf32>
      %mul3A_344 = arith.constant 16 : i32
      %mul3A_345 = arith.muli %scan3A_262, %mul3A_344 : i32
      %add3A_346 = arith.constant 1536 : i32
      %add3A_347 = arith.addi %add3A_346, %mul3A_345 : i32
      %get3A_348 = arith.index_cast %add3A_347 : i32 to index
      %get3A_349 = tpu.vector_load %arg17[%get3A_348] {strides = array<i32>} : memref<2048xf32, #tpu.memory_space<vmem>>, vector<16xf32>,
      %add3A_350 = arith.addf %add3A_343, %get3A_349 : vector<16xf32>
      %mul3A_351 = arith.constant 16 : i32
      %mul3A_352 = arith.muli %scan3A_262, %mul3A_351 : i32
      %add3A_353 = arith.constant 1664 : i32
      %add3A_354 = arith.addi %add3A_353, %mul3A_352 : i32
      %get3A_355 = arith.index_cast %add3A_354 : i32 to index
      %get3A_356 = tpu.vector_load %arg17[%get3A_355] {strides = array<i32>} : memref<2048xf32, #tpu.memory_space<vmem>>, vector<16xf32>,
      %add3A_357 = arith.addf %add3A_350, %get3A_356 : vector<16xf32>
      %mul3A_358 = arith.constant 16 : i32
      %mul3A_359 = arith.muli %scan3A_262, %mul3A_358 : i32
      %add3A_360 = arith.constant 1792 : i32
      %add3A_361 = arith.addi %add3A_360, %mul3A_359 : i32
      %get3A_362 = arith.index_cast %add3A_361 : i32 to index
      %get3A_363 = tpu.vector_load %arg17[%get3A_362] {strides = array<i32>} : memref<2048xf32, #tpu.memory_space<vmem>>, vector<16xf32>,
      %add3A_364 = arith.addf %add3A_357, %get3A_363 : vector<16xf32>
      %mul3A_365 = arith.constant 16 : i32
      %mul3A_366 = arith.muli %scan3A_262, %mul3A_365 : i32
      %add3A_367 = arith.constant 1920 : i32
      %add3A_368 = arith.addi %add3A_367, %mul3A_366 : i32
      %get3A_369 = arith.index_cast %add3A_368 : i32 to index
      %get3A_370 = tpu.vector_load %arg17[%get3A_369] {strides = array<i32>} : memref<2048xf32, #tpu.memory_space<vmem>>, vector<16xf32>,
      %add3A_371 = arith.addf %add3A_364, %get3A_370 : vector<16xf32>
      %mul3A_372 = arith.constant 16 : i32
      %mul3A_373 = arith.muli %scan3A_262, %mul3A_372 : i32
      %add3A_374 = arith.constant 384 : i32
      %add3A_375 = arith.addi %add3A_374, %mul3A_373 : i32
      %swap3A = arith.index_cast %add3A_375 : i32 to index
      %swap3A_376 = tpu.vector_load %arg18[%swap3A] {strides = array<i32>} : memref<512xf32, #tpu.memory_space<vmem>>, vector<16xf32>,
      tpu.vector_store %arg18[%swap3A], %add3A_371 {strides = array<i32>} : memref<512xf32, #tpu.memory_space<vmem>>, vector<16xf32>,
      %scan3A_377 = arith.constant 0 : i32
      scf.yield %scan3A_377 : i32
    }
    %scan3A_261 = arith.constant 8 : i32
    "tpu.region"() ({
      %run_scoped3A_262 = tpu.sem_alloc : memref<!tpu.dma_semaphore, #tpu.memory_space<semaphore_mem>>
      %dma_start3A_263 = tpu.memref_slice %arg7[%mul3A_2] : memref<16384xf32, #tpu.memory_space<hbm>> -> memref<512xf32, #tpu.memory_space<hbm>>
      %dma_start3A_264 = tpu.memref_slice %arg7[%mul3A_2] : memref<16384xf32, #tpu.memory_space<hbm>> -> memref<512xf32, #tpu.memory_space<hbm>>
      tpu.enqueue_dma source(%arg18 : memref<512xf32, #tpu.memory_space<vmem>>) target(%dma_start3A_264 : memref<512xf32, #tpu.memory_space<hbm>>) target_semaphore(%run_scoped3A_262 : memref<!tpu.dma_semaphore, #tpu.memory_space<semaphore_mem>>)
      %dma_wait3A_265 = tpu.memref_slice %arg7[%mul3A_2] : memref<16384xf32, #tpu.memory_space<hbm>> -> memref<512xf32, #tpu.memory_space<hbm>>
      %dma_wait3A_266 = tpu.memref_slice %arg7[%mul3A_2] : memref<16384xf32, #tpu.memory_space<hbm>> -> memref<512xf32, #tpu.memory_space<hbm>>
      tpu.wait_dma2 semaphore(%run_scoped3A_262 : memref<!tpu.dma_semaphore, #tpu.memory_space<semaphore_mem>>) src(%arg18 : memref<512xf32, #tpu.memory_space<vmem>>) dst(%dma_wait3A_266 : memref<512xf32, #tpu.memory_space<hbm>>)
      tpu.yield
    }) : () -> ()
    return
  }
}

</mosaic_0001>

<sc_bundles>
// kernel: kernel.3.cloned.1.call-start
scs
__scs_entry_jumppad:
0x0: {  	(pc) =	sbr.rel $0x88, $3  }
0x1: {  	(tag) =	ssettag $0x0;
	lr =	simm.s32 $0x1  }
0x2: {  	[smem:$0x3F9A] =	sst lr;
	_ =	strace $0xD0000000  }
0x3: {  	_ = 	snop  }
0x4: {  	_ = 	snop  }
0x5: {  	_ = 	snop  }
0x6: {  	_ = 	snop  }
0x7: {  	_ = 	snop  }
__scs_overlays_trampoline_lowered:
0x8: {  	[smem:$0x3FA9] =	sst s0  }
0x9: {  	[smem:$0x3FAA] =	sst s1  }
0xa: {  	[smem:$0x3FAB] =	sst s2  }
0xb: {  	[smem:$0x3FAC] =	sst s3  }
0xc: {  	[smem:$0x3FAD] =	sst s4  }
0xd: {  	[smem:$0x3FAE] =	sst s5  }
0xe: {  	[smem:$0x3FAF] =	sst s6  }
0xf: {  	[smem:$0x3FB0] =	sst s7  }
0x10: {  	[smem:$0x3FB1] =	sst s8  }
0x11: {  	[smem:$0x3FB2] =	sst s9;
	s0 =	simm.s32 @!p0 $0x0  }
0x12: {  	s1 =	sld [smem:$0x3F98];
	s0 =	simm.s32 @p0 $0x1  }
0x13: {  	[smem:$0x3FB3] =	sst s0;
	s0 =	simm.s32 @!p1 $0x0  }
0x14: {  	s2 =	sld [smem:$0x3F97];
	s0 =	simm.s32 @p1 $0x1  }
0x15: {  	[smem:$0x3FB4] =	sst s0;
	s0 =	simm.s32 @!p2 $0x0  }
0x16: {  	s3 =	sld [smem:$0x3FDB];
	s0 =	simm.s32 @p2 $0x1  }
0x17: {  	s4 =	simm.s32 $0x1BF5;
	[smem:$0x3FB6] =	sst s0  }
0x18: {  	s0 =	sld [smem:$0x3F99];
	_ =	swait.ge [sflag:s4], $0x0  }
0x19: {  	s7 =	sld [smem:$0x3F9A]  }
0x1a: {  	s8 =	sadd.s32 $0xFFFFE003, lr  }
0x1b: {  	s9 =	sadd.s32 $0xFFFFFEF7, lr;
	s5 =	simm.s32 $0xFFFFFFFF;
	p2 =	slt.u32 s8, $0xFFFFF086  }
0x1c: {  	p1 =	slt.u32 s9, $0xF7A;
	s5 =	simm.s32 @!p2 $0x0  }
0x1d: {  	s5 =	simm.s32 @p1 $0x1;
	p0 =	seq.s32 s7, s2  }
0x1e: {  	s7 =	smul.u32 @!p0 $0xF7A, s2;
	p2 =	seq.s32 @!p0 s5, $0x0  }
0x1f: {  	s9 =	smul.u32 $0xF7A, s1;
	s8 =	simm.s32 @!p0 $0x1BF5;
	p2 =	por !p2, p0  }
0x20: {  	[sflag:s8] =	ssyncset.s32 @!p0 $0xFFFFF086;
	s6 =	sadd.s32 @!p0 s3, s7;
	s7 =	simm.s32 @!p0 $0x108  }
0x21: {  	s3 =	sadd.s32 s3, s9;
	s6 =	sadd.s32 @!p0 $0x88, s6;
	s7 =	simm.s32 @p2 $0x1082  }
0x22: {  	[simem:s7], [sflag:s8] =	dma.local @!p0 [hbm:s6], $0xF7A  }
0x23: {  	s9 =	sor.u32 $0xD0000000, s2;
	s6 =	simm.s32 $0x108;
	_ =	swait.ge @!p0 [sflag:s8], $0x0  }
0x24: {  	s3 =	sadd.s32 $0x88, s3;
	s6 =	simm.s32 @!p1 $0x1082;
	[sflag:s4] =	ssyncset.s32 $0xFFFFF086  }
0x25: {  	[simem:s6], [sflag:s4] =	dma.local [hbm:s3], $0xF7A  }
0x26: {  	[smem:$0x3F9A] =	sst s1;
	(tag) =	ssettag s2;
	_ =	strace s9  }
0x27: {  	s1 =	sld [smem:$0x3FAA]  }
0x28: {  	s2 =	sld [smem:$0x3FAB]  }
0x29: {  	s4 =	sld [smem:$0x3FAD]  }
0x2a: {  	p0 =	seq.s32 s5, $0x0;
	s5 =	sld [smem:$0x3FAE]  }
0x2b: {  	s6 =	sld [smem:$0x3FAF]  }
0x2c: {  	s7 =	sld [smem:$0x3FB0]  }
0x2d: {  	s3 =	simm.s32 $0x108;
	s8 =	sld [smem:$0x3FB1]  }
0x2e: {  	s3 =	simm.s32 @!p0 $0x1082;
	s9 =	sld [smem:$0x3FB2]  }
0x2f: {  	lr =	sadd.s32 s0, s3;
	s0 =	sld [smem:$0x3FA9]  }
0x30: {  	s3 =	sld [smem:$0x3FAC]  }
0x31: {  	[smem:$0x3FB5] =	sst s10  }
0x32: {  	s10 =	sld [smem:$0x3FB3];
	_ =	sdelay $0x3  }
0x33: {  	p0 =	seq.s32 s10, $0x1;
	s10 =	sld [smem:$0x3FB5];
	_ =	sdelay $0x3  }
0x34: {  	[smem:$0x3FB5] =	sst s10  }
0x35: {  	s10 =	sld [smem:$0x3FB4];
	_ =	sdelay $0x3  }
0x36: {  	p1 =	seq.s32 s10, $0x1;
	s10 =	sld [smem:$0x3FB5];
	_ =	sdelay $0x3  }
0x37: {  	[smem:$0x3FB5] =	sst s10  }
0x38: {  	s10 =	sld [smem:$0x3FB6]  }
0x39: {  	_ = 	snop;
	(pc) =	sbr.ind lr, $3  }
0x3a: {  	_ = 	snop  }
0x3b: {  	_ = 	snop  }
0x3c: {  	p2 =	seq.s32 s10, $0x1;
	s10 =	sld [smem:$0x3FB5]  }
0x3d: {  	_ =	shalt  }
0x3e: {  	_ =	shalt  }
0x3f: {  	_ =	shalt  }
0x40: {  	_ =	shalt  }
0x41: {  	_ =	shalt  }
0x42: {  	_ =	shalt  }
0x43: {  	_ =	shalt  }
0x44: {  	_ =	shalt  }
0x45: {  	_ =	shalt  }
0x46: {  	_ =	shalt  }
0x47: {  	_ =	shalt  }
0x48: {  	_ =	shalt  }
0x49: {  	_ =	shalt  }
0x4a: {  	_ =	shalt  }
0x4b: {  	_ =	shalt  }
0x4c: {  	_ =	shalt  }
0x4d: {  	_ =	shalt  }
0x4e: {  	_ =	shalt  }
0x4f: {  	_ =	shalt  }
0x50: {  	_ =	shalt  }
0x51: {  	_ =	shalt  }
0x52: {  	_ =	shalt  }
0x53: {  	_ =	shalt  }
0x54: {  	_ =	shalt  }
0x55: {  	_ =	shalt  }
0x56: {  	_ =	shalt  }
0x57: {  	_ =	shalt  }
0x58: {  	_ =	shalt  }
0x59: {  	_ =	shalt  }
0x5a: {  	_ =	shalt  }
0x5b: {  	_ =	shalt  }
0x5c: {  	_ =	shalt  }
0x5d: {  	_ =	shalt  }
0x5e: {  	_ =	shalt  }
0x5f: {  	_ =	shalt  }
0x60: {  	_ =	shalt  }
0x61: {  	_ =	shalt  }
0x62: {  	_ =	shalt  }
0x63: {  	_ =	shalt  }
0x64: {  	_ =	shalt  }
0x65: {  	_ =	shalt  }
0x66: {  	_ =	shalt  }
0x67: {  	_ =	shalt  }
0x68: {  	_ =	shalt  }
0x69: {  	_ =	shalt  }
0x6a: {  	_ =	shalt  }
0x6b: {  	_ =	shalt  }
0x6c: {  	_ =	shalt  }
0x6d: {  	_ =	shalt  }
0x6e: {  	_ =	shalt  }
0x6f: {  	_ =	shalt  }
0x70: {  	_ =	shalt  }
0x71: {  	_ =	shalt  }
0x72: {  	_ =	shalt  }
0x73: {  	_ =	shalt  }
0x74: {  	_ =	shalt  }
0x75: {  	_ =	shalt  }
0x76: {  	_ =	shalt  }
0x77: {  	_ =	shalt  }
0x78: {  	_ =	shalt  }
0x79: {  	_ =	shalt  }
0x7a: {  	_ =	shalt  }
0x7b: {  	_ =	shalt  }
0x7c: {  	_ =	shalt  }
0x7d: {  	_ =	shalt  }
0x7e: {  	_ =	shalt  }
0x7f: {  	_ =	shalt  }
0x80: {  	_ =	shalt  }
0x81: {  	_ =	shalt  }
0x82: {  	_ =	shalt  }
0x83: {  	_ =	shalt  }
0x84: {  	_ =	shalt  }
0x85: {  	_ =	shalt  }
0x86: {  	_ =	shalt  }
0x87: {  	_ =	shalt  }
.Lfunc_end0:
.L_simem_size_0:
called_computation_lowered:
.L_overlay_start_0:
0x88: {  	s2 =	sld [smem:$0x3FD9]  }
0x89: {  	s3 =	sld [smem:$0x3FFE];
	_ =	sdelay $0x1  }
0x8a: {  	s1 =	srdreg.scid  }
0x8b: {  	s0 =	sand.u32 $0x1, s1  }
0x8c: {  	s17 =	sshll.u32 s0, $0xA;
	s2 =	sadd.s32 s3, s2  }
0x8d: {  	s2 =	sadd.s32 s2, s17  }
0x8e: {  	[smem:$0x3FC1] =	sst s2  }
0x8f: {  	_ = 	snop  }
0x90: {  	s2 =	sld [smem:$0x3FC9]  }
0x91: {  	s18 =	sld [smem:$0x3FC8]  }
0x92: {  	s4 =	sld [smem:$0x3FC7]  }
0x93: {  	s5 =	sld [smem:$0x3FD0];
	(tm) =	ssettm $0x1  }
0x94: {  	s6 =	sld [smem:$0x3FFB];
	_ =	sdelay $0x3  }
0x95: {  	_ =	strace s6  }
0x96: {  	s6 =	sld [smem:$0x3FFC];
	_ =	sdelay $0x3  }
0x97: {  	_ =	strace s6  }
0x98: {  	s6 =	sld [smem:$0x3FFD];
	_ =	sdelay $0x3  }
0x99: {  	_ =	strace s6  }
0x9a: {  	_ =	strace $0x8FFFFFFF  }
0x9b: {  	s19 =	sld [smem:$0x3FDB];
	_ =	sdelay $0x1  }
0x9c: {  	s7 =	simm.s32 $_scs_section_size  }
0x9d: {  	s8 =	simm.s32 $_size__tile_overlayer_lowered;
	s9 =	simm.s32 $_tile_overlayer_lowered  }
0x9e: {  	s22 =	simm.s32 $0x1BFF;
	s21 =	sshll.u32 s9, $0x1;
	s6 =	sadd.s32 s7, s19  }
0x9f: {  	s10 =	simm.s32 $0x0;
	s20 =	sshll.u32 s8, $0x1;
	s8 =	sadd.s32 s21, s6  }
0xa0: {  	[timem:s10], [sflag:s22] =	dma.local [hbm:s8], s20  }
0xa1: {  	_ =	swait.ge [sflag:s22], s20  }
0xa2: {  	s7 =	ssub.s32 $0x0, s20;
	[sflag:s22] =	ssyncset.done $0x0  }
0xa3: {  	[sflag:s22] =	ssyncadd.s32 s7;
	_ =	sdelay $0x1  }
0xa4: {  	s23 =	simm.s32 $0x1B8B  }
0xa5: {  	_ =	swait.ge [sflag:s23], $0x1  }
0xa6: {  	[sflag:s23] =	ssyncset.done $0x0  }
0xa7: {  	s25 =	simm.s32 $0x1B8E;
	s24 =	sld [smem:$0x3FFE];
	[sflag:s23] =	ssyncadd.s32 $0xFFFFFFFF  }
0xa8: {  	s26 =	simm.s32 $execute0_lowered;
	[smem:$0x3FD2] =	sst s25  }
0xa9: {  	s8 =	sshll.u32 s26, $0x1;
	_ =	strace $0x80000046;
	[dreg:$0x1] =	wrdreg $0xFFFFFFFF  }
0xaa: {  	s28 =	simm.s32 $_size_execute0_lowered;
	s6 =	sadd.s32 s6, s8;
	[dreg:$0x0] =	wrdreg $0x0  }
0xab: {  	s8 =	sshll.u32 s28, $0x1;
	[dreg:$0x2] =	wrdreg s6  }
0xac: {  	[dreg:$0x3] =	wrdreg s8  }
0xad: {  	[dreg:$0x4] =	wrdreg $0xC0  }
0xae: {  	_ =	task [dreg:s10], $0x5FFFF  }
0xaf: {  	[dreg:$0x1] =	wrdreg $0xFFFFFFFF  }
0xb0: {  	[dreg:$0x0] =	wrdreg $0x60  }
0xb1: {  	[dreg:$0x2] =	wrdreg s2  }
0xb2: {  	[dreg:$0x3] =	wrdreg s18  }
0xb3: {  	[dreg:$0x4] =	wrdreg s4  }
0xb4: {  	[dreg:$0x5] =	wrdreg s24  }
0xb5: {  	[dreg:$0x6] =	wrdreg s5  }
0xb6: {  	[dreg:$0x7] =	wrdreg $0x9  }
0xb7: {  	_ =	task.clear_ibuf [dreg:s10], $0x8FFFF;
	_ =	strace $0x90000046  }
0xb8: {  	s29 =	simm.s32 $0x9;
	_ =	strace $0x80000048  }
0xb9: {  	_ =	swait.ge [sflag:s29], $0x1  }
0xba: {  	[sflag:s29] =	ssyncadd.s32 $0xFFFFFFFF  }
0xbb: {  	_ =	strace $0x90000048  }
0xbc: {  	_ =	sfence  }
0xbd: {  	s30 =	sld [smem:$0x0];
	_ =	sdelay $0x2  }
0xbe: {  	s31 =	sshll.u32 s1, $0xD;
	s1 =	sshrl.u32 s1, $0x2  }
0xbf: {  	s3 =	sand.u32 $0x4000, s31;
	s1 =	sadd.s32 s1, s30  }
0xc0: {  	s0 =	sor.u32 s3, s0;
	s1 =	sshll.u32 s1, $0x11  }
0xc1: {  	s0 =	sor.u32 s1, s0  }
0xc2: {  	s0 =	sadd.s32 $0x8F2B, s0  }
0xc3: {  	[sflag:s0] =	ssyncadd.remote.s32 $0x1  }
0xc4: {  	_ =	sfence.sel $0xFFFF  }
0xc5: {  	[dreg:$0x0] =	wrdreg $0xFFFFFFFF;
	(pc) =	sbr.abs _section_cstart, $3  }
0xc6: {  	[dreg:$0x1] =	wrdreg $0xFFFFFFFF  }
0xc7: {  	_ =	task.clear_ibuf [dreg:s10], $0x2FFFF;
	_ =	strace $0x9FFFFFFF  }
0xc8: {  	(tm) =	ssettm $0x7FFFFFFF  }
0xc9: {  	_ =	shalt  }
tec
execute0_lowered:
.L_overlay_start_1:
0x0: {  	(tag) =	ssettag $0x1  }
0x1: {  	s0 =	rddreg [dreg:$0x0]  }
0x2: {  	s1 =	rddreg [dreg:$0x1]  }
0x3: {  	s5 =	rddreg [dreg:$0x2]  }
0x4: {  	s4 =	rddreg [dreg:$0x3]  }
0x5: {  	s6 =	rddreg [dreg:$0x4]  }
0x6: {  	s2 =	simm.s32 $0x0;
	s3 =	srdreg.scid;
	s8 =	stileid.u32  }
0x7: {  	s19 =	simm.s32 $0x3;
	s22 =	simm.s32 $0x80;
	s31 =	simm.s32 $0x580  }
0x8: {  	s20 =	simm.s32 $0x8600;
	s21 =	simm.s32 $0xC600;
	s23 =	simm.s32 $0x10600  }
0x9: {  	s24 =	simm.s32 $0x14600;
	s25 =	simm.s32 $0x1;
	[smem:$0x7FF] =	sst s2  }
0xa: {  	s3 =	sand.u32 $0x1, s3;
	s8 =	sshll.u32 s8, $0x7;
	_ =	strace $0x80000047  }
0xb: {  	s7 =	ssub.s32 $0x2, s3;
	s9 =	sshll.u32 s3, $0x6;
	s3 =	sadd.s32 $0x30F800, s4  }
0xc: {  	s4 =	sadd.s32 $0x2400, s4;
	s10 =	sshrl.u32 s7, $0x1;
	s8 =	sor.u32 s9, s8  }
0xd: {  	s7 =	ssub.s32 s7, s10;
	s9 =	sadd.s32 s0, s8;
	s26 =	sadd.s32 s1, s8  }
0xe: {  	s28 =	sadd.s32 s5, s8;
	s29 =	sor.u32 $0x10, s8;
	[dreg:$0x6] =	wrdreg s9  }
0xf: {  	s13 =	sor.u32 $0x20, s8;
	s16 =	sor.u32 $0x30, s8;
	[dreg:$0x7] =	wrdreg s26  }
0x10: {  	s17 =	sadd.s32 s6, s8;
	s6 =	simm.s32 $0x0;
	[dreg:$0x8] =	wrdreg s28  }
0x11: {  	s30 =	sadd.s32 s0, s29;
	s9 =	sadd.s32 s1, s29;
	s10 =	sadd.s32 s5, s29  }
0x12: {  	s11 =	sadd.s32 s0, s13;
	s12 =	sadd.s32 s1, s13;
	s13 =	sadd.s32 s5, s13  }
0x13: {  	s14 =	sadd.s32 s0, s16;
	s15 =	sadd.s32 s1, s16;
	s16 =	sadd.s32 s5, s16  }
0x14: {  	v0 =	vlaneseq.u32;
	s18 =	smax.u32 s7, $0x1;
	s0 =	simm.s32 $0x600;
	s1 =	simm.s32 $0x4600  }
0x15: {  	v0 =	vmul.u32 $0x80, v0;
	s5 =	simm.s32 $0x18600;
	s26 =	simm.s32 $0x2;
	[dreg:$0x9] =	wrdreg s30  }
.LBB2_1:
0x16: {  	s7 =	rddreg [dreg:$0x6]  }
0x17: {  	[tilespmem:s2], [sflag:$0x3] =	stream.linear.gather [hbm4b:s7+s2], $0x80, $0x38;
	[tilespmem:$0x19000] =	vst v63  }
0x18: {  	_ =	swait.ge [sflag:s19], $0x80  }
0x19: {  	[sflag:s19] =	ssyncset.done $0x0  }
0x1a: {  	s8 =	simm.s32 $0x200;
	s7 =	rddreg [dreg:$0x7];
	[sflag:s19] =	ssyncadd.s32 $0xFFFFFF80  }
0x1b: {  	[tilespmem:s8], [sflag:$0x3] =	stream.linear.gather [hbm4b:s7+s2], $0x80, $0x38;
	[tilespmem:$0x19000] =	vst v63  }
0x1c: {  	_ =	swait.ge [sflag:s19], $0x80  }
0x1d: {  	[sflag:s19] =	ssyncset.done $0x0  }
0x1e: {  	s28 =	simm.s32 $0x400;
	s7 =	rddreg [dreg:$0x8];
	[sflag:s19] =	ssyncadd.s32 $0xFFFFFF80  }
0x1f: {  	[tilespmem:s28], [sflag:$0x3] =	stream.linear.gather [hbm4b:s7+s2], $0x80, $0x38;
	[tilespmem:$0x19000] =	vst v63  }
0x20: {  	_ =	swait.ge [sflag:s19], $0x80  }
0x21: {  	[sflag:s19] =	ssyncset.done $0x0  }
0x22: {  	s7 =	rddreg [dreg:$0x9];
	[sflag:s19] =	ssyncadd.s32 $0xFFFFFF80  }
0x23: {  	[tilespmem:s22], [sflag:$0x3] =	stream.linear.gather [hbm4b:s7+s2], $0x80, $0x38;
	[tilespmem:$0x19000] =	vst v63  }
0x24: {  	_ =	swait.ge [sflag:s19], $0x80  }
0x25: {  	[sflag:s19] =	ssyncset.done $0x0  }
0x26: {  	s7 =	simm.s32 $0x280;
	[sflag:s19] =	ssyncadd.s32 $0xFFFFFF80  }
0x27: {  	[tilespmem:s7], [sflag:$0x3] =	stream.linear.gather [hbm4b:s9+s2], $0x80, $0x38;
	[tilespmem:$0x19000] =	vst v63  }
0x28: {  	_ =	swait.ge [sflag:s19], $0x80  }
0x29: {  	[sflag:s19] =	ssyncset.done $0x0  }
0x2a: {  	s29 =	simm.s32 $0x480;
	[sflag:s19] =	ssyncadd.s32 $0xFFFFFF80  }
0x2b: {  	[tilespmem:s29], [sflag:$0x3] =	stream.linear.gather [hbm4b:s10+s2], $0x80, $0x38;
	[tilespmem:$0x19000] =	vst v63  }
0x2c: {  	_ =	swait.ge [sflag:s19], $0x80  }
0x2d: {  	[sflag:s19] =	ssyncset.done $0x0  }
0x2e: {  	s30 =	simm.s32 $0x100;
	[sflag:s19] =	ssyncadd.s32 $0xFFFFFF80  }
0x2f: {  	[tilespmem:s30], [sflag:$0x3] =	stream.linear.gather [hbm4b:s11+s2], $0x80, $0x38;
	[tilespmem:$0x19000] =	vst v63  }
0x30: {  	_ =	swait.ge [sflag:s19], $0x80  }
0x31: {  	[sflag:s19] =	ssyncset.done $0x0  }
0x32: {  	s30 =	simm.s32 $0x300;
	[sflag:s19] =	ssyncadd.s32 $0xFFFFFF80  }
0x33: {  	[tilespmem:s30], [sflag:$0x3] =	stream.linear.gather [hbm4b:s12+s2], $0x80, $0x38;
	[tilespmem:$0x19000] =	vst v63  }
0x34: {  	_ =	swait.ge [sflag:s19], $0x80  }
0x35: {  	[sflag:s19] =	ssyncset.done $0x0  }
0x36: {  	s30 =	simm.s32 $0x500;
	[sflag:s19] =	ssyncadd.s32 $0xFFFFFF80  }
0x37: {  	[tilespmem:s30], [sflag:$0x3] =	stream.linear.gather [hbm4b:s13+s2], $0x80, $0x38;
	[tilespmem:$0x19000] =	vst v63  }
0x38: {  	_ =	swait.ge [sflag:s19], $0x80  }
0x39: {  	[sflag:s19] =	ssyncset.done $0x0  }
0x3a: {  	s30 =	simm.s32 $0x180;
	[sflag:s19] =	ssyncadd.s32 $0xFFFFFF80  }
0x3b: {  	[tilespmem:s30], [sflag:$0x3] =	stream.linear.gather [hbm4b:s14+s2], $0x80, $0x38;
	[tilespmem:$0x19000] =	vst v63  }
0x3c: {  	_ =	swait.ge [sflag:s19], $0x80  }
0x3d: {  	[sflag:s19] =	ssyncset.done $0x0  }
0x3e: {  	s30 =	simm.s32 $0x380;
	[sflag:s19] =	ssyncadd.s32 $0xFFFFFF80  }
0x3f: {  	[tilespmem:s30], [sflag:$0x3] =	stream.linear.gather [hbm4b:s15+s2], $0x80, $0x38;
	[tilespmem:$0x19000] =	vst v63  }
0x40: {  	_ =	swait.ge [sflag:s19], $0x80  }
0x41: {  	[sflag:s19] =	ssyncset.done $0x0  }
0x42: {  	[sflag:s19] =	ssyncadd.s32 $0xFFFFFF80  }
0x43: {  	[tilespmem:s31], [sflag:$0x3] =	stream.linear.gather [hbm4b:s16+s2], $0x80, $0x38;
	[tilespmem:$0x19000] =	vst v63  }
0x44: {  	_ =	swait.ge [sflag:s19], $0x80  }
0x45: {  	[sflag:s19] =	ssyncset.done $0x0  }
0x46: {  	[sflag:s19] =	ssyncadd.s32 $0xFFFFFF80  }
0x47: {  	[tilespmem:s0], [sflag:$0x1] =	stream.indirect.gather [hbm4b:s3+s22], $0x80, s2, s22, $0xb8;
	[tilespmem:$0x19000] =	vst v63  }
0x48: {  	_ = 	snop  }
0x49: {  	[tilespmem:s1], [sflag:$0x1] =	stream.indirect.gather [hbm4b:s3+s22], $0x80, s28, s22, $0xb8;
	[tilespmem:$0x19000] =	vst v63  }
0x4a: {  	_ = 	snop  }
0x4b: {  	[tilespmem:s20], [sflag:$0x1] =	stream.indirect.gather [hbm4b:s4+s22], $0x80, s8, s22, $0xb8;
	[tilespmem:$0x19000] =	vst v63  }
0x4c: {  	_ = 	snop  }
0x4d: {  	[tilespmem:s21], [sflag:$0x2] =	stream.indirect.gather [hbm4b:s3+s22], $0x80, s22, s22, $0xb8;
	[tilespmem:$0x19000] =	vst v63  }
0x4e: {  	_ = 	snop  }
0x4f: {  	[tilespmem:s23], [sflag:$0x2] =	stream.indirect.gather [hbm4b:s3+s22], $0x80, s29, s22, $0xb8;
	[tilespmem:$0x19000] =	vst v63  }
0x50: {  	_ = 	snop  }
0x51: {  	[tilespmem:s24], [sflag:$0x2] =	stream.indirect.gather [hbm4b:s4+s22], $0x80, s7, s22, $0xb8;
	[tilespmem:$0x19000] =	vst v63  }
0x52: {  	_ =	swait.ge [sflag:s25], $0x4000  }
0x53: {  	[sflag:s25] =	ssyncset.done $0x0  }
0x54: {  	[sflag:s25] =	ssyncadd.s32 $0xFFFFC000  }
0x55: {  	_ =	swait.ge [sflag:s25], $0x4000  }
0x56: {  	[sflag:s25] =	ssyncset.done $0x0  }
0x57: {  	[sflag:s25] =	ssyncadd.s32 $0xFFFFC000  }
0x58: {  	_ =	swait.ge [sflag:s25], $0x4000  }
0x59: {  	[sflag:s25] =	ssyncset.done $0x0  }
0x5a: {  	s28 =	simm.s32 $0x640;
	[sflag:s25] =	ssyncadd.s32 $0xFFFFC000  }
0x5b: {  	v1 =	vld [tilespmem:s28+$0x10]  }
0x5c: {  	v2 =	vld [tilespmem:s28+$0xFFFFFFD0]  }
0x5d: {  	v4 =	vld [tilespmem:s28+$0x0]  }
0x5e: {  	s30 =	simm.s32 $0x8640;
	v5 =	vld [tilespmem:s28+$0xFFFFFFC0]  }
0x5f: {  	v3 =	vld [tilespmem:s30+$0xFFFFFFE0]  }
0x60: {  	s29 =	simm.s32 $0x4640;
	v6 =	vld [tilespmem:s30+$0xFFFFFFC0]  }
0x61: {  	v7 =	vld [tilespmem:s29+$0xFFFFFFC0]  }
0x62: {  	v8 =	vld [tilespmem:s30+$0x0]  }
0x63: {  	s8 =	simm.s32 $0x1;
	s7 =	simm.s32 $0x0;
	v9 =	vld [tilespmem:s29+$0x0]  }
.LBB2_2:
0x64: {  	p0 =	sne.s32 s8, $0x7F;
	v10 =	vld [tilespmem:s30+$0xFFFFFFD0]  }
0x65: {  	v11 =	vld [tilespmem:s29+$0xFFFFFFD0]  }
0x66: {  	v12 =	vld [tilespmem:s30+$0x10]  }
0x67: {  	v13 =	vld [tilespmem:s29+$0x10]  }
0x68: {  	v14 =	vmul.f32 v6, v7;
	v15 =	vmul.f32 v8, v9;
	v16 =	vld [tilespmem:s29+$0xFFFFFFE0]  }
0x69: {  	v17 =	vld [tilespmem:s30+$0x20]  }
0x6a: {  	v7 =	vmul.f32 v8, v7;
	v6 =	vmul.f32 v6, v9;
	v14 =	vadd.f32 v15, v14;
	v8 =	vld [tilespmem:s29+$0x20]  }
0x6b: {  	v9 =	vmul.f32 v10, v11;
	v15 =	vld [tilespmem:s30+$0xFFFFFFF0]  }
0x6c: {  	v6 =	vsub.f32 v6, v7;
	v5 =	vmul.f32 v14, v5;
	v7 =	vmul.f32 v12, v13;
	v14 =	vld [tilespmem:s29+$0xFFFFFFF0]  }
0x6d: {  	v11 =	vmul.f32 v12, v11;
	v10 =	vmul.f32 v10, v13;
	v12 =	vld [tilespmem:s30+$0x30]  }
0x6e: {  	v4 =	vmul.f32 v6, v4;
	v5 =	vadd.f32 $0.0e+00, v5;
	v6 =	vadd.f32 v7, v9;
	v7 =	vld [tilespmem:s29+$0x30]  }
0x6f: {  	v13 =	vmul.f32 v3, v16;
	v9 =	vld [tilespmem:s28+$0xFFFFFFE0];
	v18 =	vmul.f32 v17, v8  }
0x70: {  	v4 =	vadd.f32 v5, v4;
	v5 =	vsub.f32 v10, v11;
	v2 =	vmul.f32 v6, v2  }
0x71: {  	v3 =	vmul.f32 v3, v8;
	v8 =	vmul.f32 v17, v16;
	v6 =	vld [tilespmem:s28+$0x20]  }
0x72: {  	v2 =	vadd.f32 v2, v4;
	v1 =	vmul.f32 v5, v1;
	v4 =	vadd.f32 v18, v13  }
0x73: {  	v10 =	vmul.f32 v15, v14;
	v5 =	vld [tilespmem:s28+$0xFFFFFFF0];
	v11 =	vmul.f32 v12, v7  }
0x74: {  	v1 =	vadd.f32 v2, v1;
	v2 =	vsub.f32 v3, v8;
	v3 =	vmul.f32 v4, v9  }
0x75: {  	v7 =	vmul.f32 v15, v7;
	v8 =	vmul.f32 v12, v14;
	v4 =	vld [tilespmem:s28+$0x30]  }
0x76: {  	v1 =	vadd.f32 v3, v1;
	v2 =	vmul.f32 v2, v6;
	v3 =	vadd.f32 v11, v10;
	_ =	sdelay $0x1  }
0x77: {  	v1 =	vadd.f32 v1, v2;
	v2 =	vsub.f32 v7, v8;
	v3 =	vmul.f32 v3, v5  }
0x78: {  	v5 =	vor.u32 s7, v0;
	s7 =	smov.u32 s8  }
0x79: {  	v1 =	vadd.f32 v3, v1;
	v2 =	vmul.f32 v2, v4;
	_ =	sdelay $0x1  }
0x7a: {  	v1 =	vadd.f32 v1, v2;
	_ =	sdelay $0x1  }
0x7b: {  	s28 =	sadd.s32 $0x80, s28;
	[tilespmem:v5+s5+$0x0] =	vst.idx.msk $0xffff, v1  }
0x7c: {  	v1 =	vld [tilespmem:s28+$0x10]  }
0x7d: {  	v2 =	vld [tilespmem:s28+$0xFFFFFFD0]  }
0x7e: {  	v4 =	vld [tilespmem:s28+$0x0]  }
0x7f: {  	s30 =	sadd.s32 $0x80, s30;
	v5 =	vld [tilespmem:s28+$0xFFFFFFC0]  }
.Ltmp0:
0x80: {  	v3 =	vld [tilespmem:s30+$0xFFFFFFE0];
	(pc) =	sbr.rel @p0 .LBB2_2-.Ltmp0, $4  }
0x81: {  	s29 =	sadd.s32 $0x80, s29;
	v6 =	vld [tilespmem:s30+$0xFFFFFFC0]  }
0x82: {  	v7 =	vld [tilespmem:s29+$0xFFFFFFC0]  }
0x83: {  	v8 =	vld [tilespmem:s30+$0x0]  }
0x84: {  	s8 =	sadd.s32 $0x1, s8;
	v9 =	vld [tilespmem:s29+$0x0]  }
0x85: {  	v10 =	vld [tilespmem:s30+$0xFFFFFFD0]  }
0x86: {  	v11 =	vld [tilespmem:s29+$0xFFFFFFD0]  }
0x87: {  	v12 =	vld [tilespmem:s30+$0x10]  }
0x88: {  	v13 =	vld [tilespmem:s29+$0x10]  }
0x89: {  	v16 =	vld [tilespmem:s29+$0xFFFFFFE0];
	v14 =	vmul.f32 v6, v7;
	v15 =	vmul.f32 v8, v9  }
0x8a: {  	v17 =	vld [tilespmem:s30+$0x20]  }
0x8b: {  	v7 =	vmul.f32 v8, v7;
	v6 =	vmul.f32 v6, v9;
	v8 =	vld [tilespmem:s29+$0x20];
	v14 =	vadd.f32 v15, v14  }
0x8c: {  	v55 =	vld [tilespmem:s30+$0xFFFFFFF0];
	v54 =	vmul.f32 v10, v11  }
0x8d: {  	v56 =	vld [tilespmem:s29+$0xFFFFFFF0];
	v6 =	vsub.f32 v6, v7;
	v7 =	vmul.f32 v12, v13;
	v5 =	vmul.f32 v14, v5  }
0x8e: {  	v57 =	vld [tilespmem:s30+$0x30];
	v10 =	vmul.f32 v10, v13;
	v11 =	vmul.f32 v12, v11  }
0x8f: {  	v4 =	vmul.f32 v6, v4;
	v6 =	vadd.f32 v7, v54;
	v7 =	vld [tilespmem:s29+$0x30];
	v5 =	vadd.f32 $0.0e+00, v5  }
0x90: {  	v58 =	vld [tilespmem:s28+$0xFFFFFFE0];
	v59 =	vmul.f32 v3, v16;
	v18 =	vmul.f32 v17, v8  }
0x91: {  	v2 =	vmul.f32 v6, v2;
	v4 =	vadd.f32 v5, v4;
	v5 =	vsub.f32 v10, v11  }
0x92: {  	v3 =	vmul.f32 v3, v8;
	v8 =	vmul.f32 v17, v16;
	v6 =	vld [tilespmem:s28+$0x20]  }
0x93: {  	v2 =	vadd.f32 v2, v4;
	v1 =	vmul.f32 v5, v1;
	v4 =	vadd.f32 v18, v59  }
0x94: {  	v60 =	vmul.f32 v55, v56;
	v61 =	vmul.f32 v57, v7;
	v5 =	vld [tilespmem:s28+$0xFFFFFFF0]  }
0x95: {  	v1 =	vadd.f32 v2, v1;
	v2 =	vsub.f32 v3, v8;
	v3 =	vmul.f32 v4, v58  }
0x96: {  	v7 =	vmul.f32 v55, v7;
	v4 =	vld [tilespmem:s28+$0x30];
	v8 =	vmul.f32 v57, v56  }
0x97: {  	v1 =	vadd.f32 v3, v1;
	v2 =	vmul.f32 v2, v6;
	v3 =	vadd.f32 v61, v60;
	_ =	sdelay $0x1  }
0x98: {  	v1 =	vadd.f32 v1, v2;
	v2 =	vsub.f32 v7, v8;
	v3 =	vmul.f32 v3, v5  }
0x99: {  	v5 =	vor.u32 s7, v0  }
0x9a: {  	v1 =	vadd.f32 v3, v1;
	v2 =	vmul.f32 v2, v4;
	_ =	sdelay $0x1  }
0x9b: {  	v1 =	vadd.f32 v1, v2;
	_ =	sdelay $0x1  }
0x9c: {  	s28 =	simm.s32 $0x0;
	[tilespmem:v5+s5+$0x0] =	vst.idx.msk $0xffff, v1  }
0x9d: {  	v1 =	vld [tilespmem:s28+$0x18600]  }
0x9e: {  	v2 =	vld [tilespmem:s28+$0x18680];
	_ =	sdelay $0x1  }
0x9f: {  	v3 =	vld [tilespmem:s28+$0x18700];
	_ =	sdelay $0x1  }
0xa0: {  	v4 =	vld [tilespmem:s28+$0x18780]  }
0xa1: {  	v1 =	vadd.f32 v2, v1  }
0xa2: {  	v2 =	vld [tilespmem:s28+$0x18800]  }
0xa3: {  	v1 =	vadd.f32 v3, v1  }
0xa4: {  	v3 =	vld [tilespmem:s28+$0x18880]  }
0xa5: {  	v1 =	vadd.f32 v4, v1  }
0xa6: {  	v4 =	vld [tilespmem:s28+$0x18900]  }
0xa7: {  	v1 =	vadd.f32 v2, v1  }
0xa8: {  	v2 =	vld [tilespmem:s28+$0x18980]  }
0xa9: {  	s7 =	simm.s32 $0x10;
	v5 =	vld [tilespmem:s28+$0x18A00];
	v1 =	vadd.f32 v3, v1  }
0xaa: {  	v6 =	vld [tilespmem:s7+$0x18600]  }
0xab: {  	v3 =	vld [tilespmem:s28+$0x18A80];
	v1 =	vadd.f32 v4, v1  }
0xac: {  	v4 =	vld [tilespmem:s7+$0x18680]  }
0xad: {  	v7 =	vld [tilespmem:s7+$0x18700];
	v1 =	vadd.f32 v2, v1  }
0xae: {  	v2 =	vld [tilespmem:s28+$0x18B00]  }
0xaf: {  	v8 =	vld [tilespmem:s7+$0x18780];
	v1 =	vadd.f32 v5, v1  }
0xb0: {  	v5 =	vld [tilespmem:s28+$0x18B80]  }
0xb1: {  	v4 =	vadd.f32 v4, v6;
	v6 =	vld [tilespmem:s7+$0x18800];
	v1 =	vadd.f32 v3, v1  }
0xb2: {  	v3 =	vld [tilespmem:s28+$0x18C00]  }
0xb3: {  	v4 =	vadd.f32 v7, v4;
	v7 =	vld [tilespmem:s7+$0x18880];
	v1 =	vadd.f32 v2, v1  }
0xb4: {  	v2 =	vld [tilespmem:s28+$0x18C80]  }
0xb5: {  	v62 =	vld [tilespmem:s7+$0x18900];
	v4 =	vadd.f32 v8, v4;
	v1 =	vadd.f32 v5, v1  }
0xb6: {  	v8 =	vld [tilespmem:s28+$0x18D00]  }
0xb7: {  	v5 =	vadd.f32 v6, v4;
	v4 =	vld [tilespmem:s7+$0x18980];
	v6 =	vadd.f32 v3, v1  }
0xb8: {  	v3 =	vld [tilespmem:s28+$0x18D80]  }
0xb9: {  	v1 =	vld [tilespmem:s7+$0x18A80];
	v7 =	vadd.f32 v7, v5;
	v63 =	vadd.f32 v2, v6  }
0xba: {  	s8 =	simm.s32 $0x20;
	v5 =	vld [tilespmem:s7+$0x18A00]  }
0xbb: {  	s29 =	simm.s32 $0xC0;
	v2 =	vld [tilespmem:s8+$0x18600];
	v6 =	vadd.f32 v62, v7;
	v7 =	vadd.f32 v8, v63  }
.LBB2_4:
0xbc: {  	p0 =	sne.s32 s29, $0x1C0;
	v8 =	vld [tilespmem:s8+$0x18680]  }
0xbd: {  	v4 =	vadd.f32 v4, v6;
	v6 =	vld [tilespmem:s7+$0x18B00];
	v3 =	vadd.f32 v3, v7  }
0xbe: {  	v7 =	vld [tilespmem:s8+$0x18700]  }
0xbf: {  	v4 =	vadd.f32 v5, v4;
	v5 =	vld [tilespmem:s7+$0x18B80];
	[tilespmem:s28+$0x18E00] =	vst v3;
	s28 =	smov.u32 s7;
	s7 =	smov.u32 s8  }
0xc0: {  	v3 =	vld [tilespmem:s7+$0x18780]  }
0xc1: {  	v2 =	vadd.f32 v8, v2;
	v1 =	vadd.f32 v1, v4;
	v4 =	vld [tilespmem:s28+$0x18C00]  }
0xc2: {  	v8 =	vld [tilespmem:s7+$0x18800]  }
0xc3: {  	v2 =	vadd.f32 v7, v2;
	v1 =	vadd.f32 v6, v1;
	v6 =	vld [tilespmem:s28+$0x18C80]  }
0xc4: {  	v7 =	vld [tilespmem:s7+$0x18880]  }
0xc5: {  	v2 =	vadd.f32 v3, v2;
	v1 =	vadd.f32 v5, v1;
	v9 =	vld [tilespmem:s28+$0x18D00]  }
0xc6: {  	v10 =	vld [tilespmem:s7+$0x18900]  }
.Ltmp1:
0xc7: {  	v2 =	vadd.f32 v8, v2;
	v5 =	vadd.f32 v4, v1;
	v3 =	vld [tilespmem:s28+$0x18D80];
	(pc) =	sbr.rel @p0 .LBB2_4-.Ltmp1, $4  }
0xc8: {  	v4 =	vld [tilespmem:s7+$0x18980]  }
0xc9: {  	v7 =	vadd.f32 v7, v2;
	v1 =	vld [tilespmem:s7+$0x18A80];
	v8 =	vadd.f32 v6, v5  }
0xca: {  	s8 =	sshra.s32 s29, $0x2;
	v5 =	vld [tilespmem:s7+$0x18A00]  }
0xcb: {  	s29 =	sadd.s32 $0x40, s29;
	v2 =	vld [tilespmem:s8+$0x18600];
	v6 =	vadd.f32 v10, v7;
	v7 =	vadd.f32 v9, v8  }
0xcc: {  	v8 =	vld [tilespmem:s8+$0x18680]  }
0xcd: {  	v9 =	vld [tilespmem:s7+$0x18B00];
	v3 =	vadd.f32 v3, v7  }
0xce: {  	v7 =	vld [tilespmem:s8+$0x18700]  }
0xcf: {  	v10 =	vld [tilespmem:s7+$0x18B80];
	v4 =	vadd.f32 v4, v6;
	[tilespmem:s28+$0x18E00] =	vst v3  }
0xd0: {  	v3 =	vld [tilespmem:s8+$0x18780]  }
0xd1: {  	v4 =	vadd.f32 v5, v4;
	v2 =	vadd.f32 v8, v2  }
0xd2: {  	v5 =	vld [tilespmem:s8+$0x18800]  }
0xd3: {  	v6 =	vld [tilespmem:s8+$0x18880];
	v1 =	vadd.f32 v1, v4;
	v2 =	vadd.f32 v7, v2  }
0xd4: {  	v4 =	vld [tilespmem:s7+$0x18C00]  }
0xd5: {  	v1 =	vadd.f32 v9, v1;
	v7 =	vld [tilespmem:s7+$0x18C80];
	v2 =	vadd.f32 v3, v2  }
0xd6: {  	v3 =	vld [tilespmem:s8+$0x18900]  }
0xd7: {  	v8 =	vld [tilespmem:s7+$0x18D00];
	v1 =	vadd.f32 v10, v1;
	v2 =	vadd.f32 v5, v2  }
0xd8: {  	v5 =	vld [tilespmem:s8+$0x18980]  }
0xd9: {  	v1 =	vadd.f32 v4, v1;
	v4 =	vld [tilespmem:s7+$0x18D80];
	v2 =	vadd.f32 v6, v2  }
0xda: {  	v6 =	vld [tilespmem:s8+$0x18A00]  }
0xdb: {  	v1 =	vadd.f32 v7, v1;
	v2 =	vadd.f32 v3, v2  }
0xdc: {  	v3 =	vld [tilespmem:s8+$0x18A80]  }
0xdd: {  	v1 =	vadd.f32 v8, v1;
	v2 =	vadd.f32 v5, v2  }
0xde: {  	v5 =	vld [tilespmem:s8+$0x18B00]  }
0xdf: {  	v1 =	vadd.f32 v4, v1;
	v2 =	vadd.f32 v6, v2  }
0xe0: {  	v4 =	vld [tilespmem:s8+$0x18B80]  }
0xe1: {  	[tilespmem:s7+$0x18E00] =	vst v1;
	v1 =	vadd.f32 v3, v2  }
0xe2: {  	v2 =	vld [tilespmem:s8+$0x18C00]  }
0xe3: {  	v1 =	vadd.f32 v5, v1  }
0xe4: {  	v3 =	vld [tilespmem:s8+$0x18C80]  }
0xe5: {  	v1 =	vadd.f32 v4, v1  }
0xe6: {  	v4 =	vld [tilespmem:s8+$0x18D00]  }
0xe7: {  	v1 =	vadd.f32 v2, v1  }
0xe8: {  	v2 =	vld [tilespmem:s8+$0x18D80]  }
0xe9: {  	v1 =	vadd.f32 v3, v1;
	_ =	sdelay $0x1  }
0xea: {  	v1 =	vadd.f32 v4, v1;
	_ =	sdelay $0x1  }
0xeb: {  	v1 =	vadd.f32 v2, v1;
	_ =	sdelay $0x1  }
0xec: {  	[tilespmem:s8+$0x18E00] =	vst v1;
	s8 =	simm.s32 $0x100  }
0xed: {  	[tilespmem:s0], [sflag:$0x1] =	stream.indirect.gather [hbm4b:s3+s22], $0x80, s8, s22, $0xb8;
	[tilespmem:$0x19000] =	vst v63  }
0xee: {  	s8 =	simm.s32 $0x500  }
0xef: {  	[tilespmem:s1], [sflag:$0x1] =	stream.indirect.gather [hbm4b:s3+s22], $0x80, s8, s22, $0xb8;
	[tilespmem:$0x19000] =	vst v63  }
0xf0: {  	s8 =	simm.s32 $0x300  }
0xf1: {  	[tilespmem:s20], [sflag:$0x1] =	stream.indirect.gather [hbm4b:s4+s22], $0x80, s8, s22, $0xb8;
	[tilespmem:$0x19000] =	vst v63  }
0xf2: {  	_ =	swait.ge [sflag:s26], $0x4000  }
0xf3: {  	[sflag:s26] =	ssyncset.done $0x0  }
0xf4: {  	[sflag:s26] =	ssyncadd.s32 $0xFFFFC000  }
0xf5: {  	_ =	swait.ge [sflag:s26], $0x4000  }
0xf6: {  	[sflag:s26] =	ssyncset.done $0x0  }
0xf7: {  	[sflag:s26] =	ssyncadd.s32 $0xFFFFC000  }
0xf8: {  	_ =	swait.ge [sflag:s26], $0x4000  }
0xf9: {  	[sflag:s26] =	ssyncset.done $0x0  }
0xfa: {  	s28 =	simm.s32 $0xC640;
	[sflag:s26] =	ssyncadd.s32 $0xFFFFC000  }
0xfb: {  	v1 =	vld [tilespmem:s28+$0x10]  }
0xfc: {  	v2 =	vld [tilespmem:s28+$0xFFFFFFD0]  }
0xfd: {  	v4 =	vld [tilespmem:s28+$0x0]  }
0xfe: {  	s30 =	simm.s32 $0x14640;
	v5 =	vld [tilespmem:s28+$0xFFFFFFC0]  }
0xff: {  	v3 =	vld [tilespmem:s30+$0xFFFFFFE0]  }
0x100: {  	s29 =	simm.s32 $0x10640;
	v6 =	vld [tilespmem:s30+$0xFFFFFFC0]  }
0x101: {  	v7 =	vld [tilespmem:s29+$0xFFFFFFC0]  }
0x102: {  	v8 =	vld [tilespmem:s30+$0x0]  }
0x103: {  	s7 =	simm.s32 $0x0;
	s8 =	simm.s32 $0x1;
	v9 =	vld [tilespmem:s29+$0x0]  }
.LBB2_6:
0x104: {  	p0 =	sne.s32 s8, $0x7F;
	v10 =	vld [tilespmem:s30+$0xFFFFFFD0]  }
0x105: {  	v11 =	vld [tilespmem:s29+$0xFFFFFFD0]  }
0x106: {  	v12 =	vld [tilespmem:s30+$0x10]  }
0x107: {  	v13 =	vld [tilespmem:s29+$0x10]  }
0x108: {  	v14 =	vmul.f32 v6, v7;
	v15 =	vmul.f32 v8, v9;
	v16 =	vld [tilespmem:s29+$0xFFFFFFE0]  }
0x109: {  	v17 =	vld [tilespmem:s30+$0x20]  }
0x10a: {  	v7 =	vmul.f32 v8, v7;
	v6 =	vmul.f32 v6, v9;
	v14 =	vadd.f32 v15, v14;
	v8 =	vld [tilespmem:s29+$0x20]  }
0x10b: {  	v9 =	vmul.f32 v10, v11;
	v15 =	vld [tilespmem:s30+$0xFFFFFFF0]  }
0x10c: {  	v6 =	vsub.f32 v6, v7;
	v5 =	vmul.f32 v14, v5;
	v7 =	vmul.f32 v12, v13;
	v14 =	vld [tilespmem:s29+$0xFFFFFFF0]  }
0x10d: {  	v11 =	vmul.f32 v12, v11;
	v10 =	vmul.f32 v10, v13;
	v12 =	vld [tilespmem:s30+$0x30]  }
0x10e: {  	v4 =	vmul.f32 v6, v4;
	v5 =	vadd.f32 $0.0e+00, v5;
	v6 =	vadd.f32 v7, v9;
	v7 =	vld [tilespmem:s29+$0x30]  }
0x10f: {  	v13 =	vmul.f32 v3, v16;
	v9 =	vld [tilespmem:s28+$0xFFFFFFE0];
	v18 =	vmul.f32 v17, v8  }
0x110: {  	v4 =	vadd.f32 v5, v4;
	v5 =	vsub.f32 v10, v11;
	v2 =	vmul.f32 v6, v2  }
0x111: {  	v3 =	vmul.f32 v3, v8;
	v8 =	vmul.f32 v17, v16;
	v6 =	vld [tilespmem:s28+$0x20]  }
0x112: {  	v2 =	vadd.f32 v2, v4;
	v1 =	vmul.f32 v5, v1;
	v4 =	vadd.f32 v18, v13  }
0x113: {  	v10 =	vmul.f32 v15, v14;
	v5 =	vld [tilespmem:s28+$0xFFFFFFF0];
	v11 =	vmul.f32 v12, v7  }
0x114: {  	v1 =	vadd.f32 v2, v1;
	v2 =	vsub.f32 v3, v8;
	v3 =	vmul.f32 v4, v9  }
0x115: {  	v7 =	vmul.f32 v15, v7;
	v8 =	vmul.f32 v12, v14;
	v4 =	vld [tilespmem:s28+$0x30]  }
0x116: {  	v1 =	vadd.f32 v3, v1;
	v2 =	vmul.f32 v2, v6;
	v3 =	vadd.f32 v11, v10;
	_ =	sdelay $0x1  }
0x117: {  	v1 =	vadd.f32 v1, v2;
	v2 =	vsub.f32 v7, v8;
	v3 =	vmul.f32 v3, v5  }
0x118: {  	v5 =	vor.u32 s7, v0;
	s7 =	smov.u32 s8  }
0x119: {  	v1 =	vadd.f32 v3, v1;
	v2 =	vmul.f32 v2, v4;
	_ =	sdelay $0x1  }
0x11a: {  	v1 =	vadd.f32 v1, v2;
	_ =	sdelay $0x1  }
0x11b: {  	s28 =	sadd.s32 $0x80, s28;
	[tilespmem:v5+s5+$0x0] =	vst.idx.msk $0xffff, v1  }
0x11c: {  	v1 =	vld [tilespmem:s28+$0x10]  }
0x11d: {  	v2 =	vld [tilespmem:s28+$0xFFFFFFD0]  }
0x11e: {  	v4 =	vld [tilespmem:s28+$0x0]  }
0x11f: {  	s30 =	sadd.s32 $0x80, s30;
	v5 =	vld [tilespmem:s28+$0xFFFFFFC0]  }
.Ltmp2:
0x120: {  	v3 =	vld [tilespmem:s30+$0xFFFFFFE0];
	(pc) =	sbr.rel @p0 .LBB2_6-.Ltmp2, $4  }
0x121: {  	s29 =	sadd.s32 $0x80, s29;
	v6 =	vld [tilespmem:s30+$0xFFFFFFC0]  }
0x122: {  	v7 =	vld [tilespmem:s29+$0xFFFFFFC0]  }
0x123: {  	v8 =	vld [tilespmem:s30+$0x0]  }
0x124: {  	s8 =	sadd.s32 $0x1, s8;
	v9 =	vld [tilespmem:s29+$0x0]  }
0x125: {  	v10 =	vld [tilespmem:s30+$0xFFFFFFD0]  }
0x126: {  	v11 =	vld [tilespmem:s29+$0xFFFFFFD0]  }
0x127: {  	v12 =	vld [tilespmem:s30+$0x10]  }
0x128: {  	v13 =	vld [tilespmem:s29+$0x10]  }
0x129: {  	v16 =	vld [tilespmem:s29+$0xFFFFFFE0];
	v14 =	vmul.f32 v6, v7;
	v15 =	vmul.f32 v8, v9  }
0x12a: {  	v17 =	vld [tilespmem:s30+$0x20]  }
0x12b: {  	v7 =	vmul.f32 v8, v7;
	v6 =	vmul.f32 v6, v9;
	v8 =	vld [tilespmem:s29+$0x20];
	v14 =	vadd.f32 v15, v14  }
0x12c: {  	v55 =	vld [tilespmem:s30+$0xFFFFFFF0];
	v54 =	vmul.f32 v10, v11  }
0x12d: {  	v56 =	vld [tilespmem:s29+$0xFFFFFFF0];
	v6 =	vsub.f32 v6, v7;
	v7 =	vmul.f32 v12, v13;
	v5 =	vmul.f32 v14, v5  }
0x12e: {  	v57 =	vld [tilespmem:s30+$0x30];
	v10 =	vmul.f32 v10, v13;
	v11 =	vmul.f32 v12, v11  }
0x12f: {  	v4 =	vmul.f32 v6, v4;
	v6 =	vadd.f32 v7, v54;
	v7 =	vld [tilespmem:s29+$0x30];
	v5 =	vadd.f32 $0.0e+00, v5  }
0x130: {  	v58 =	vld [tilespmem:s28+$0xFFFFFFE0];
	v59 =	vmul.f32 v3, v16;
	v18 =	vmul.f32 v17, v8  }
0x131: {  	v2 =	vmul.f32 v6, v2;
	v4 =	vadd.f32 v5, v4;
	v5 =	vsub.f32 v10, v11  }
0x132: {  	v3 =	vmul.f32 v3, v8;
	v8 =	vmul.f32 v17, v16;
	v6 =	vld [tilespmem:s28+$0x20]  }
0x133: {  	v2 =	vadd.f32 v2, v4;
	v1 =	vmul.f32 v5, v1;
	v4 =	vadd.f32 v18, v59  }
0x134: {  	v60 =	vmul.f32 v55, v56;
	v61 =	vmul.f32 v57, v7;
	v5 =	vld [tilespmem:s28+$0xFFFFFFF0]  }
0x135: {  	v1 =	vadd.f32 v2, v1;
	v2 =	vsub.f32 v3, v8;
	v3 =	vmul.f32 v4, v58  }
0x136: {  	v7 =	vmul.f32 v55, v7;
	v4 =	vld [tilespmem:s28+$0x30];
	v8 =	vmul.f32 v57, v56  }
0x137: {  	v1 =	vadd.f32 v3, v1;
	v2 =	vmul.f32 v2, v6;
	v3 =	vadd.f32 v61, v60;
	_ =	sdelay $0x1  }
0x138: {  	v1 =	vadd.f32 v1, v2;
	v2 =	vsub.f32 v7, v8;
	v3 =	vmul.f32 v3, v5  }
0x139: {  	v5 =	vor.u32 s7, v0  }
0x13a: {  	v1 =	vadd.f32 v3, v1;
	v2 =	vmul.f32 v2, v4;
	_ =	sdelay $0x1  }
0x13b: {  	v1 =	vadd.f32 v1, v2;
	_ =	sdelay $0x1  }
0x13c: {  	s28 =	simm.s32 $0x0;
	[tilespmem:v5+s5+$0x0] =	vst.idx.msk $0xffff, v1  }
0x13d: {  	v1 =	vld [tilespmem:s28+$0x18600]  }
0x13e: {  	v2 =	vld [tilespmem:s28+$0x18680];
	_ =	sdelay $0x1  }
0x13f: {  	v3 =	vld [tilespmem:s28+$0x18700];
	_ =	sdelay $0x1  }
0x140: {  	v4 =	vld [tilespmem:s28+$0x18780]  }
0x141: {  	v1 =	vadd.f32 v2, v1  }
0x142: {  	v2 =	vld [tilespmem:s28+$0x18800]  }
0x143: {  	v1 =	vadd.f32 v3, v1  }
0x144: {  	v3 =	vld [tilespmem:s28+$0x18880]  }
0x145: {  	v1 =	vadd.f32 v4, v1  }
0x146: {  	v4 =	vld [tilespmem:s28+$0x18900]  }
0x147: {  	v1 =	vadd.f32 v2, v1  }
0x148: {  	v2 =	vld [tilespmem:s28+$0x18980]  }
0x149: {  	s7 =	simm.s32 $0x10;
	v5 =	vld [tilespmem:s28+$0x18A00];
	v1 =	vadd.f32 v3, v1  }
0x14a: {  	v6 =	vld [tilespmem:s7+$0x18600]  }
0x14b: {  	v3 =	vld [tilespmem:s28+$0x18A80];
	v1 =	vadd.f32 v4, v1  }
0x14c: {  	v4 =	vld [tilespmem:s7+$0x18680]  }
0x14d: {  	v7 =	vld [tilespmem:s7+$0x18700];
	v1 =	vadd.f32 v2, v1  }
0x14e: {  	v2 =	vld [tilespmem:s28+$0x18B00]  }
0x14f: {  	v8 =	vld [tilespmem:s7+$0x18780];
	v1 =	vadd.f32 v5, v1  }
0x150: {  	v5 =	vld [tilespmem:s28+$0x18B80]  }
0x151: {  	v4 =	vadd.f32 v4, v6;
	v6 =	vld [tilespmem:s7+$0x18800];
	v1 =	vadd.f32 v3, v1  }
0x152: {  	v3 =	vld [tilespmem:s28+$0x18C00]  }
0x153: {  	v4 =	vadd.f32 v7, v4;
	v7 =	vld [tilespmem:s7+$0x18880];
	v1 =	vadd.f32 v2, v1  }
0x154: {  	v2 =	vld [tilespmem:s28+$0x18C80]  }
0x155: {  	v62 =	vld [tilespmem:s7+$0x18900];
	v4 =	vadd.f32 v8, v4;
	v1 =	vadd.f32 v5, v1  }
0x156: {  	v8 =	vld [tilespmem:s28+$0x18D00]  }
0x157: {  	v5 =	vadd.f32 v6, v4;
	v4 =	vld [tilespmem:s7+$0x18980];
	v6 =	vadd.f32 v3, v1  }
0x158: {  	v3 =	vld [tilespmem:s28+$0x18D80]  }
0x159: {  	v1 =	vld [tilespmem:s7+$0x18A80];
	v7 =	vadd.f32 v7, v5;
	v63 =	vadd.f32 v2, v6  }
0x15a: {  	s8 =	simm.s32 $0x20;
	v5 =	vld [tilespmem:s7+$0x18A00]  }
0x15b: {  	s29 =	simm.s32 $0xC0;
	v2 =	vld [tilespmem:s8+$0x18600];
	v6 =	vadd.f32 v62, v7;
	v7 =	vadd.f32 v8, v63  }
.LBB2_8:
0x15c: {  	p0 =	sne.s32 s29, $0x1C0;
	v8 =	vld [tilespmem:s8+$0x18680]  }
0x15d: {  	v4 =	vadd.f32 v4, v6;
	v6 =	vld [tilespmem:s7+$0x18B00];
	v3 =	vadd.f32 v3, v7  }
0x15e: {  	v7 =	vld [tilespmem:s8+$0x18700]  }
0x15f: {  	v4 =	vadd.f32 v5, v4;
	v5 =	vld [tilespmem:s7+$0x18B80];
	[tilespmem:s28+$0x18E80] =	vst v3;
	s28 =	smov.u32 s7;
	s7 =	smov.u32 s8  }
0x160: {  	v3 =	vld [tilespmem:s7+$0x18780]  }
0x161: {  	v2 =	vadd.f32 v8, v2;
	v1 =	vadd.f32 v1, v4;
	v4 =	vld [tilespmem:s28+$0x18C00]  }
0x162: {  	v8 =	vld [tilespmem:s7+$0x18800]  }
0x163: {  	v2 =	vadd.f32 v7, v2;
	v1 =	vadd.f32 v6, v1;
	v6 =	vld [tilespmem:s28+$0x18C80]  }
0x164: {  	v7 =	vld [tilespmem:s7+$0x18880]  }
0x165: {  	v2 =	vadd.f32 v3, v2;
	v1 =	vadd.f32 v5, v1;
	v9 =	vld [tilespmem:s28+$0x18D00]  }
0x166: {  	v10 =	vld [tilespmem:s7+$0x18900]  }
.Ltmp3:
0x167: {  	v2 =	vadd.f32 v8, v2;
	v5 =	vadd.f32 v4, v1;
	v3 =	vld [tilespmem:s28+$0x18D80];
	(pc) =	sbr.rel @p0 .LBB2_8-.Ltmp3, $4  }
0x168: {  	v4 =	vld [tilespmem:s7+$0x18980]  }
0x169: {  	v7 =	vadd.f32 v7, v2;
	v1 =	vld [tilespmem:s7+$0x18A80];
	v8 =	vadd.f32 v6, v5  }
0x16a: {  	s8 =	sshra.s32 s29, $0x2;
	v5 =	vld [tilespmem:s7+$0x18A00]  }
0x16b: {  	s29 =	sadd.s32 $0x40, s29;
	v2 =	vld [tilespmem:s8+$0x18600];
	v6 =	vadd.f32 v10, v7;
	v7 =	vadd.f32 v9, v8  }
0x16c: {  	v8 =	vld [tilespmem:s8+$0x18680]  }
0x16d: {  	v9 =	vld [tilespmem:s7+$0x18B00];
	v3 =	vadd.f32 v3, v7  }
0x16e: {  	v7 =	vld [tilespmem:s8+$0x18700]  }
0x16f: {  	v10 =	vld [tilespmem:s7+$0x18B80];
	v4 =	vadd.f32 v4, v6;
	[tilespmem:s28+$0x18E80] =	vst v3  }
0x170: {  	v3 =	vld [tilespmem:s8+$0x18780]  }
0x171: {  	v4 =	vadd.f32 v5, v4;
	v2 =	vadd.f32 v8, v2  }
0x172: {  	v5 =	vld [tilespmem:s8+$0x18800]  }
0x173: {  	v6 =	vld [tilespmem:s8+$0x18880];
	v1 =	vadd.f32 v1, v4;
	v2 =	vadd.f32 v7, v2  }
0x174: {  	v4 =	vld [tilespmem:s7+$0x18C00]  }
0x175: {  	v1 =	vadd.f32 v9, v1;
	v7 =	vld [tilespmem:s7+$0x18C80];
	v2 =	vadd.f32 v3, v2  }
0x176: {  	v3 =	vld [tilespmem:s8+$0x18900]  }
0x177: {  	v8 =	vld [tilespmem:s7+$0x18D00];
	v1 =	vadd.f32 v10, v1;
	v2 =	vadd.f32 v5, v2  }
0x178: {  	v5 =	vld [tilespmem:s8+$0x18980]  }
0x179: {  	v1 =	vadd.f32 v4, v1;
	v4 =	vld [tilespmem:s7+$0x18D80];
	v2 =	vadd.f32 v6, v2  }
0x17a: {  	v6 =	vld [tilespmem:s8+$0x18A00]  }
0x17b: {  	v1 =	vadd.f32 v7, v1;
	v2 =	vadd.f32 v3, v2  }
0x17c: {  	v3 =	vld [tilespmem:s8+$0x18A80]  }
0x17d: {  	v1 =	vadd.f32 v8, v1;
	v2 =	vadd.f32 v5, v2  }
0x17e: {  	v5 =	vld [tilespmem:s8+$0x18B00]  }
0x17f: {  	v1 =	vadd.f32 v4, v1;
	v2 =	vadd.f32 v6, v2  }
0x180: {  	v4 =	vld [tilespmem:s8+$0x18B80]  }
0x181: {  	[tilespmem:s7+$0x18E80] =	vst v1;
	v1 =	vadd.f32 v3, v2  }
0x182: {  	v2 =	vld [tilespmem:s8+$0x18C00]  }
0x183: {  	v1 =	vadd.f32 v5, v1  }
0x184: {  	v3 =	vld [tilespmem:s8+$0x18C80]  }
0x185: {  	v1 =	vadd.f32 v4, v1  }
0x186: {  	v4 =	vld [tilespmem:s8+$0x18D00]  }
0x187: {  	v1 =	vadd.f32 v2, v1  }
0x188: {  	v2 =	vld [tilespmem:s8+$0x18D80]  }
0x189: {  	v1 =	vadd.f32 v3, v1;
	_ =	sdelay $0x1  }
0x18a: {  	v1 =	vadd.f32 v4, v1;
	_ =	sdelay $0x1  }
0x18b: {  	v1 =	vadd.f32 v2, v1;
	_ =	sdelay $0x1  }
0x18c: {  	[tilespmem:s8+$0x18E80] =	vst v1;
	s8 =	simm.s32 $0x180  }
0x18d: {  	[tilespmem:s21], [sflag:$0x2] =	stream.indirect.gather [hbm4b:s3+s22], $0x80, s8, s22, $0xb8;
	[tilespmem:$0x19000] =	vst v63  }
0x18e: {  	_ = 	snop  }
0x18f: {  	[tilespmem:s23], [sflag:$0x2] =	stream.indirect.gather [hbm4b:s3+s22], $0x80, s31, s22, $0xb8;
	[tilespmem:$0x19000] =	vst v63  }
0x190: {  	s8 =	simm.s32 $0x380  }
0x191: {  	[tilespmem:s24], [sflag:$0x2] =	stream.indirect.gather [hbm4b:s4+s22], $0x80, s8, s22, $0xb8;
	[tilespmem:$0x19000] =	vst v63  }
0x192: {  	_ =	swait.ge [sflag:s25], $0x4000  }
0x193: {  	[sflag:s25] =	ssyncset.done $0x0  }
0x194: {  	[sflag:s25] =	ssyncadd.s32 $0xFFFFC000  }
0x195: {  	_ =	swait.ge [sflag:s25], $0x4000  }
0x196: {  	[sflag:s25] =	ssyncset.done $0x0  }
0x197: {  	[sflag:s25] =	ssyncadd.s32 $0xFFFFC000  }
0x198: {  	_ =	swait.ge [sflag:s25], $0x4000  }
0x199: {  	[sflag:s25] =	ssyncset.done $0x0  }
0x19a: {  	s28 =	simm.s32 $0x640;
	[sflag:s25] =	ssyncadd.s32 $0xFFFFC000  }
0x19b: {  	v1 =	vld [tilespmem:s28+$0x10]  }
0x19c: {  	v2 =	vld [tilespmem:s28+$0xFFFFFFD0]  }
0x19d: {  	v4 =	vld [tilespmem:s28+$0x0]  }
0x19e: {  	s30 =	simm.s32 $0x8640;
	v5 =	vld [tilespmem:s28+$0xFFFFFFC0]  }
0x19f: {  	v3 =	vld [tilespmem:s30+$0xFFFFFFE0]  }
0x1a0: {  	s29 =	simm.s32 $0x4640;
	v6 =	vld [tilespmem:s30+$0xFFFFFFC0]  }
0x1a1: {  	v7 =	vld [tilespmem:s29+$0xFFFFFFC0]  }
0x1a2: {  	v8 =	vld [tilespmem:s30+$0x0]  }
0x1a3: {  	s7 =	simm.s32 $0x0;
	s8 =	simm.s32 $0x1;
	v9 =	vld [tilespmem:s29+$0x0]  }
.LBB2_10:
0x1a4: {  	p0 =	sne.s32 s8, $0x7F;
	v10 =	vld [tilespmem:s30+$0xFFFFFFD0]  }
0x1a5: {  	v11 =	vld [tilespmem:s29+$0xFFFFFFD0]  }
0x1a6: {  	v12 =	vld [tilespmem:s30+$0x10]  }
0x1a7: {  	v13 =	vld [tilespmem:s29+$0x10]  }
0x1a8: {  	v14 =	vmul.f32 v6, v7;
	v15 =	vmul.f32 v8, v9;
	v16 =	vld [tilespmem:s29+$0xFFFFFFE0]  }
0x1a9: {  	v17 =	vld [tilespmem:s30+$0x20]  }
0x1aa: {  	v7 =	vmul.f32 v8, v7;
	v6 =	vmul.f32 v6, v9;
	v14 =	vadd.f32 v15, v14;
	v8 =	vld [tilespmem:s29+$0x20]  }
0x1ab: {  	v9 =	vmul.f32 v10, v11;
	v15 =	vld [tilespmem:s30+$0xFFFFFFF0]  }
0x1ac: {  	v6 =	vsub.f32 v6, v7;
	v5 =	vmul.f32 v14, v5;
	v7 =	vmul.f32 v12, v13;
	v14 =	vld [tilespmem:s29+$0xFFFFFFF0]  }
0x1ad: {  	v11 =	vmul.f32 v12, v11;
	v10 =	vmul.f32 v10, v13;
	v12 =	vld [tilespmem:s30+$0x30]  }
0x1ae: {  	v4 =	vmul.f32 v6, v4;
	v5 =	vadd.f32 $0.0e+00, v5;
	v6 =	vadd.f32 v7, v9;
	v7 =	vld [tilespmem:s29+$0x30]  }
0x1af: {  	v13 =	vmul.f32 v3, v16;
	v9 =	vld [tilespmem:s28+$0xFFFFFFE0];
	v18 =	vmul.f32 v17, v8  }
0x1b0: {  	v4 =	vadd.f32 v5, v4;
	v5 =	vsub.f32 v10, v11;
	v2 =	vmul.f32 v6, v2  }
0x1b1: {  	v3 =	vmul.f32 v3, v8;
	v8 =	vmul.f32 v17, v16;
	v6 =	vld [tilespmem:s28+$0x20]  }
0x1b2: {  	v2 =	vadd.f32 v2, v4;
	v1 =	vmul.f32 v5, v1;
	v4 =	vadd.f32 v18, v13  }
0x1b3: {  	v10 =	vmul.f32 v15, v14;
	v5 =	vld [tilespmem:s28+$0xFFFFFFF0];
	v11 =	vmul.f32 v12, v7  }
0x1b4: {  	v1 =	vadd.f32 v2, v1;
	v2 =	vsub.f32 v3, v8;
	v3 =	vmul.f32 v4, v9  }
0x1b5: {  	v7 =	vmul.f32 v15, v7;
	v8 =	vmul.f32 v12, v14;
	v4 =	vld [tilespmem:s28+$0x30]  }
0x1b6: {  	v1 =	vadd.f32 v3, v1;
	v2 =	vmul.f32 v2, v6;
	v3 =	vadd.f32 v11, v10;
	_ =	sdelay $0x1  }
0x1b7: {  	v1 =	vadd.f32 v1, v2;
	v2 =	vsub.f32 v7, v8;
	v3 =	vmul.f32 v3, v5  }
0x1b8: {  	v5 =	vor.u32 s7, v0;
	s7 =	smov.u32 s8  }
0x1b9: {  	v1 =	vadd.f32 v3, v1;
	v2 =	vmul.f32 v2, v4;
	_ =	sdelay $0x1  }
0x1ba: {  	v1 =	vadd.f32 v1, v2;
	_ =	sdelay $0x1  }
0x1bb: {  	s28 =	sadd.s32 $0x80, s28;
	[tilespmem:v5+s5+$0x0] =	vst.idx.msk $0xffff, v1  }
0x1bc: {  	v1 =	vld [tilespmem:s28+$0x10]  }
0x1bd: {  	v2 =	vld [tilespmem:s28+$0xFFFFFFD0]  }
0x1be: {  	v4 =	vld [tilespmem:s28+$0x0]  }
0x1bf: {  	s30 =	sadd.s32 $0x80, s30;
	v5 =	vld [tilespmem:s28+$0xFFFFFFC0]  }
.Ltmp4:
0x1c0: {  	v3 =	vld [tilespmem:s30+$0xFFFFFFE0];
	(pc) =	sbr.rel @p0 .LBB2_10-.Ltmp4, $4  }
0x1c1: {  	s29 =	sadd.s32 $0x80, s29;
	v6 =	vld [tilespmem:s30+$0xFFFFFFC0]  }
0x1c2: {  	v7 =	vld [tilespmem:s29+$0xFFFFFFC0]  }
0x1c3: {  	v8 =	vld [tilespmem:s30+$0x0]  }
0x1c4: {  	s8 =	sadd.s32 $0x1, s8;
	v9 =	vld [tilespmem:s29+$0x0]  }
0x1c5: {  	v10 =	vld [tilespmem:s30+$0xFFFFFFD0]  }
0x1c6: {  	v11 =	vld [tilespmem:s29+$0xFFFFFFD0]  }
0x1c7: {  	v12 =	vld [tilespmem:s30+$0x10]  }
0x1c8: {  	v13 =	vld [tilespmem:s29+$0x10]  }
0x1c9: {  	v16 =	vld [tilespmem:s29+$0xFFFFFFE0];
	v14 =	vmul.f32 v6, v7;
	v15 =	vmul.f32 v8, v9  }
0x1ca: {  	v17 =	vld [tilespmem:s30+$0x20]  }
0x1cb: {  	v7 =	vmul.f32 v8, v7;
	v6 =	vmul.f32 v6, v9;
	v8 =	vld [tilespmem:s29+$0x20];
	v14 =	vadd.f32 v15, v14  }
0x1cc: {  	v55 =	vld [tilespmem:s30+$0xFFFFFFF0];
	v54 =	vmul.f32 v10, v11  }
0x1cd: {  	v56 =	vld [tilespmem:s29+$0xFFFFFFF0];
	v6 =	vsub.f32 v6, v7;
	v7 =	vmul.f32 v12, v13;
	v5 =	vmul.f32 v14, v5  }
0x1ce: {  	v57 =	vld [tilespmem:s30+$0x30];
	v10 =	vmul.f32 v10, v13;
	v11 =	vmul.f32 v12, v11  }
0x1cf: {  	v4 =	vmul.f32 v6, v4;
	v6 =	vadd.f32 v7, v54;
	v7 =	vld [tilespmem:s29+$0x30];
	v5 =	vadd.f32 $0.0e+00, v5  }
0x1d0: {  	v58 =	vld [tilespmem:s28+$0xFFFFFFE0];
	v59 =	vmul.f32 v3, v16;
	v18 =	vmul.f32 v17, v8  }
0x1d1: {  	v2 =	vmul.f32 v6, v2;
	v4 =	vadd.f32 v5, v4;
	v5 =	vsub.f32 v10, v11  }
0x1d2: {  	v3 =	vmul.f32 v3, v8;
	v8 =	vmul.f32 v17, v16;
	v6 =	vld [tilespmem:s28+$0x20]  }
0x1d3: {  	v2 =	vadd.f32 v2, v4;
	v1 =	vmul.f32 v5, v1;
	v4 =	vadd.f32 v18, v59  }
0x1d4: {  	v60 =	vmul.f32 v55, v56;
	v61 =	vmul.f32 v57, v7;
	v5 =	vld [tilespmem:s28+$0xFFFFFFF0]  }
0x1d5: {  	v1 =	vadd.f32 v2, v1;
	v2 =	vsub.f32 v3, v8;
	v3 =	vmul.f32 v4, v58  }
0x1d6: {  	v7 =	vmul.f32 v55, v7;
	v4 =	vld [tilespmem:s28+$0x30];
	v8 =	vmul.f32 v57, v56  }
0x1d7: {  	v1 =	vadd.f32 v3, v1;
	v2 =	vmul.f32 v2, v6;
	v3 =	vadd.f32 v61, v60;
	_ =	sdelay $0x1  }
0x1d8: {  	v1 =	vadd.f32 v1, v2;
	v2 =	vsub.f32 v7, v8;
	v3 =	vmul.f32 v3, v5  }
0x1d9: {  	v5 =	vor.u32 s7, v0  }
0x1da: {  	v1 =	vadd.f32 v3, v1;
	v2 =	vmul.f32 v2, v4;
	_ =	sdelay $0x1  }
0x1db: {  	v1 =	vadd.f32 v1, v2;
	_ =	sdelay $0x1  }
0x1dc: {  	s28 =	simm.s32 $0x0;
	[tilespmem:v5+s5+$0x0] =	vst.idx.msk $0xffff, v1  }
0x1dd: {  	v1 =	vld [tilespmem:s28+$0x18600]  }
0x1de: {  	v2 =	vld [tilespmem:s28+$0x18680];
	_ =	sdelay $0x1  }
0x1df: {  	v3 =	vld [tilespmem:s28+$0x18700];
	_ =	sdelay $0x1  }
0x1e0: {  	v4 =	vld [tilespmem:s28+$0x18780]  }
0x1e1: {  	v1 =	vadd.f32 v2, v1  }
0x1e2: {  	v2 =	vld [tilespmem:s28+$0x18800]  }
0x1e3: {  	v1 =	vadd.f32 v3, v1  }
0x1e4: {  	v3 =	vld [tilespmem:s28+$0x18880]  }
0x1e5: {  	v1 =	vadd.f32 v4, v1  }
0x1e6: {  	v4 =	vld [tilespmem:s28+$0x18900]  }
0x1e7: {  	v1 =	vadd.f32 v2, v1  }
0x1e8: {  	v2 =	vld [tilespmem:s28+$0x18980]  }
0x1e9: {  	s7 =	simm.s32 $0x10;
	v5 =	vld [tilespmem:s28+$0x18A00];
	v1 =	vadd.f32 v3, v1  }
0x1ea: {  	v6 =	vld [tilespmem:s7+$0x18600]  }
0x1eb: {  	v3 =	vld [tilespmem:s28+$0x18A80];
	v1 =	vadd.f32 v4, v1  }
0x1ec: {  	v4 =	vld [tilespmem:s7+$0x18680]  }
0x1ed: {  	v7 =	vld [tilespmem:s7+$0x18700];
	v1 =	vadd.f32 v2, v1  }
0x1ee: {  	v2 =	vld [tilespmem:s28+$0x18B00]  }
0x1ef: {  	v8 =	vld [tilespmem:s7+$0x18780];
	v1 =	vadd.f32 v5, v1  }
0x1f0: {  	v5 =	vld [tilespmem:s28+$0x18B80]  }
0x1f1: {  	v4 =	vadd.f32 v4, v6;
	v6 =	vld [tilespmem:s7+$0x18800];
	v1 =	vadd.f32 v3, v1  }
0x1f2: {  	v3 =	vld [tilespmem:s28+$0x18C00]  }
0x1f3: {  	v4 =	vadd.f32 v7, v4;
	v7 =	vld [tilespmem:s7+$0x18880];
	v1 =	vadd.f32 v2, v1  }
0x1f4: {  	v2 =	vld [tilespmem:s28+$0x18C80]  }
0x1f5: {  	v62 =	vld [tilespmem:s7+$0x18900];
	v4 =	vadd.f32 v8, v4;
	v1 =	vadd.f32 v5, v1  }
0x1f6: {  	v8 =	vld [tilespmem:s28+$0x18D00]  }
0x1f7: {  	v5 =	vadd.f32 v6, v4;
	v4 =	vld [tilespmem:s7+$0x18980];
	v6 =	vadd.f32 v3, v1  }
0x1f8: {  	v3 =	vld [tilespmem:s28+$0x18D80]  }
0x1f9: {  	v1 =	vld [tilespmem:s7+$0x18A80];
	v7 =	vadd.f32 v7, v5;
	v63 =	vadd.f32 v2, v6  }
0x1fa: {  	s8 =	simm.s32 $0x20;
	v5 =	vld [tilespmem:s7+$0x18A00]  }
0x1fb: {  	s29 =	simm.s32 $0xC0;
	v2 =	vld [tilespmem:s8+$0x18600];
	v6 =	vadd.f32 v62, v7;
	v7 =	vadd.f32 v8, v63  }
.LBB2_12:
0x1fc: {  	p0 =	sne.s32 s29, $0x1C0;
	v8 =	vld [tilespmem:s8+$0x18680]  }
0x1fd: {  	v4 =	vadd.f32 v4, v6;
	v6 =	vld [tilespmem:s7+$0x18B00];
	v3 =	vadd.f32 v3, v7  }
0x1fe: {  	v7 =	vld [tilespmem:s8+$0x18700]  }
0x1ff: {  	v4 =	vadd.f32 v5, v4;
	v5 =	vld [tilespmem:s7+$0x18B80];
	[tilespmem:s28+$0x18F00] =	vst v3;
	s28 =	smov.u32 s7;
	s7 =	smov.u32 s8  }
0x200: {  	v3 =	vld [tilespmem:s7+$0x18780]  }
0x201: {  	v2 =	vadd.f32 v8, v2;
	v1 =	vadd.f32 v1, v4;
	v4 =	vld [tilespmem:s28+$0x18C00]  }
0x202: {  	v8 =	vld [tilespmem:s7+$0x18800]  }
0x203: {  	v2 =	vadd.f32 v7, v2;
	v1 =	vadd.f32 v6, v1;
	v6 =	vld [tilespmem:s28+$0x18C80]  }
0x204: {  	v7 =	vld [tilespmem:s7+$0x18880]  }
0x205: {  	v2 =	vadd.f32 v3, v2;
	v1 =	vadd.f32 v5, v1;
	v9 =	vld [tilespmem:s28+$0x18D00]  }
0x206: {  	v10 =	vld [tilespmem:s7+$0x18900]  }
.Ltmp5:
0x207: {  	v2 =	vadd.f32 v8, v2;
	v5 =	vadd.f32 v4, v1;
	v3 =	vld [tilespmem:s28+$0x18D80];
	(pc) =	sbr.rel @p0 .LBB2_12-.Ltmp5, $4  }
0x208: {  	v4 =	vld [tilespmem:s7+$0x18980]  }
0x209: {  	v7 =	vadd.f32 v7, v2;
	v1 =	vld [tilespmem:s7+$0x18A80];
	v8 =	vadd.f32 v6, v5  }
0x20a: {  	s8 =	sshra.s32 s29, $0x2;
	v5 =	vld [tilespmem:s7+$0x18A00]  }
0x20b: {  	s29 =	sadd.s32 $0x40, s29;
	v2 =	vld [tilespmem:s8+$0x18600];
	v6 =	vadd.f32 v10, v7;
	v7 =	vadd.f32 v9, v8  }
0x20c: {  	v8 =	vld [tilespmem:s8+$0x18680]  }
0x20d: {  	v9 =	vld [tilespmem:s7+$0x18B00];
	v3 =	vadd.f32 v3, v7  }
0x20e: {  	v7 =	vld [tilespmem:s8+$0x18700]  }
0x20f: {  	v10 =	vld [tilespmem:s7+$0x18B80];
	v4 =	vadd.f32 v4, v6;
	[tilespmem:s28+$0x18F00] =	vst v3  }
0x210: {  	v3 =	vld [tilespmem:s8+$0x18780]  }
0x211: {  	v4 =	vadd.f32 v5, v4;
	v2 =	vadd.f32 v8, v2  }
0x212: {  	v5 =	vld [tilespmem:s8+$0x18800]  }
0x213: {  	v6 =	vld [tilespmem:s8+$0x18880];
	v1 =	vadd.f32 v1, v4;
	v2 =	vadd.f32 v7, v2  }
0x214: {  	v4 =	vld [tilespmem:s7+$0x18C00]  }
0x215: {  	v1 =	vadd.f32 v9, v1;
	v7 =	vld [tilespmem:s7+$0x18C80];
	v2 =	vadd.f32 v3, v2  }
0x216: {  	v3 =	vld [tilespmem:s8+$0x18900]  }
0x217: {  	v8 =	vld [tilespmem:s7+$0x18D00];
	v1 =	vadd.f32 v10, v1;
	v2 =	vadd.f32 v5, v2  }
0x218: {  	v5 =	vld [tilespmem:s8+$0x18980]  }
0x219: {  	v1 =	vadd.f32 v4, v1;
	v4 =	vld [tilespmem:s7+$0x18D80];
	v2 =	vadd.f32 v6, v2  }
0x21a: {  	v6 =	vld [tilespmem:s8+$0x18A00]  }
0x21b: {  	v1 =	vadd.f32 v7, v1;
	v2 =	vadd.f32 v3, v2  }
0x21c: {  	v3 =	vld [tilespmem:s8+$0x18A80]  }
0x21d: {  	v1 =	vadd.f32 v8, v1;
	v2 =	vadd.f32 v5, v2  }
0x21e: {  	v5 =	vld [tilespmem:s8+$0x18B00]  }
0x21f: {  	v1 =	vadd.f32 v4, v1;
	v2 =	vadd.f32 v6, v2  }
0x220: {  	v4 =	vld [tilespmem:s8+$0x18B80]  }
0x221: {  	[tilespmem:s7+$0x18F00] =	vst v1;
	v1 =	vadd.f32 v3, v2  }
0x222: {  	v2 =	vld [tilespmem:s8+$0x18C00]  }
0x223: {  	v1 =	vadd.f32 v5, v1  }
0x224: {  	v3 =	vld [tilespmem:s8+$0x18C80]  }
0x225: {  	v1 =	vadd.f32 v4, v1  }
0x226: {  	v4 =	vld [tilespmem:s8+$0x18D00]  }
0x227: {  	v1 =	vadd.f32 v2, v1  }
0x228: {  	v2 =	vld [tilespmem:s8+$0x18D80]  }
0x229: {  	v1 =	vadd.f32 v3, v1;
	_ =	sdelay $0x1  }
0x22a: {  	v1 =	vadd.f32 v4, v1;
	_ =	sdelay $0x1  }
0x22b: {  	v1 =	vadd.f32 v2, v1;
	_ =	sdelay $0x1  }
0x22c: {  	[tilespmem:s8+$0x18F00] =	vst v1  }
0x22d: {  	_ =	swait.ge [sflag:s26], $0x4000  }
0x22e: {  	[sflag:s26] =	ssyncset.done $0x0  }
0x22f: {  	[sflag:s26] =	ssyncadd.s32 $0xFFFFC000  }
0x230: {  	_ =	swait.ge [sflag:s26], $0x4000  }
0x231: {  	[sflag:s26] =	ssyncset.done $0x0  }
0x232: {  	[sflag:s26] =	ssyncadd.s32 $0xFFFFC000  }
0x233: {  	_ =	swait.ge [sflag:s26], $0x4000  }
0x234: {  	[sflag:s26] =	ssyncset.done $0x0  }
0x235: {  	s28 =	simm.s32 $0xC640;
	[sflag:s26] =	ssyncadd.s32 $0xFFFFC000  }
0x236: {  	v1 =	vld [tilespmem:s28+$0x10]  }
0x237: {  	v2 =	vld [tilespmem:s28+$0xFFFFFFD0]  }
0x238: {  	v4 =	vld [tilespmem:s28+$0x0]  }
0x239: {  	s30 =	simm.s32 $0x14640;
	v5 =	vld [tilespmem:s28+$0xFFFFFFC0]  }
0x23a: {  	v3 =	vld [tilespmem:s30+$0xFFFFFFE0]  }
0x23b: {  	s29 =	simm.s32 $0x10640;
	v6 =	vld [tilespmem:s30+$0xFFFFFFC0]  }
0x23c: {  	v7 =	vld [tilespmem:s29+$0xFFFFFFC0]  }
0x23d: {  	v8 =	vld [tilespmem:s30+$0x0]  }
0x23e: {  	s7 =	simm.s32 $0x0;
	s8 =	simm.s32 $0x1;
	v9 =	vld [tilespmem:s29+$0x0]  }
.LBB2_14:
0x23f: {  	p0 =	sne.s32 s8, $0x7F;
	v10 =	vld [tilespmem:s30+$0xFFFFFFD0]  }
0x240: {  	v11 =	vld [tilespmem:s29+$0xFFFFFFD0]  }
0x241: {  	v12 =	vld [tilespmem:s30+$0x10]  }
0x242: {  	v13 =	vld [tilespmem:s29+$0x10]  }
0x243: {  	v14 =	vmul.f32 v6, v7;
	v15 =	vmul.f32 v8, v9;
	v16 =	vld [tilespmem:s29+$0xFFFFFFE0]  }
0x244: {  	v17 =	vld [tilespmem:s30+$0x20]  }
0x245: {  	v7 =	vmul.f32 v8, v7;
	v6 =	vmul.f32 v6, v9;
	v14 =	vadd.f32 v15, v14;
	v8 =	vld [tilespmem:s29+$0x20]  }
0x246: {  	v9 =	vmul.f32 v10, v11;
	v15 =	vld [tilespmem:s30+$0xFFFFFFF0]  }
0x247: {  	v6 =	vsub.f32 v6, v7;
	v5 =	vmul.f32 v14, v5;
	v7 =	vmul.f32 v12, v13;
	v14 =	vld [tilespmem:s29+$0xFFFFFFF0]  }
0x248: {  	v11 =	vmul.f32 v12, v11;
	v10 =	vmul.f32 v10, v13;
	v12 =	vld [tilespmem:s30+$0x30]  }
0x249: {  	v4 =	vmul.f32 v6, v4;
	v5 =	vadd.f32 $0.0e+00, v5;
	v6 =	vadd.f32 v7, v9;
	v7 =	vld [tilespmem:s29+$0x30]  }
0x24a: {  	v13 =	vmul.f32 v3, v16;
	v9 =	vld [tilespmem:s28+$0xFFFFFFE0];
	v18 =	vmul.f32 v17, v8  }
0x24b: {  	v4 =	vadd.f32 v5, v4;
	v5 =	vsub.f32 v10, v11;
	v2 =	vmul.f32 v6, v2  }
0x24c: {  	v3 =	vmul.f32 v3, v8;
	v8 =	vmul.f32 v17, v16;
	v6 =	vld [tilespmem:s28+$0x20]  }
0x24d: {  	v2 =	vadd.f32 v2, v4;
	v1 =	vmul.f32 v5, v1;
	v4 =	vadd.f32 v18, v13  }
0x24e: {  	v10 =	vmul.f32 v15, v14;
	v5 =	vld [tilespmem:s28+$0xFFFFFFF0];
	v11 =	vmul.f32 v12, v7  }
0x24f: {  	v1 =	vadd.f32 v2, v1;
	v2 =	vsub.f32 v3, v8;
	v3 =	vmul.f32 v4, v9  }
0x250: {  	v7 =	vmul.f32 v15, v7;
	v8 =	vmul.f32 v12, v14;
	v4 =	vld [tilespmem:s28+$0x30]  }
0x251: {  	v1 =	vadd.f32 v3, v1;
	v2 =	vmul.f32 v2, v6;
	v3 =	vadd.f32 v11, v10;
	_ =	sdelay $0x1  }
0x252: {  	v1 =	vadd.f32 v1, v2;
	v2 =	vsub.f32 v7, v8;
	v3 =	vmul.f32 v3, v5  }
0x253: {  	v5 =	vor.u32 s7, v0;
	s7 =	smov.u32 s8  }
0x254: {  	v1 =	vadd.f32 v3, v1;
	v2 =	vmul.f32 v2, v4;
	_ =	sdelay $0x1  }
0x255: {  	v1 =	vadd.f32 v1, v2;
	_ =	sdelay $0x1  }
0x256: {  	s28 =	sadd.s32 $0x80, s28;
	[tilespmem:v5+s5+$0x0] =	vst.idx.msk $0xffff, v1  }
0x257: {  	v1 =	vld [tilespmem:s28+$0x10]  }
0x258: {  	v2 =	vld [tilespmem:s28+$0xFFFFFFD0]  }
0x259: {  	v4 =	vld [tilespmem:s28+$0x0]  }
0x25a: {  	s30 =	sadd.s32 $0x80, s30;
	v5 =	vld [tilespmem:s28+$0xFFFFFFC0]  }
.Ltmp6:
0x25b: {  	v3 =	vld [tilespmem:s30+$0xFFFFFFE0];
	(pc) =	sbr.rel @p0 .LBB2_14-.Ltmp6, $4  }
0x25c: {  	s29 =	sadd.s32 $0x80, s29;
	v6 =	vld [tilespmem:s30+$0xFFFFFFC0]  }
0x25d: {  	v7 =	vld [tilespmem:s29+$0xFFFFFFC0]  }
0x25e: {  	v8 =	vld [tilespmem:s30+$0x0]  }
0x25f: {  	s8 =	sadd.s32 $0x1, s8;
	v9 =	vld [tilespmem:s29+$0x0]  }
0x260: {  	v10 =	vld [tilespmem:s30+$0xFFFFFFD0]  }
0x261: {  	v11 =	vld [tilespmem:s29+$0xFFFFFFD0]  }
0x262: {  	v12 =	vld [tilespmem:s30+$0x10]  }
0x263: {  	v13 =	vld [tilespmem:s29+$0x10]  }
0x264: {  	v16 =	vld [tilespmem:s29+$0xFFFFFFE0];
	v14 =	vmul.f32 v6, v7;
	v15 =	vmul.f32 v8, v9  }
0x265: {  	v17 =	vld [tilespmem:s30+$0x20]  }
0x266: {  	v7 =	vmul.f32 v8, v7;
	v6 =	vmul.f32 v6, v9;
	v8 =	vld [tilespmem:s29+$0x20];
	v14 =	vadd.f32 v15, v14  }
0x267: {  	v55 =	vld [tilespmem:s30+$0xFFFFFFF0];
	v54 =	vmul.f32 v10, v11  }
0x268: {  	v56 =	vld [tilespmem:s29+$0xFFFFFFF0];
	v6 =	vsub.f32 v6, v7;
	v7 =	vmul.f32 v12, v13;
	v5 =	vmul.f32 v14, v5  }
0x269: {  	v57 =	vld [tilespmem:s30+$0x30];
	v10 =	vmul.f32 v10, v13;
	v11 =	vmul.f32 v12, v11  }
0x26a: {  	v4 =	vmul.f32 v6, v4;
	v6 =	vadd.f32 v7, v54;
	v7 =	vld [tilespmem:s29+$0x30];
	v5 =	vadd.f32 $0.0e+00, v5  }
0x26b: {  	v58 =	vld [tilespmem:s28+$0xFFFFFFE0];
	v59 =	vmul.f32 v3, v16;
	v18 =	vmul.f32 v17, v8  }
0x26c: {  	v2 =	vmul.f32 v6, v2;
	v4 =	vadd.f32 v5, v4;
	v5 =	vsub.f32 v10, v11  }
0x26d: {  	v3 =	vmul.f32 v3, v8;
	v8 =	vmul.f32 v17, v16;
	v6 =	vld [tilespmem:s28+$0x20]  }
0x26e: {  	v2 =	vadd.f32 v2, v4;
	v1 =	vmul.f32 v5, v1;
	v4 =	vadd.f32 v18, v59  }
0x26f: {  	v60 =	vmul.f32 v55, v56;
	v61 =	vmul.f32 v57, v7;
	v5 =	vld [tilespmem:s28+$0xFFFFFFF0]  }
0x270: {  	v1 =	vadd.f32 v2, v1;
	v2 =	vsub.f32 v3, v8;
	v3 =	vmul.f32 v4, v58  }
0x271: {  	v7 =	vmul.f32 v55, v7;
	v4 =	vld [tilespmem:s28+$0x30];
	v8 =	vmul.f32 v57, v56  }
0x272: {  	v1 =	vadd.f32 v3, v1;
	v2 =	vmul.f32 v2, v6;
	v3 =	vadd.f32 v61, v60;
	_ =	sdelay $0x1  }
0x273: {  	v1 =	vadd.f32 v1, v2;
	v2 =	vsub.f32 v7, v8;
	v3 =	vmul.f32 v3, v5  }
0x274: {  	v5 =	vor.u32 s7, v0  }
0x275: {  	v1 =	vadd.f32 v3, v1;
	v2 =	vmul.f32 v2, v4;
	_ =	sdelay $0x1  }
0x276: {  	v1 =	vadd.f32 v1, v2;
	_ =	sdelay $0x1  }
0x277: {  	s28 =	simm.s32 $0x0;
	[tilespmem:v5+s5+$0x0] =	vst.idx.msk $0xffff, v1  }
0x278: {  	v1 =	vld [tilespmem:s28+$0x18600]  }
0x279: {  	v2 =	vld [tilespmem:s28+$0x18680];
	_ =	sdelay $0x1  }
0x27a: {  	v3 =	vld [tilespmem:s28+$0x18700];
	_ =	sdelay $0x1  }
0x27b: {  	v4 =	vld [tilespmem:s28+$0x18780]  }
0x27c: {  	v1 =	vadd.f32 v2, v1  }
0x27d: {  	v2 =	vld [tilespmem:s28+$0x18800]  }
0x27e: {  	v1 =	vadd.f32 v3, v1  }
0x27f: {  	v3 =	vld [tilespmem:s28+$0x18880]  }
0x280: {  	v1 =	vadd.f32 v4, v1  }
0x281: {  	v4 =	vld [tilespmem:s28+$0x18900]  }
0x282: {  	v1 =	vadd.f32 v2, v1  }
0x283: {  	v2 =	vld [tilespmem:s28+$0x18980]  }
0x284: {  	s7 =	simm.s32 $0x10;
	v5 =	vld [tilespmem:s28+$0x18A00];
	v1 =	vadd.f32 v3, v1  }
0x285: {  	v6 =	vld [tilespmem:s7+$0x18600]  }
0x286: {  	v3 =	vld [tilespmem:s28+$0x18A80];
	v1 =	vadd.f32 v4, v1  }
0x287: {  	v4 =	vld [tilespmem:s7+$0x18680]  }
0x288: {  	v7 =	vld [tilespmem:s7+$0x18700];
	v1 =	vadd.f32 v2, v1  }
0x289: {  	v2 =	vld [tilespmem:s28+$0x18B00]  }
0x28a: {  	v8 =	vld [tilespmem:s7+$0x18780];
	v1 =	vadd.f32 v5, v1  }
0x28b: {  	v5 =	vld [tilespmem:s28+$0x18B80]  }
0x28c: {  	v4 =	vadd.f32 v4, v6;
	v6 =	vld [tilespmem:s7+$0x18800];
	v1 =	vadd.f32 v3, v1  }
0x28d: {  	v3 =	vld [tilespmem:s28+$0x18C00]  }
0x28e: {  	v4 =	vadd.f32 v7, v4;
	v7 =	vld [tilespmem:s7+$0x18880];
	v1 =	vadd.f32 v2, v1  }
0x28f: {  	v2 =	vld [tilespmem:s28+$0x18C80]  }
0x290: {  	v62 =	vld [tilespmem:s7+$0x18900];
	v4 =	vadd.f32 v8, v4;
	v1 =	vadd.f32 v5, v1  }
0x291: {  	v8 =	vld [tilespmem:s28+$0x18D00]  }
0x292: {  	v5 =	vadd.f32 v6, v4;
	v4 =	vld [tilespmem:s7+$0x18980];
	v6 =	vadd.f32 v3, v1  }
0x293: {  	v3 =	vld [tilespmem:s28+$0x18D80]  }
0x294: {  	v1 =	vld [tilespmem:s7+$0x18A80];
	v7 =	vadd.f32 v7, v5;
	v63 =	vadd.f32 v2, v6  }
0x295: {  	s8 =	simm.s32 $0x20;
	v5 =	vld [tilespmem:s7+$0x18A00]  }
0x296: {  	s29 =	simm.s32 $0xC0;
	v2 =	vld [tilespmem:s8+$0x18600];
	v6 =	vadd.f32 v62, v7;
	v7 =	vadd.f32 v8, v63  }
.LBB2_16:
0x297: {  	p0 =	sne.s32 s29, $0x1C0;
	v8 =	vld [tilespmem:s8+$0x18680]  }
0x298: {  	v4 =	vadd.f32 v4, v6;
	v6 =	vld [tilespmem:s7+$0x18B00];
	v3 =	vadd.f32 v3, v7  }
0x299: {  	v7 =	vld [tilespmem:s8+$0x18700]  }
0x29a: {  	v4 =	vadd.f32 v5, v4;
	v5 =	vld [tilespmem:s7+$0x18B80];
	[tilespmem:s28+$0x18F80] =	vst v3;
	s28 =	smov.u32 s7;
	s7 =	smov.u32 s8  }
0x29b: {  	v3 =	vld [tilespmem:s7+$0x18780]  }
0x29c: {  	v2 =	vadd.f32 v8, v2;
	v1 =	vadd.f32 v1, v4;
	v4 =	vld [tilespmem:s28+$0x18C00]  }
0x29d: {  	v8 =	vld [tilespmem:s7+$0x18800]  }
0x29e: {  	v2 =	vadd.f32 v7, v2;
	v1 =	vadd.f32 v6, v1;
	v6 =	vld [tilespmem:s28+$0x18C80]  }
0x29f: {  	v7 =	vld [tilespmem:s7+$0x18880]  }
0x2a0: {  	v2 =	vadd.f32 v3, v2;
	v1 =	vadd.f32 v5, v1;
	v9 =	vld [tilespmem:s28+$0x18D00]  }
0x2a1: {  	v10 =	vld [tilespmem:s7+$0x18900]  }
.Ltmp7:
0x2a2: {  	v2 =	vadd.f32 v8, v2;
	v5 =	vadd.f32 v4, v1;
	v3 =	vld [tilespmem:s28+$0x18D80];
	(pc) =	sbr.rel @p0 .LBB2_16-.Ltmp7, $4  }
0x2a3: {  	v4 =	vld [tilespmem:s7+$0x18980]  }
0x2a4: {  	v7 =	vadd.f32 v7, v2;
	v1 =	vld [tilespmem:s7+$0x18A80];
	v8 =	vadd.f32 v6, v5  }
0x2a5: {  	s8 =	sshra.s32 s29, $0x2;
	v5 =	vld [tilespmem:s7+$0x18A00]  }
0x2a6: {  	s29 =	sadd.s32 $0x40, s29;
	v2 =	vld [tilespmem:s8+$0x18600];
	v6 =	vadd.f32 v10, v7;
	v7 =	vadd.f32 v9, v8  }
0x2a7: {  	v8 =	vld [tilespmem:s8+$0x18680]  }
0x2a8: {  	v9 =	vld [tilespmem:s7+$0x18B00];
	v3 =	vadd.f32 v3, v7  }
0x2a9: {  	v52 =	vld [tilespmem:s8+$0x18700]  }
0x2aa: {  	v10 =	vld [tilespmem:s7+$0x18B80];
	v4 =	vadd.f32 v4, v6;
	[tilespmem:s28+$0x18F80] =	vst v3  }
0x2ab: {  	v3 =	vld [tilespmem:s8+$0x18780]  }
0x2ac: {  	v4 =	vadd.f32 v5, v4;
	v2 =	vadd.f32 v8, v2  }
0x2ad: {  	v53 =	vld [tilespmem:s8+$0x18800]  }
0x2ae: {  	v54 =	vld [tilespmem:s7+$0x18C00];
	v1 =	vadd.f32 v1, v4;
	v2 =	vadd.f32 v52, v2  }
0x2af: {  	v55 =	vld [tilespmem:s8+$0x18880]  }
0x2b0: {  	v56 =	vld [tilespmem:s7+$0x18C80];
	v1 =	vadd.f32 v9, v1;
	v2 =	vadd.f32 v3, v2  }
0x2b1: {  	v3 =	vld [tilespmem:s8+$0x18900]  }
0x2b2: {  	v57 =	vld [tilespmem:s7+$0x18D00];
	v1 =	vadd.f32 v10, v1;
	v2 =	vadd.f32 v53, v2  }
0x2b3: {  	v58 =	vld [tilespmem:s8+$0x18980]  }
0x2b4: {  	v59 =	vld [tilespmem:s7+$0x18D80];
	v1 =	vadd.f32 v54, v1;
	v2 =	vadd.f32 v55, v2  }
0x2b5: {  	v60 =	vld [tilespmem:s8+$0x18A00]  }
0x2b6: {  	v1 =	vadd.f32 v56, v1;
	v2 =	vadd.f32 v3, v2  }
0x2b7: {  	v3 =	vld [tilespmem:s8+$0x18A80]  }
0x2b8: {  	v1 =	vadd.f32 v57, v1;
	v2 =	vadd.f32 v58, v2  }
0x2b9: {  	v61 =	vld [tilespmem:s8+$0x18B00]  }
0x2ba: {  	v1 =	vadd.f32 v59, v1;
	v2 =	vadd.f32 v60, v2  }
0x2bb: {  	v62 =	vld [tilespmem:s8+$0x18B80]  }
0x2bc: {  	[tilespmem:s7+$0x18F80] =	vst v1;
	v1 =	vadd.f32 v3, v2  }
0x2bd: {  	v2 =	vld [tilespmem:s8+$0x18C00]  }
0x2be: {  	v1 =	vadd.f32 v61, v1  }
0x2bf: {  	v3 =	vld [tilespmem:s8+$0x18C80]  }
0x2c0: {  	v1 =	vadd.f32 v62, v1  }
0x2c1: {  	v63 =	vld [tilespmem:s8+$0x18D00]  }
0x2c2: {  	v1 =	vadd.f32 v2, v1  }
0x2c3: {  	v2 =	vld [tilespmem:s8+$0x18D80]  }
0x2c4: {  	v1 =	vadd.f32 v3, v1;
	_ =	sdelay $0x1  }
0x2c5: {  	v1 =	vadd.f32 v63, v1;
	_ =	sdelay $0x1  }
0x2c6: {  	s6 =	sadd.s32 $0x1, s6;
	v1 =	vadd.f32 v2, v1  }
0x2c7: {  	p0 =	sne.s32 s6, s18  }
.Ltmp8:
0x2c8: {  	s30 =	simm.s32 $0x18E00;
	[tilespmem:s8+$0x18F80] =	vst v1;
	(pc) =	sbr.rel @p0 .LBB2_1-.Ltmp8, $4  }
0x2c9: {  	[hbm4b:s17+s2] =	stream.linear.scatter [tilespmem:s30], [sflag:$0x3], $0x200, $0x38;
	[tilespmem:$0x19000] =	vst v63  }
0x2ca: {  	_ =	swait.ge [sflag:s19], $0x200  }
0x2cb: {  	[sflag:s19] =	ssyncset.done $0x0  }
0x2cc: {  	[sflag:s19] =	ssyncadd.s32 $0xFFFFFE00  }
0x2cd: {  	_ =	sfence.sel $0x180000  }
0x2ce: {  	[bflag:$0x0] =	sbarrier.arrive $0xFFFF  }
0x2cf: {  	_ =	strace $0x90000047  }
0x2d0: {  	s0 =	stileid.u32;
	[bflag:$0x2] =	sbarrier.arrive $0xFFFF  }
0x2d1: {  	p0 =	sne.s32 s0, $0x0;
	s0 =	rddreg [dreg:$0x5]  }
0x2d2: {  	s0 =	sadd.s32 @!p0 $0x100000, s0  }
0x2d3: {  	[sflag:s0] =	ssyncadd.tile.s32 @!p0 $0x1;
	_ =	shalt  }
.Lfunc_end2:
_tile_overlayer_lowered:
.L_overlay_start_2:
0x2d4: {  	(tag) =	ssettag $0x2  }
0x2d5: {  	s0 =	rddreg [dreg:$0x0];
	s2 =	stileid.u32  }
0x2d6: {  	s1 =	rddreg [dreg:$0x1];
	p0 =	sne.s32 s2, $0x0  }
0x2d7: {  	s3 =	rddreg [dreg:$0x2];
	[bflag:$0x3] =	sbarrier.arrive $0xFFFF;
	s2 =	simm.s32 @!p0 $0x1C03  }
0x2d8: {  	[timem:s3], [sflag:s2] =	dma.local @!p0 [hbm:s0], s1  }
0x2d9: {  	s0 =	simm.s32 @!p0 $0x3  }
0x2da: {  	_ =	swait.ge @!p0 [sflag:s0], s1  }
0x2db: {  	s1 =	ssub.s32 @!p0 $0x0, s1;
	[sflag:s0] =	ssyncset.done @!p0 $0x0  }
0x2dc: {  	[sflag:s0] =	ssyncadd.s32 @!p0 s1  }
0x2dd: {  	[bflag:$0x3] =	sbarrier.arrive $0xFFFF  }
0x2de: {  	_ =	shalt  }

</sc_bundles>
